<compile_context>
chip_gen: v7x
topology: tpu7x:2x2x1
jax: 0.10.2.dev20260603
libtpu: 0.0.44.dev20260713+nightly
codegen_flags: <defaults>
</compile_context>

<pallas_src>
import functools

import jax
import jax.numpy as jnp
from jax import lax
from jax.experimental import pallas as pl
from jax.experimental.pallas import tpu as pltpu
from jax.experimental.pallas import tpu_sc as plsc

N = 10000
E = 320000
D = 128
DE = 16

NC = 2
NS = 16
NW = NC * NS
EPW = E // NW
CHUNK = 40
NCHUNK = EPW // CHUNK
NPAD = 10240
RPW = NPAD // NS
RZ = 128



def _head_body(x_ref, w1_ref, b1_ref, w2_ref, b2_ref, o1_ref, o2_ref):
    xb = x_ref[...]
    o1_ref[...] = jnp.maximum(
        jnp.dot(xb, w1_ref[...], preferred_element_type=jnp.float32) + b1_ref[...], 0.0)
    o2_ref[...] = jnp.maximum(
        jnp.dot(xb, w2_ref[...], preferred_element_type=jnp.float32) + b2_ref[...], 0.0)


def _head(x, Wx1, bx1, Wx2, bx2):
    nb = 10
    blk = N // nb
    return pl.pallas_call(
        _head_body,
        grid=(nb,),
        in_specs=[
            pl.BlockSpec((blk, D), lambda i: (i, 0)),
            pl.BlockSpec((D, D), lambda i: (0, 0)),
            pl.BlockSpec((1, D), lambda i: (0, 0)),
            pl.BlockSpec((D, D), lambda i: (0, 0)),
            pl.BlockSpec((1, D), lambda i: (0, 0)),
        ],
        out_specs=[
            pl.BlockSpec((blk, D), lambda i: (i, 0)),
            pl.BlockSpec((blk, D), lambda i: (i, 0)),
        ],
        out_shape=[
            jax.ShapeDtypeStruct((N, D), jnp.float32),
            jax.ShapeDtypeStruct((N, D), jnp.float32),
        ],
    )(x, Wx1, bx1.reshape(1, D), Wx2, bx2.reshape(1, D))


def _edge_body(fe_ref, w_ref, b_ref, o_ref):
    o_ref[...] = lax.dot_general(
        fe_ref[...], w_ref[...], (((0,), (0,)), ((), ())),
        preferred_element_type=jnp.float32) + b_ref[...]


def _edge_linear(fet, We1, be1):
    nb = 50
    blk = E // nb
    return pl.pallas_call(
        _edge_body,
        grid=(nb,),
        in_specs=[
            pl.BlockSpec((DE, blk), lambda i: (0, i)),
            pl.BlockSpec((DE, D), lambda i: (0, 0)),
            pl.BlockSpec((1, D), lambda i: (0, 0)),
        ],
        out_specs=pl.BlockSpec((blk, D), lambda i: (i, 0)),
        out_shape=jax.ShapeDtypeStruct((E, D), jnp.float32),
    )(fet, We1, be1.reshape(1, D))


def _tail_body(a0_ref, a1_ref, c0_ref, c1_ref, x1_ref, x2_ref,
               wl_ref, bl_ref, wr_ref, br_ref, we2_ref, be2_ref,
               wf_ref, bf_ref, o_ref):
    deg = jnp.maximum(c0_ref[...][:, :1] + c1_ref[...][:, :1], 1.0)
    agg = (a0_ref[...] + a1_ref[...]) / deg
    t = (jnp.dot(agg, wl_ref[...], preferred_element_type=jnp.float32) + bl_ref[...]
         + jnp.dot(x1_ref[...], wr_ref[...], preferred_element_type=jnp.float32)
         + br_ref[...])
    h1 = jnp.maximum(
        jnp.dot(t, we2_ref[...], preferred_element_type=jnp.float32) + be2_ref[...], 0.0)
    o_ref[...] = (jnp.dot(h1 + x2_ref[...], wf_ref[...],
                          preferred_element_type=jnp.float32) + bf_ref[...])


def _tail(a0, a1, c0, c1, x1, x2, Wl, bl, Wr, br, We2, be2, Wf, bf):
    nb = 10
    blk = N // nb
    row = lambda i: (i, 0)
    full = lambda i: (0, 0)
    return pl.pallas_call(
        _tail_body,
        grid=(nb,),
        in_specs=[
            pl.BlockSpec((blk, D), row),
            pl.BlockSpec((blk, D), row),
            pl.BlockSpec((blk, D), row),
            pl.BlockSpec((blk, D), row),
            pl.BlockSpec((blk, D), row),
            pl.BlockSpec((blk, D), row),
            pl.BlockSpec((D, D), full),
            pl.BlockSpec((1, D), full),
            pl.BlockSpec((D, D), full),
            pl.BlockSpec((1, D), full),
            pl.BlockSpec((D, D), full),
            pl.BlockSpec((1, D), full),
            pl.BlockSpec((D, D), full),
            pl.BlockSpec((1, D), full),
        ],
        out_specs=pl.BlockSpec((blk, D), row),
        out_shape=jax.ShapeDtypeStruct((N, D), jnp.float32),
    )(a0, a1, c0, c1, x1, x2, Wl, bl.reshape(1, D), Wr, br.reshape(1, D),
      We2, be2.reshape(1, D), Wf, bf.reshape(1, D))



def _sc_body(f1_hbm, src_hbm, dst_hbm, x1_hbm, agg_out, cnt_out,
             agg_sh, f1_v, xg_v, src_v, dst_v, ldsem, gsem, ssem):
    cid = lax.axis_index("c")
    sid = lax.axis_index("s")
    wid = sid * NC + cid

    zero16 = jnp.zeros((16,), jnp.float32)
    one16 = jnp.ones((16,), jnp.float32)

    def fill_f1(p, val16):
        def fill(i, _):
            r = i // (D // 16)
            k = (i % (D // 16)) * 16
            f1_v[p, r, pl.ds(k, 16)] = val16
            return 0
        lax.fori_loop(0, CHUNK * (D // 16), fill, 0)

    def zero_acc():
        for b in range(RPW // CHUNK):
            r0 = sid * RPW + b * CHUNK
            pltpu.sync_copy(f1_v.at[0], agg_sh.at[pl.ds(r0, CHUNK)])

    def write_acc(out):
        for b in range(RPW // RZ):
            r0 = sid * RPW + b * RZ
            pltpu.sync_copy(agg_sh.at[pl.ds(r0, RZ)], out.at[cid, pl.ds(r0, RZ)])

    ebase = wid * EPW

    def issue_loads(t, p, full):
        b = ebase + t * CHUNK
        pltpu.async_copy(dst_hbm.at[pl.ds(b, CHUNK)], dst_v.at[p], ldsem)
        if full:
            pltpu.async_copy(src_hbm.at[pl.ds(b, CHUNK)], src_v.at[p], ldsem)
            pltpu.async_copy(f1_hbm.at[pl.ds(b, CHUNK)], f1_v.at[p], ldsem)

    def wait_loads(p, full):
        pltpu.make_async_copy(dst_hbm.at[pl.ds(0, CHUNK)], dst_v.at[p], ldsem).wait()
        if full:
            pltpu.make_async_copy(src_hbm.at[pl.ds(0, CHUNK)], src_v.at[p], ldsem).wait()
            pltpu.make_async_copy(f1_hbm.at[pl.ds(0, CHUNK)], f1_v.at[p], ldsem).wait()

    def edge_pass(ones_mode, out):
        full = not ones_mode

        def wait_scatter(p):
            sp = p if full else 0
            pltpu.make_async_copy(f1_v.at[sp], agg_sh.at[dst_v.at[p]],
                                  ssem).wait()

        def process(t, p, prefetch_t, guard, swait):
            wait_loads(p, full)
            if full:
                gcp = pltpu.make_async_copy(x1_hbm.at[src_v.at[p]],
                                            xg_v.at[p], gsem)
                gcp.start()
            if swait is None:
                wait_scatter(1 - p)
            else:
                @pl.when(swait)
                def _():
                    wait_scatter(1 - p)
            if guard is None:
                issue_loads(prefetch_t, 1 - p, full)
            else:
                @pl.when(guard)
                def _():
                    issue_loads(prefetch_t, 1 - p, full)
            if full:
                gcp.wait()

                def mul_body(r, _):
                    for k in range(D // 16):
                        f1_v[p, r, pl.ds(k * 16, 16)] = (
                            f1_v[p, r, pl.ds(k * 16, 16)]
                            * xg_v[p, r, pl.ds(k * 16, 16)])
                    return 0
                lax.fori_loop(0, CHUNK, mul_body, 0)
                pltpu.async_copy(f1_v.at[p], agg_sh.at[dst_v.at[p]], ssem,
                                 add=True)
            else:
                pltpu.async_copy(f1_v.at[0], agg_sh.at[dst_v.at[p]], ssem,
                                 add=True)

        issue_loads(0, 0, full)

        def pair_body(g, _):
            t0 = 2 * g
            process(t0, 0, t0 + 1, None, g > 0)
            process(t0 + 1, 1, t0 + 2, t0 + 2 < NCHUNK, None)
            return 0
        lax.fori_loop(0, NCHUNK // 2, pair_body, 0)
        wait_scatter(1)

        plsc.subcore_barrier()
        write_acc(out)
        plsc.subcore_barrier()

    fill_f1(0, zero16)
    zero_acc()
    plsc.subcore_barrier()
    edge_pass(False, agg_out)

    fill_f1(0, zero16)
    zero_acc()
    fill_f1(0, one16)
    plsc.subcore_barrier()
    edge_pass(True, cnt_out)


@functools.cache
def _sc_edge_kernel():
    return pl.kernel(
        _sc_body,
        out_type=(
            jax.ShapeDtypeStruct((NC, NPAD, D), jnp.float32),
            jax.ShapeDtypeStruct((NC, NPAD, D), jnp.float32),
        ),
        mesh=plsc.VectorSubcoreMesh(core_axis_name="c", subcore_axis_name="s",
                                    num_cores=NC, num_subcores=NS),
        scratch_types=[
            pltpu.VMEM_SHARED((NPAD, D), jnp.float32),
            pltpu.VMEM((2, CHUNK, D), jnp.float32),
            pltpu.VMEM((2, CHUNK, D), jnp.float32),
            pltpu.VMEM((2, CHUNK), jnp.int32),
            pltpu.VMEM((2, CHUNK), jnp.int32),
            pltpu.SemaphoreType.DMA,
            pltpu.SemaphoreType.DMA,
            pltpu.SemaphoreType.DMA,
        ],
    )



def kernel(x, t_feature_edge, t_edge_index, Wx1, bx1, Wx2, bx2,
           We1, be1, Wl, bl, Wr, br, We2, be2, Wf, bf):
    x_lin_1, x_lin_2 = _head(x, Wx1, bx1, Wx2, bx2)
    feature1 = _edge_linear(t_feature_edge.T, We1, be1)
    src = t_edge_index[0]
    dst = t_edge_index[1]
    agg_p, cnt_p = _sc_edge_kernel()(feature1, src, dst, x_lin_1)
    return _tail(agg_p[0], agg_p[1], cnt_p[0], cnt_p[1], x_lin_1, x_lin_2,
                 Wl, bl, Wr, br, We2, be2, Wf, bf)

# --- scband reference (transcript-rebuilt; emitter-appended) ---
"""Pipeline reference for scband-protein-gnn-28398323761491 (READ-ONLY COPY).

The authoritative reference and input builder live on the scoring server;
editing this copy changes nothing except your own understanding.
"""

import jax, jax.numpy as jnp
import numpy as np

N = 10000
E = 320000
D = 128
DE = 16


def _linear_params(key, fan_in, fan_out):
    kw, kb = jax.random.split(key)
    s = 1.0 / np.sqrt(fan_in)
    W = jax.random.uniform(kw, (fan_in, fan_out), dtype=jnp.float32, minval=-s, maxval=s)
    b = jax.random.uniform(kb, (fan_out,), dtype=jnp.float32, minval=-s, maxval=s)
    return W, b


def setup_inputs(seed: int = 0) -> dict:
    key = jax.random.key(seed)
    ks = jax.random.split(key, 12)
    inp = {}
    inp["x"] = jax.random.normal(ks[0], (N, D), dtype=jnp.float32)
    inp["t_feature_edge"] = jax.random.normal(ks[1], (E, DE), dtype=jnp.float32)
    inp["t_edge_index"] = jax.random.randint(ks[2], (2, E), 0, N, dtype=jnp.int32)
    inp["Wx1"], inp["bx1"] = _linear_params(ks[3], D, D)
    inp["Wx2"], inp["bx2"] = _linear_params(ks[4], D, D)
    inp["We1"], inp["be1"] = _linear_params(ks[5], DE, D)
    inp["Wl"], inp["bl"] = _linear_params(ks[6], D, D)
    inp["Wr"], inp["br"] = _linear_params(ks[7], D, D)
    inp["We2"], inp["be2"] = _linear_params(ks[8], D, D)
    inp["Wf"], inp["bf"] = _linear_params(ks[9], D, D)
    return inp


def reference(x, t_feature_edge, t_edge_index, Wx1, bx1, Wx2, bx2, We1, be1, Wl, bl, Wr, br, We2, be2, Wf, bf):
    act = jax.nn.relu
    x_lin_1 = act(x @ Wx1 + bx1)
    x_lin_2 = act(x @ Wx2 + bx2)
    feature1 = t_feature_edge @ We1 + be1  # [E, D]
    src = t_edge_index[0]
    dst = t_edge_index[1]
    # EdgeGraphConv: message = edge_weight * x_j (Hadamard), mean-aggregate to dst
    msg = feature1 * jnp.take(x_lin_1, src, axis=0)
    agg = jax.ops.segment_sum(msg, dst, num_segments=N)
    deg = jax.ops.segment_sum(jnp.ones((E,), jnp.float32), dst, num_segments=N)
    agg = agg / jnp.maximum(deg, 1.0)[:, None]
    h1 = (agg @ Wl + bl) + (x_lin_1 @ Wr + br)
    h1 = act(h1 @ We2 + be2)
    # dropout is identity in eval mode
    h = h1 + x_lin_2
    return h @ Wf + bf

if __name__ == "__main__":
    import jax
    _d = setup_inputs()
    print(jax.jit(kernel)(*tuple(_d.values())))

</pallas_src>

<mosaic_0001>
#map = affine_map<(d0, d1) -> (0, 0)>
#map1 = affine_map<(d0, d1) -> (0)>
#map2 = affine_map<(d0, d1) -> (0, 0, 0)>
module attributes {stable_mosaic.version = 14 : i64} {
  func.func @_sc_body(%arg0: i32, %arg1: i32, %arg2: memref<320000x128xf32, #tpu.memory_space<hbm>>, %arg3: memref<320000xi32, #tpu.memory_space<hbm>>, %arg4: memref<320000xi32, #tpu.memory_space<hbm>>, %arg5: memref<10000x128xf32, #tpu.memory_space<hbm>>, %arg6: memref<2x10240x128xf32, #tpu.memory_space<hbm>>, %arg7: memref<2x10240x128xf32, #tpu.memory_space<hbm>>, %arg8: memref<10240x128xf32, #tpu.memory_space<vmem_shared>>, %arg9: memref<2x40x128xf32, #tpu.memory_space<vmem>>, %arg10: memref<2x40x128xf32, #tpu.memory_space<vmem>>, %arg11: memref<2x40xi32, #tpu.memory_space<vmem>>, %arg12: memref<2x40xi32, #tpu.memory_space<vmem>>, %arg13: memref<!tpu.dma_semaphore, #tpu.memory_space<semaphore_mem>>, %arg14: memref<!tpu.dma_semaphore, #tpu.memory_space<semaphore_mem>>, %arg15: memref<!tpu.dma_semaphore, #tpu.memory_space<semaphore_mem>>) attributes {dimension_semantics = [#tpu.dimension_semantics<core_parallel>, #tpu.dimension_semantics<subcore_parallel>], iteration_bounds = array<i64: 2, 16>, scalar_prefetch = 0 : i64, scratch_operands = 8 : i64, tpu.core_type = #tpu.core_type<sc_vector_subcore>, window_params = [{transform_indices = #map}, {transform_indices = #map1}, {transform_indices = #map1}, {transform_indices = #map}, {transform_indices = #map2}, {transform_indices = #map2}]} {
    %mul3A = arith.constant 2 : i32
    %mul3A_0 = arith.muli %arg1, %mul3A : i32
    %add3A = arith.addi %mul3A_0, %arg0 : i32
    %broadcast_in_dim3A = arith.constant 0.000000e+00 : f32
    %broadcast_in_dim3A_1 = vector.broadcast %broadcast_in_dim3A : f32 to vector<16xf32>
    %broadcast_in_dim3A_2 = arith.constant 1.000000e+00 : f32
    %broadcast_in_dim3A_3 = vector.broadcast %broadcast_in_dim3A_2 : f32 to vector<16xf32>
    %mul3A_4 = arith.constant 10000 : i32
    %mul3A_5 = arith.muli %add3A, %mul3A_4 : i32
    %scan3A = arith.constant 0 : i32
    %scan3A_6 = arith.constant 0 : i32
    %scan3A_7 = arith.constant 320 : i32
    %scan3A_8 = arith.addi %scan3A_6, %scan3A_7 : i32
    %scan3A_9 = arith.constant 1 : i32
    %scan3A_10 = scf.for %scan3A_310 = %scan3A_6 to %scan3A_8 step %scan3A_9 iter_args(%scan3A_311 = %scan3A) -> (i32)  : i32 {
      %jit3A = arith.constant 8 : i32
      %div3A = arith.divsi %scan3A_310, %jit3A : i32
      %sign3A = arith.constant 0 : i32
      %sign3A_312 = arith.cmpi sgt, %scan3A_310, %sign3A : i32
      %sign3A_313 = arith.extui %sign3A_312 : i1 to i32
      %sign3A_314 = arith.constant 0 : i32
      %sign3A_315 = arith.cmpi slt, %scan3A_310, %sign3A_314 : i32
      %sign3A_316 = arith.extui %sign3A_315 : i1 to i32
      %sign3A_317 = arith.subi %sign3A_313, %sign3A_316 : i32
      %sign3A_318 = arith.constant 0 : i32
      %sign3A_319 = arith.cmpi sgt, %jit3A, %sign3A_318 : i32
      %sign3A_320 = arith.extui %sign3A_319 : i1 to i32
      %sign3A_321 = arith.constant 0 : i32
      %sign3A_322 = arith.cmpi slt, %jit3A, %sign3A_321 : i32
      %sign3A_323 = arith.extui %sign3A_322 : i1 to i32
      %sign3A_324 = arith.subi %sign3A_320, %sign3A_323 : i32
      %ne3A = arith.cmpi ne, %sign3A_317, %sign3A_324 : i32
      %rem3A = arith.remsi %scan3A_310, %jit3A : i32
      %ne3A_325 = arith.constant 0 : i32
      %ne3A_326 = arith.cmpi ne, %rem3A, %ne3A_325 : i32
      %and3A = arith.andi %ne3A, %ne3A_326 : i1
      %sub3A = arith.constant 1 : i32
      %sub3A_327 = arith.subi %div3A, %sub3A : i32
      %select_n3A = arith.select %and3A, %sub3A_327, %div3A : i32
      %jit3A_328 = arith.constant 8 : i32
      %eq3A = arith.constant 0 : i32
      %eq3A_329 = arith.cmpi eq, %jit3A_328, %eq3A : i32
      %jit3A_330 = arith.constant 1 : i32
      %select_n3A_331 = arith.select %eq3A_329, %jit3A_330, %jit3A_328 : i32
      %rem3A_332 = arith.remsi %scan3A_310, %select_n3A_331 : i32
      %ne3A_333 = arith.constant 0 : i32
      %ne3A_334 = arith.cmpi ne, %rem3A_332, %ne3A_333 : i32
      %lt3A = arith.constant 0 : i32
      %lt3A_335 = arith.cmpi slt, %rem3A_332, %lt3A : i32
      %lt3A_336 = arith.constant 0 : i32
      %lt3A_337 = arith.cmpi slt, %select_n3A_331, %lt3A_336 : i32
      %ne3A_338 = arith.xori %lt3A_335, %lt3A_337 : i1
      %and3A_339 = arith.andi %ne3A_338, %ne3A_334 : i1
      %add3A_340 = arith.addi %rem3A_332, %select_n3A_331 : i32
      %select_n3A_341 = arith.select %and3A_339, %add3A_340, %rem3A_332 : i32
      %mul3A_342 = arith.constant 16 : i32
      %mul3A_343 = arith.muli %select_n3A_341, %mul3A_342 : i32
      %swap3A = arith.constant 0 : i32
      %swap3A_344 = arith.index_cast %swap3A : i32 to index
      %swap3A_345 = arith.index_cast %select_n3A : i32 to index
      %swap3A_346 = arith.index_cast %mul3A_343 : i32 to index
      %swap3A_347 = tpu.vector_load %arg9[%swap3A_344, %swap3A_345, %swap3A_346] {strides = array<i32>} : memref<2x40x128xf32, #tpu.memory_space<vmem>>, vector<1x1x16xf32>,
      %swap3A_348 = vector.shape_cast %swap3A_347 : vector<1x1x16xf32> to vector<16xf32>
      %swap3A_349 = vector.shape_cast %broadcast_in_dim3A_1 : vector<16xf32> to vector<1x1x16xf32>
      tpu.vector_store %arg9[%swap3A_344, %swap3A_345, %swap3A_346], %swap3A_349 {strides = array<i32>} : memref<2x40x128xf32, #tpu.memory_space<vmem>>, vector<1x1x16xf32>,
      %scan3A_350 = arith.constant 0 : i32
      scf.yield %scan3A_350 : i32
    }
    %scan3A_11 = arith.constant 320 : i32
    %mul3A_12 = arith.constant 640 : i32
    %mul3A_13 = arith.muli %arg1, %mul3A_12 : i32
    %add3A_14 = arith.constant 0 : i32
    %add3A_15 = arith.addi %mul3A_13, %add3A_14 : i32
    %run_scoped3A = arith.constant 0 : i32
    "tpu.region"() ({
      %run_scoped3A_310 = tpu.sem_alloc : memref<!tpu.dma_semaphore, #tpu.memory_space<semaphore_mem>>
      %dma_start3A_311 = arith.constant 0 : i32
      %dma_start3A_312 = arith.constant 0 : i32
      %dma_start3A_313 = tpu.memref_slice %arg9[%run_scoped3A, %dma_start3A_311, %dma_start3A_312] : memref<2x40x128xf32, #tpu.memory_space<vmem>> -> memref<1x40x128xf32, #tpu.memory_space<vmem>>
      %dma_start3A_314 = tpu.memref_squeeze %dma_start3A_313 : memref<1x40x128xf32, #tpu.memory_space<vmem>> -> memref<40x128xf32, #tpu.memory_space<vmem>>
      %dma_start3A_315 = arith.constant 0 : i32
      %dma_start3A_316 = tpu.memref_slice %arg8[%add3A_15, %dma_start3A_315] : memref<10240x128xf32, #tpu.memory_space<vmem_shared>> -> memref<40x128xf32, #tpu.memory_space<vmem_shared>>
      %dma_start3A_317 = arith.constant 0 : i32
      %dma_start3A_318 = tpu.memref_slice %arg8[%add3A_15, %dma_start3A_317] : memref<10240x128xf32, #tpu.memory_space<vmem_shared>> -> memref<40x128xf32, #tpu.memory_space<vmem_shared>>
      %dma_start3A_319 = arith.constant 0 : i32
      %dma_start3A_320 = arith.constant 0 : i32
      %dma_start3A_321 = tpu.memref_slice %arg9[%run_scoped3A, %dma_start3A_319, %dma_start3A_320] : memref<2x40x128xf32, #tpu.memory_space<vmem>> -> memref<1x40x128xf32, #tpu.memory_space<vmem>>
      %dma_start3A_322 = tpu.memref_squeeze %dma_start3A_321 : memref<1x40x128xf32, #tpu.memory_space<vmem>> -> memref<40x128xf32, #tpu.memory_space<vmem>>
      tpu.enqueue_dma source(%dma_start3A_322 : memref<40x128xf32, #tpu.memory_space<vmem>>) target(%dma_start3A_318 : memref<40x128xf32, #tpu.memory_space<vmem_shared>>) target_semaphore(%run_scoped3A_310 : memref<!tpu.dma_semaphore, #tpu.memory_space<semaphore_mem>>)
      %dma_wait3A_323 = arith.constant 0 : i32
      %dma_wait3A_324 = arith.constant 0 : i32
      %dma_wait3A_325 = tpu.memref_slice %arg9[%run_scoped3A, %dma_wait3A_323, %dma_wait3A_324] : memref<2x40x128xf32, #tpu.memory_space<vmem>> -> memref<1x40x128xf32, #tpu.memory_space<vmem>>
      %dma_wait3A_326 = tpu.memref_squeeze %dma_wait3A_325 : memref<1x40x128xf32, #tpu.memory_space<vmem>> -> memref<40x128xf32, #tpu.memory_space<vmem>>
      %dma_wait3A_327 = arith.constant 0 : i32
      %dma_wait3A_328 = tpu.memref_slice %arg8[%add3A_15, %dma_wait3A_327] : memref<10240x128xf32, #tpu.memory_space<vmem_shared>> -> memref<40x128xf32, #tpu.memory_space<vmem_shared>>
      %dma_wait3A_329 = arith.constant 0 : i32
      %dma_wait3A_330 = tpu.memref_slice %arg8[%add3A_15, %dma_wait3A_329] : memref<10240x128xf32, #tpu.memory_space<vmem_shared>> -> memref<40x128xf32, #tpu.memory_space<vmem_shared>>
      %dma_wait3A_331 = arith.constant 0 : i32
      %dma_wait3A_332 = arith.constant 0 : i32
      %dma_wait3A_333 = tpu.memref_slice %arg9[%run_scoped3A, %dma_wait3A_331, %dma_wait3A_332] : memref<2x40x128xf32, #tpu.memory_space<vmem>> -> memref<1x40x128xf32, #tpu.memory_space<vmem>>
      %dma_wait3A_334 = tpu.memref_squeeze %dma_wait3A_333 : memref<1x40x128xf32, #tpu.memory_space<vmem>> -> memref<40x128xf32, #tpu.memory_space<vmem>>
      tpu.wait_dma2 semaphore(%run_scoped3A_310 : memref<!tpu.dma_semaphore, #tpu.memory_space<semaphore_mem>>) src(%dma_wait3A_334 : memref<40x128xf32, #tpu.memory_space<vmem>>) dst(%dma_wait3A_330 : memref<40x128xf32, #tpu.memory_space<vmem_shared>>)
      tpu.yield
    }) : () -> ()
    %mul3A_16 = arith.constant 640 : i32
    %mul3A_17 = arith.muli %arg1, %mul3A_16 : i32
    %add3A_18 = arith.constant 40 : i32
    %add3A_19 = arith.addi %mul3A_17, %add3A_18 : i32
    %run_scoped3A_20 = arith.constant 0 : i32
    "tpu.region"() ({
      %run_scoped3A_310 = tpu.sem_alloc : memref<!tpu.dma_semaphore, #tpu.memory_space<semaphore_mem>>
      %dma_start3A_311 = arith.constant 0 : i32
      %dma_start3A_312 = arith.constant 0 : i32
      %dma_start3A_313 = tpu.memref_slice %arg9[%run_scoped3A_20, %dma_start3A_311, %dma_start3A_312] : memref<2x40x128xf32, #tpu.memory_space<vmem>> -> memref<1x40x128xf32, #tpu.memory_space<vmem>>
      %dma_start3A_314 = tpu.memref_squeeze %dma_start3A_313 : memref<1x40x128xf32, #tpu.memory_space<vmem>> -> memref<40x128xf32, #tpu.memory_space<vmem>>
      %dma_start3A_315 = arith.constant 0 : i32
      %dma_start3A_316 = tpu.memref_slice %arg8[%add3A_19, %dma_start3A_315] : memref<10240x128xf32, #tpu.memory_space<vmem_shared>> -> memref<40x128xf32, #tpu.memory_space<vmem_shared>>
      %dma_start3A_317 = arith.constant 0 : i32
      %dma_start3A_318 = tpu.memref_slice %arg8[%add3A_19, %dma_start3A_317] : memref<10240x128xf32, #tpu.memory_space<vmem_shared>> -> memref<40x128xf32, #tpu.memory_space<vmem_shared>>
      %dma_start3A_319 = arith.constant 0 : i32
      %dma_start3A_320 = arith.constant 0 : i32
      %dma_start3A_321 = tpu.memref_slice %arg9[%run_scoped3A_20, %dma_start3A_319, %dma_start3A_320] : memref<2x40x128xf32, #tpu.memory_space<vmem>> -> memref<1x40x128xf32, #tpu.memory_space<vmem>>
      %dma_start3A_322 = tpu.memref_squeeze %dma_start3A_321 : memref<1x40x128xf32, #tpu.memory_space<vmem>> -> memref<40x128xf32, #tpu.memory_space<vmem>>
      tpu.enqueue_dma source(%dma_start3A_322 : memref<40x128xf32, #tpu.memory_space<vmem>>) target(%dma_start3A_318 : memref<40x128xf32, #tpu.memory_space<vmem_shared>>) target_semaphore(%run_scoped3A_310 : memref<!tpu.dma_semaphore, #tpu.memory_space<semaphore_mem>>)
      %dma_wait3A_323 = arith.constant 0 : i32
      %dma_wait3A_324 = arith.constant 0 : i32
      %dma_wait3A_325 = tpu.memref_slice %arg9[%run_scoped3A_20, %dma_wait3A_323, %dma_wait3A_324] : memref<2x40x128xf32, #tpu.memory_space<vmem>> -> memref<1x40x128xf32, #tpu.memory_space<vmem>>
      %dma_wait3A_326 = tpu.memref_squeeze %dma_wait3A_325 : memref<1x40x128xf32, #tpu.memory_space<vmem>> -> memref<40x128xf32, #tpu.memory_space<vmem>>
      %dma_wait3A_327 = arith.constant 0 : i32
      %dma_wait3A_328 = tpu.memref_slice %arg8[%add3A_19, %dma_wait3A_327] : memref<10240x128xf32, #tpu.memory_space<vmem_shared>> -> memref<40x128xf32, #tpu.memory_space<vmem_shared>>
      %dma_wait3A_329 = arith.constant 0 : i32
      %dma_wait3A_330 = tpu.memref_slice %arg8[%add3A_19, %dma_wait3A_329] : memref<10240x128xf32, #tpu.memory_space<vmem_shared>> -> memref<40x128xf32, #tpu.memory_space<vmem_shared>>
      %dma_wait3A_331 = arith.constant 0 : i32
      %dma_wait3A_332 = arith.constant 0 : i32
      %dma_wait3A_333 = tpu.memref_slice %arg9[%run_scoped3A_20, %dma_wait3A_331, %dma_wait3A_332] : memref<2x40x128xf32, #tpu.memory_space<vmem>> -> memref<1x40x128xf32, #tpu.memory_space<vmem>>
      %dma_wait3A_334 = tpu.memref_squeeze %dma_wait3A_333 : memref<1x40x128xf32, #tpu.memory_space<vmem>> -> memref<40x128xf32, #tpu.memory_space<vmem>>
      tpu.wait_dma2 semaphore(%run_scoped3A_310 : memref<!tpu.dma_semaphore, #tpu.memory_space<semaphore_mem>>) src(%dma_wait3A_334 : memref<40x128xf32, #tpu.memory_space<vmem>>) dst(%dma_wait3A_330 : memref<40x128xf32, #tpu.memory_space<vmem_shared>>)
      tpu.yield
    }) : () -> ()
    %mul3A_21 = arith.constant 640 : i32
    %mul3A_22 = arith.muli %arg1, %mul3A_21 : i32
    %add3A_23 = arith.constant 80 : i32
    %add3A_24 = arith.addi %mul3A_22, %add3A_23 : i32
    %run_scoped3A_25 = arith.constant 0 : i32
    "tpu.region"() ({
      %run_scoped3A_310 = tpu.sem_alloc : memref<!tpu.dma_semaphore, #tpu.memory_space<semaphore_mem>>
      %dma_start3A_311 = arith.constant 0 : i32
      %dma_start3A_312 = arith.constant 0 : i32
      %dma_start3A_313 = tpu.memref_slice %arg9[%run_scoped3A_25, %dma_start3A_311, %dma_start3A_312] : memref<2x40x128xf32, #tpu.memory_space<vmem>> -> memref<1x40x128xf32, #tpu.memory_space<vmem>>
      %dma_start3A_314 = tpu.memref_squeeze %dma_start3A_313 : memref<1x40x128xf32, #tpu.memory_space<vmem>> -> memref<40x128xf32, #tpu.memory_space<vmem>>
      %dma_start3A_315 = arith.constant 0 : i32
      %dma_start3A_316 = tpu.memref_slice %arg8[%add3A_24, %dma_start3A_315] : memref<10240x128xf32, #tpu.memory_space<vmem_shared>> -> memref<40x128xf32, #tpu.memory_space<vmem_shared>>
      %dma_start3A_317 = arith.constant 0 : i32
      %dma_start3A_318 = tpu.memref_slice %arg8[%add3A_24, %dma_start3A_317] : memref<10240x128xf32, #tpu.memory_space<vmem_shared>> -> memref<40x128xf32, #tpu.memory_space<vmem_shared>>
      %dma_start3A_319 = arith.constant 0 : i32
      %dma_start3A_320 = arith.constant 0 : i32
      %dma_start3A_321 = tpu.memref_slice %arg9[%run_scoped3A_25, %dma_start3A_319, %dma_start3A_320] : memref<2x40x128xf32, #tpu.memory_space<vmem>> -> memref<1x40x128xf32, #tpu.memory_space<vmem>>
      %dma_start3A_322 = tpu.memref_squeeze %dma_start3A_321 : memref<1x40x128xf32, #tpu.memory_space<vmem>> -> memref<40x128xf32, #tpu.memory_space<vmem>>
      tpu.enqueue_dma source(%dma_start3A_322 : memref<40x128xf32, #tpu.memory_space<vmem>>) target(%dma_start3A_318 : memref<40x128xf32, #tpu.memory_space<vmem_shared>>) target_semaphore(%run_scoped3A_310 : memref<!tpu.dma_semaphore, #tpu.memory_space<semaphore_mem>>)
      %dma_wait3A_323 = arith.constant 0 : i32
      %dma_wait3A_324 = arith.constant 0 : i32
      %dma_wait3A_325 = tpu.memref_slice %arg9[%run_scoped3A_25, %dma_wait3A_323, %dma_wait3A_324] : memref<2x40x128xf32, #tpu.memory_space<vmem>> -> memref<1x40x128xf32, #tpu.memory_space<vmem>>
      %dma_wait3A_326 = tpu.memref_squeeze %dma_wait3A_325 : memref<1x40x128xf32, #tpu.memory_space<vmem>> -> memref<40x128xf32, #tpu.memory_space<vmem>>
      %dma_wait3A_327 = arith.constant 0 : i32
      %dma_wait3A_328 = tpu.memref_slice %arg8[%add3A_24, %dma_wait3A_327] : memref<10240x128xf32, #tpu.memory_space<vmem_shared>> -> memref<40x128xf32, #tpu.memory_space<vmem_shared>>
      %dma_wait3A_329 = arith.constant 0 : i32
      %dma_wait3A_330 = tpu.memref_slice %arg8[%add3A_24, %dma_wait3A_329] : memref<10240x128xf32, #tpu.memory_space<vmem_shared>> -> memref<40x128xf32, #tpu.memory_space<vmem_shared>>
      %dma_wait3A_331 = arith.constant 0 : i32
      %dma_wait3A_332 = arith.constant 0 : i32
      %dma_wait3A_333 = tpu.memref_slice %arg9[%run_scoped3A_25, %dma_wait3A_331, %dma_wait3A_332] : memref<2x40x128xf32, #tpu.memory_space<vmem>> -> memref<1x40x128xf32, #tpu.memory_space<vmem>>
      %dma_wait3A_334 = tpu.memref_squeeze %dma_wait3A_333 : memref<1x40x128xf32, #tpu.memory_space<vmem>> -> memref<40x128xf32, #tpu.memory_space<vmem>>
      tpu.wait_dma2 semaphore(%run_scoped3A_310 : memref<!tpu.dma_semaphore, #tpu.memory_space<semaphore_mem>>) src(%dma_wait3A_334 : memref<40x128xf32, #tpu.memory_space<vmem>>) dst(%dma_wait3A_330 : memref<40x128xf32, #tpu.memory_space<vmem_shared>>)
      tpu.yield
    }) : () -> ()
    %mul3A_26 = arith.constant 640 : i32
    %mul3A_27 = arith.muli %arg1, %mul3A_26 : i32
    %add3A_28 = arith.constant 120 : i32
    %add3A_29 = arith.addi %mul3A_27, %add3A_28 : i32
    %run_scoped3A_30 = arith.constant 0 : i32
    "tpu.region"() ({
      %run_scoped3A_310 = tpu.sem_alloc : memref<!tpu.dma_semaphore, #tpu.memory_space<semaphore_mem>>
      %dma_start3A_311 = arith.constant 0 : i32
      %dma_start3A_312 = arith.constant 0 : i32
      %dma_start3A_313 = tpu.memref_slice %arg9[%run_scoped3A_30, %dma_start3A_311, %dma_start3A_312] : memref<2x40x128xf32, #tpu.memory_space<vmem>> -> memref<1x40x128xf32, #tpu.memory_space<vmem>>
      %dma_start3A_314 = tpu.memref_squeeze %dma_start3A_313 : memref<1x40x128xf32, #tpu.memory_space<vmem>> -> memref<40x128xf32, #tpu.memory_space<vmem>>
      %dma_start3A_315 = arith.constant 0 : i32
      %dma_start3A_316 = tpu.memref_slice %arg8[%add3A_29, %dma_start3A_315] : memref<10240x128xf32, #tpu.memory_space<vmem_shared>> -> memref<40x128xf32, #tpu.memory_space<vmem_shared>>
      %dma_start3A_317 = arith.constant 0 : i32
      %dma_start3A_318 = tpu.memref_slice %arg8[%add3A_29, %dma_start3A_317] : memref<10240x128xf32, #tpu.memory_space<vmem_shared>> -> memref<40x128xf32, #tpu.memory_space<vmem_shared>>
      %dma_start3A_319 = arith.constant 0 : i32
      %dma_start3A_320 = arith.constant 0 : i32
      %dma_start3A_321 = tpu.memref_slice %arg9[%run_scoped3A_30, %dma_start3A_319, %dma_start3A_320] : memref<2x40x128xf32, #tpu.memory_space<vmem>> -> memref<1x40x128xf32, #tpu.memory_space<vmem>>
      %dma_start3A_322 = tpu.memref_squeeze %dma_start3A_321 : memref<1x40x128xf32, #tpu.memory_space<vmem>> -> memref<40x128xf32, #tpu.memory_space<vmem>>
      tpu.enqueue_dma source(%dma_start3A_322 : memref<40x128xf32, #tpu.memory_space<vmem>>) target(%dma_start3A_318 : memref<40x128xf32, #tpu.memory_space<vmem_shared>>) target_semaphore(%run_scoped3A_310 : memref<!tpu.dma_semaphore, #tpu.memory_space<semaphore_mem>>)
      %dma_wait3A_323 = arith.constant 0 : i32
      %dma_wait3A_324 = arith.constant 0 : i32
      %dma_wait3A_325 = tpu.memref_slice %arg9[%run_scoped3A_30, %dma_wait3A_323, %dma_wait3A_324] : memref<2x40x128xf32, #tpu.memory_space<vmem>> -> memref<1x40x128xf32, #tpu.memory_space<vmem>>
      %dma_wait3A_326 = tpu.memref_squeeze %dma_wait3A_325 : memref<1x40x128xf32, #tpu.memory_space<vmem>> -> memref<40x128xf32, #tpu.memory_space<vmem>>
      %dma_wait3A_327 = arith.constant 0 : i32
      %dma_wait3A_328 = tpu.memref_slice %arg8[%add3A_29, %dma_wait3A_327] : memref<10240x128xf32, #tpu.memory_space<vmem_shared>> -> memref<40x128xf32, #tpu.memory_space<vmem_shared>>
      %dma_wait3A_329 = arith.constant 0 : i32
      %dma_wait3A_330 = tpu.memref_slice %arg8[%add3A_29, %dma_wait3A_329] : memref<10240x128xf32, #tpu.memory_space<vmem_shared>> -> memref<40x128xf32, #tpu.memory_space<vmem_shared>>
      %dma_wait3A_331 = arith.constant 0 : i32
      %dma_wait3A_332 = arith.constant 0 : i32
      %dma_wait3A_333 = tpu.memref_slice %arg9[%run_scoped3A_30, %dma_wait3A_331, %dma_wait3A_332] : memref<2x40x128xf32, #tpu.memory_space<vmem>> -> memref<1x40x128xf32, #tpu.memory_space<vmem>>
      %dma_wait3A_334 = tpu.memref_squeeze %dma_wait3A_333 : memref<1x40x128xf32, #tpu.memory_space<vmem>> -> memref<40x128xf32, #tpu.memory_space<vmem>>
      tpu.wait_dma2 semaphore(%run_scoped3A_310 : memref<!tpu.dma_semaphore, #tpu.memory_space<semaphore_mem>>) src(%dma_wait3A_334 : memref<40x128xf32, #tpu.memory_space<vmem>>) dst(%dma_wait3A_330 : memref<40x128xf32, #tpu.memory_space<vmem_shared>>)
      tpu.yield
    }) : () -> ()
    %mul3A_31 = arith.constant 640 : i32
    %mul3A_32 = arith.muli %arg1, %mul3A_31 : i32
    %add3A_33 = arith.constant 160 : i32
    %add3A_34 = arith.addi %mul3A_32, %add3A_33 : i32
    %run_scoped3A_35 = arith.constant 0 : i32
    "tpu.region"() ({
      %run_scoped3A_310 = tpu.sem_alloc : memref<!tpu.dma_semaphore, #tpu.memory_space<semaphore_mem>>
      %dma_start3A_311 = arith.constant 0 : i32
      %dma_start3A_312 = arith.constant 0 : i32
      %dma_start3A_313 = tpu.memref_slice %arg9[%run_scoped3A_35, %dma_start3A_311, %dma_start3A_312] : memref<2x40x128xf32, #tpu.memory_space<vmem>> -> memref<1x40x128xf32, #tpu.memory_space<vmem>>
      %dma_start3A_314 = tpu.memref_squeeze %dma_start3A_313 : memref<1x40x128xf32, #tpu.memory_space<vmem>> -> memref<40x128xf32, #tpu.memory_space<vmem>>
      %dma_start3A_315 = arith.constant 0 : i32
      %dma_start3A_316 = tpu.memref_slice %arg8[%add3A_34, %dma_start3A_315] : memref<10240x128xf32, #tpu.memory_space<vmem_shared>> -> memref<40x128xf32, #tpu.memory_space<vmem_shared>>
      %dma_start3A_317 = arith.constant 0 : i32
      %dma_start3A_318 = tpu.memref_slice %arg8[%add3A_34, %dma_start3A_317] : memref<10240x128xf32, #tpu.memory_space<vmem_shared>> -> memref<40x128xf32, #tpu.memory_space<vmem_shared>>
      %dma_start3A_319 = arith.constant 0 : i32
      %dma_start3A_320 = arith.constant 0 : i32
      %dma_start3A_321 = tpu.memref_slice %arg9[%run_scoped3A_35, %dma_start3A_319, %dma_start3A_320] : memref<2x40x128xf32, #tpu.memory_space<vmem>> -> memref<1x40x128xf32, #tpu.memory_space<vmem>>
      %dma_start3A_322 = tpu.memref_squeeze %dma_start3A_321 : memref<1x40x128xf32, #tpu.memory_space<vmem>> -> memref<40x128xf32, #tpu.memory_space<vmem>>
      tpu.enqueue_dma source(%dma_start3A_322 : memref<40x128xf32, #tpu.memory_space<vmem>>) target(%dma_start3A_318 : memref<40x128xf32, #tpu.memory_space<vmem_shared>>) target_semaphore(%run_scoped3A_310 : memref<!tpu.dma_semaphore, #tpu.memory_space<semaphore_mem>>)
      %dma_wait3A_323 = arith.constant 0 : i32
      %dma_wait3A_324 = arith.constant 0 : i32
      %dma_wait3A_325 = tpu.memref_slice %arg9[%run_scoped3A_35, %dma_wait3A_323, %dma_wait3A_324] : memref<2x40x128xf32, #tpu.memory_space<vmem>> -> memref<1x40x128xf32, #tpu.memory_space<vmem>>
      %dma_wait3A_326 = tpu.memref_squeeze %dma_wait3A_325 : memref<1x40x128xf32, #tpu.memory_space<vmem>> -> memref<40x128xf32, #tpu.memory_space<vmem>>
      %dma_wait3A_327 = arith.constant 0 : i32
      %dma_wait3A_328 = tpu.memref_slice %arg8[%add3A_34, %dma_wait3A_327] : memref<10240x128xf32, #tpu.memory_space<vmem_shared>> -> memref<40x128xf32, #tpu.memory_space<vmem_shared>>
      %dma_wait3A_329 = arith.constant 0 : i32
      %dma_wait3A_330 = tpu.memref_slice %arg8[%add3A_34, %dma_wait3A_329] : memref<10240x128xf32, #tpu.memory_space<vmem_shared>> -> memref<40x128xf32, #tpu.memory_space<vmem_shared>>
      %dma_wait3A_331 = arith.constant 0 : i32
      %dma_wait3A_332 = arith.constant 0 : i32
      %dma_wait3A_333 = tpu.memref_slice %arg9[%run_scoped3A_35, %dma_wait3A_331, %dma_wait3A_332] : memref<2x40x128xf32, #tpu.memory_space<vmem>> -> memref<1x40x128xf32, #tpu.memory_space<vmem>>
      %dma_wait3A_334 = tpu.memref_squeeze %dma_wait3A_333 : memref<1x40x128xf32, #tpu.memory_space<vmem>> -> memref<40x128xf32, #tpu.memory_space<vmem>>
      tpu.wait_dma2 semaphore(%run_scoped3A_310 : memref<!tpu.dma_semaphore, #tpu.memory_space<semaphore_mem>>) src(%dma_wait3A_334 : memref<40x128xf32, #tpu.memory_space<vmem>>) dst(%dma_wait3A_330 : memref<40x128xf32, #tpu.memory_space<vmem_shared>>)
      tpu.yield
    }) : () -> ()
    %mul3A_36 = arith.constant 640 : i32
    %mul3A_37 = arith.muli %arg1, %mul3A_36 : i32
    %add3A_38 = arith.constant 200 : i32
    %add3A_39 = arith.addi %mul3A_37, %add3A_38 : i32
    %run_scoped3A_40 = arith.constant 0 : i32
    "tpu.region"() ({
      %run_scoped3A_310 = tpu.sem_alloc : memref<!tpu.dma_semaphore, #tpu.memory_space<semaphore_mem>>
      %dma_start3A_311 = arith.constant 0 : i32
      %dma_start3A_312 = arith.constant 0 : i32
      %dma_start3A_313 = tpu.memref_slice %arg9[%run_scoped3A_40, %dma_start3A_311, %dma_start3A_312] : memref<2x40x128xf32, #tpu.memory_space<vmem>> -> memref<1x40x128xf32, #tpu.memory_space<vmem>>
      %dma_start3A_314 = tpu.memref_squeeze %dma_start3A_313 : memref<1x40x128xf32, #tpu.memory_space<vmem>> -> memref<40x128xf32, #tpu.memory_space<vmem>>
      %dma_start3A_315 = arith.constant 0 : i32
      %dma_start3A_316 = tpu.memref_slice %arg8[%add3A_39, %dma_start3A_315] : memref<10240x128xf32, #tpu.memory_space<vmem_shared>> -> memref<40x128xf32, #tpu.memory_space<vmem_shared>>
      %dma_start3A_317 = arith.constant 0 : i32
      %dma_start3A_318 = tpu.memref_slice %arg8[%add3A_39, %dma_start3A_317] : memref<10240x128xf32, #tpu.memory_space<vmem_shared>> -> memref<40x128xf32, #tpu.memory_space<vmem_shared>>
      %dma_start3A_319 = arith.constant 0 : i32
      %dma_start3A_320 = arith.constant 0 : i32
      %dma_start3A_321 = tpu.memref_slice %arg9[%run_scoped3A_40, %dma_start3A_319, %dma_start3A_320] : memref<2x40x128xf32, #tpu.memory_space<vmem>> -> memref<1x40x128xf32, #tpu.memory_space<vmem>>
      %dma_start3A_322 = tpu.memref_squeeze %dma_start3A_321 : memref<1x40x128xf32, #tpu.memory_space<vmem>> -> memref<40x128xf32, #tpu.memory_space<vmem>>
      tpu.enqueue_dma source(%dma_start3A_322 : memref<40x128xf32, #tpu.memory_space<vmem>>) target(%dma_start3A_318 : memref<40x128xf32, #tpu.memory_space<vmem_shared>>) target_semaphore(%run_scoped3A_310 : memref<!tpu.dma_semaphore, #tpu.memory_space<semaphore_mem>>)
      %dma_wait3A_323 = arith.constant 0 : i32
      %dma_wait3A_324 = arith.constant 0 : i32
      %dma_wait3A_325 = tpu.memref_slice %arg9[%run_scoped3A_40, %dma_wait3A_323, %dma_wait3A_324] : memref<2x40x128xf32, #tpu.memory_space<vmem>> -> memref<1x40x128xf32, #tpu.memory_space<vmem>>
      %dma_wait3A_326 = tpu.memref_squeeze %dma_wait3A_325 : memref<1x40x128xf32, #tpu.memory_space<vmem>> -> memref<40x128xf32, #tpu.memory_space<vmem>>
      %dma_wait3A_327 = arith.constant 0 : i32
      %dma_wait3A_328 = tpu.memref_slice %arg8[%add3A_39, %dma_wait3A_327] : memref<10240x128xf32, #tpu.memory_space<vmem_shared>> -> memref<40x128xf32, #tpu.memory_space<vmem_shared>>
      %dma_wait3A_329 = arith.constant 0 : i32
      %dma_wait3A_330 = tpu.memref_slice %arg8[%add3A_39, %dma_wait3A_329] : memref<10240x128xf32, #tpu.memory_space<vmem_shared>> -> memref<40x128xf32, #tpu.memory_space<vmem_shared>>
      %dma_wait3A_331 = arith.constant 0 : i32
      %dma_wait3A_332 = arith.constant 0 : i32
      %dma_wait3A_333 = tpu.memref_slice %arg9[%run_scoped3A_40, %dma_wait3A_331, %dma_wait3A_332] : memref<2x40x128xf32, #tpu.memory_space<vmem>> -> memref<1x40x128xf32, #tpu.memory_space<vmem>>
      %dma_wait3A_334 = tpu.memref_squeeze %dma_wait3A_333 : memref<1x40x128xf32, #tpu.memory_space<vmem>> -> memref<40x128xf32, #tpu.memory_space<vmem>>
      tpu.wait_dma2 semaphore(%run_scoped3A_310 : memref<!tpu.dma_semaphore, #tpu.memory_space<semaphore_mem>>) src(%dma_wait3A_334 : memref<40x128xf32, #tpu.memory_space<vmem>>) dst(%dma_wait3A_330 : memref<40x128xf32, #tpu.memory_space<vmem_shared>>)
      tpu.yield
    }) : () -> ()
    %mul3A_41 = arith.constant 640 : i32
    %mul3A_42 = arith.muli %arg1, %mul3A_41 : i32
    %add3A_43 = arith.constant 240 : i32
    %add3A_44 = arith.addi %mul3A_42, %add3A_43 : i32
    %run_scoped3A_45 = arith.constant 0 : i32
    "tpu.region"() ({
      %run_scoped3A_310 = tpu.sem_alloc : memref<!tpu.dma_semaphore, #tpu.memory_space<semaphore_mem>>
      %dma_start3A_311 = arith.constant 0 : i32
      %dma_start3A_312 = arith.constant 0 : i32
      %dma_start3A_313 = tpu.memref_slice %arg9[%run_scoped3A_45, %dma_start3A_311, %dma_start3A_312] : memref<2x40x128xf32, #tpu.memory_space<vmem>> -> memref<1x40x128xf32, #tpu.memory_space<vmem>>
      %dma_start3A_314 = tpu.memref_squeeze %dma_start3A_313 : memref<1x40x128xf32, #tpu.memory_space<vmem>> -> memref<40x128xf32, #tpu.memory_space<vmem>>
      %dma_start3A_315 = arith.constant 0 : i32
      %dma_start3A_316 = tpu.memref_slice %arg8[%add3A_44, %dma_start3A_315] : memref<10240x128xf32, #tpu.memory_space<vmem_shared>> -> memref<40x128xf32, #tpu.memory_space<vmem_shared>>
      %dma_start3A_317 = arith.constant 0 : i32
      %dma_start3A_318 = tpu.memref_slice %arg8[%add3A_44, %dma_start3A_317] : memref<10240x128xf32, #tpu.memory_space<vmem_shared>> -> memref<40x128xf32, #tpu.memory_space<vmem_shared>>
      %dma_start3A_319 = arith.constant 0 : i32
      %dma_start3A_320 = arith.constant 0 : i32
      %dma_start3A_321 = tpu.memref_slice %arg9[%run_scoped3A_45, %dma_start3A_319, %dma_start3A_320] : memref<2x40x128xf32, #tpu.memory_space<vmem>> -> memref<1x40x128xf32, #tpu.memory_space<vmem>>
      %dma_start3A_322 = tpu.memref_squeeze %dma_start3A_321 : memref<1x40x128xf32, #tpu.memory_space<vmem>> -> memref<40x128xf32, #tpu.memory_space<vmem>>
      tpu.enqueue_dma source(%dma_start3A_322 : memref<40x128xf32, #tpu.memory_space<vmem>>) target(%dma_start3A_318 : memref<40x128xf32, #tpu.memory_space<vmem_shared>>) target_semaphore(%run_scoped3A_310 : memref<!tpu.dma_semaphore, #tpu.memory_space<semaphore_mem>>)
      %dma_wait3A_323 = arith.constant 0 : i32
      %dma_wait3A_324 = arith.constant 0 : i32
      %dma_wait3A_325 = tpu.memref_slice %arg9[%run_scoped3A_45, %dma_wait3A_323, %dma_wait3A_324] : memref<2x40x128xf32, #tpu.memory_space<vmem>> -> memref<1x40x128xf32, #tpu.memory_space<vmem>>
      %dma_wait3A_326 = tpu.memref_squeeze %dma_wait3A_325 : memref<1x40x128xf32, #tpu.memory_space<vmem>> -> memref<40x128xf32, #tpu.memory_space<vmem>>
      %dma_wait3A_327 = arith.constant 0 : i32
      %dma_wait3A_328 = tpu.memref_slice %arg8[%add3A_44, %dma_wait3A_327] : memref<10240x128xf32, #tpu.memory_space<vmem_shared>> -> memref<40x128xf32, #tpu.memory_space<vmem_shared>>
      %dma_wait3A_329 = arith.constant 0 : i32
      %dma_wait3A_330 = tpu.memref_slice %arg8[%add3A_44, %dma_wait3A_329] : memref<10240x128xf32, #tpu.memory_space<vmem_shared>> -> memref<40x128xf32, #tpu.memory_space<vmem_shared>>
      %dma_wait3A_331 = arith.constant 0 : i32
      %dma_wait3A_332 = arith.constant 0 : i32
      %dma_wait3A_333 = tpu.memref_slice %arg9[%run_scoped3A_45, %dma_wait3A_331, %dma_wait3A_332] : memref<2x40x128xf32, #tpu.memory_space<vmem>> -> memref<1x40x128xf32, #tpu.memory_space<vmem>>
      %dma_wait3A_334 = tpu.memref_squeeze %dma_wait3A_333 : memref<1x40x128xf32, #tpu.memory_space<vmem>> -> memref<40x128xf32, #tpu.memory_space<vmem>>
      tpu.wait_dma2 semaphore(%run_scoped3A_310 : memref<!tpu.dma_semaphore, #tpu.memory_space<semaphore_mem>>) src(%dma_wait3A_334 : memref<40x128xf32, #tpu.memory_space<vmem>>) dst(%dma_wait3A_330 : memref<40x128xf32, #tpu.memory_space<vmem_shared>>)
      tpu.yield
    }) : () -> ()
    %mul3A_46 = arith.constant 640 : i32
    %mul3A_47 = arith.muli %arg1, %mul3A_46 : i32
    %add3A_48 = arith.constant 280 : i32
    %add3A_49 = arith.addi %mul3A_47, %add3A_48 : i32
    %run_scoped3A_50 = arith.constant 0 : i32
    "tpu.region"() ({
      %run_scoped3A_310 = tpu.sem_alloc : memref<!tpu.dma_semaphore, #tpu.memory_space<semaphore_mem>>
      %dma_start3A_311 = arith.constant 0 : i32
      %dma_start3A_312 = arith.constant 0 : i32
      %dma_start3A_313 = tpu.memref_slice %arg9[%run_scoped3A_50, %dma_start3A_311, %dma_start3A_312] : memref<2x40x128xf32, #tpu.memory_space<vmem>> -> memref<1x40x128xf32, #tpu.memory_space<vmem>>
      %dma_start3A_314 = tpu.memref_squeeze %dma_start3A_313 : memref<1x40x128xf32, #tpu.memory_space<vmem>> -> memref<40x128xf32, #tpu.memory_space<vmem>>
      %dma_start3A_315 = arith.constant 0 : i32
      %dma_start3A_316 = tpu.memref_slice %arg8[%add3A_49, %dma_start3A_315] : memref<10240x128xf32, #tpu.memory_space<vmem_shared>> -> memref<40x128xf32, #tpu.memory_space<vmem_shared>>
      %dma_start3A_317 = arith.constant 0 : i32
      %dma_start3A_318 = tpu.memref_slice %arg8[%add3A_49, %dma_start3A_317] : memref<10240x128xf32, #tpu.memory_space<vmem_shared>> -> memref<40x128xf32, #tpu.memory_space<vmem_shared>>
      %dma_start3A_319 = arith.constant 0 : i32
      %dma_start3A_320 = arith.constant 0 : i32
      %dma_start3A_321 = tpu.memref_slice %arg9[%run_scoped3A_50, %dma_start3A_319, %dma_start3A_320] : memref<2x40x128xf32, #tpu.memory_space<vmem>> -> memref<1x40x128xf32, #tpu.memory_space<vmem>>
      %dma_start3A_322 = tpu.memref_squeeze %dma_start3A_321 : memref<1x40x128xf32, #tpu.memory_space<vmem>> -> memref<40x128xf32, #tpu.memory_space<vmem>>
      tpu.enqueue_dma source(%dma_start3A_322 : memref<40x128xf32, #tpu.memory_space<vmem>>) target(%dma_start3A_318 : memref<40x128xf32, #tpu.memory_space<vmem_shared>>) target_semaphore(%run_scoped3A_310 : memref<!tpu.dma_semaphore, #tpu.memory_space<semaphore_mem>>)
      %dma_wait3A_323 = arith.constant 0 : i32
      %dma_wait3A_324 = arith.constant 0 : i32
      %dma_wait3A_325 = tpu.memref_slice %arg9[%run_scoped3A_50, %dma_wait3A_323, %dma_wait3A_324] : memref<2x40x128xf32, #tpu.memory_space<vmem>> -> memref<1x40x128xf32, #tpu.memory_space<vmem>>
      %dma_wait3A_326 = tpu.memref_squeeze %dma_wait3A_325 : memref<1x40x128xf32, #tpu.memory_space<vmem>> -> memref<40x128xf32, #tpu.memory_space<vmem>>
      %dma_wait3A_327 = arith.constant 0 : i32
      %dma_wait3A_328 = tpu.memref_slice %arg8[%add3A_49, %dma_wait3A_327] : memref<10240x128xf32, #tpu.memory_space<vmem_shared>> -> memref<40x128xf32, #tpu.memory_space<vmem_shared>>
      %dma_wait3A_329 = arith.constant 0 : i32
      %dma_wait3A_330 = tpu.memref_slice %arg8[%add3A_49, %dma_wait3A_329] : memref<10240x128xf32, #tpu.memory_space<vmem_shared>> -> memref<40x128xf32, #tpu.memory_space<vmem_shared>>
      %dma_wait3A_331 = arith.constant 0 : i32
      %dma_wait3A_332 = arith.constant 0 : i32
      %dma_wait3A_333 = tpu.memref_slice %arg9[%run_scoped3A_50, %dma_wait3A_331, %dma_wait3A_332] : memref<2x40x128xf32, #tpu.memory_space<vmem>> -> memref<1x40x128xf32, #tpu.memory_space<vmem>>
      %dma_wait3A_334 = tpu.memref_squeeze %dma_wait3A_333 : memref<1x40x128xf32, #tpu.memory_space<vmem>> -> memref<40x128xf32, #tpu.memory_space<vmem>>
      tpu.wait_dma2 semaphore(%run_scoped3A_310 : memref<!tpu.dma_semaphore, #tpu.memory_space<semaphore_mem>>) src(%dma_wait3A_334 : memref<40x128xf32, #tpu.memory_space<vmem>>) dst(%dma_wait3A_330 : memref<40x128xf32, #tpu.memory_space<vmem_shared>>)
      tpu.yield
    }) : () -> ()
    %mul3A_51 = arith.constant 640 : i32
    %mul3A_52 = arith.muli %arg1, %mul3A_51 : i32
    %add3A_53 = arith.constant 320 : i32
    %add3A_54 = arith.addi %mul3A_52, %add3A_53 : i32
    %run_scoped3A_55 = arith.constant 0 : i32
    "tpu.region"() ({
      %run_scoped3A_310 = tpu.sem_alloc : memref<!tpu.dma_semaphore, #tpu.memory_space<semaphore_mem>>
      %dma_start3A_311 = arith.constant 0 : i32
      %dma_start3A_312 = arith.constant 0 : i32
      %dma_start3A_313 = tpu.memref_slice %arg9[%run_scoped3A_55, %dma_start3A_311, %dma_start3A_312] : memref<2x40x128xf32, #tpu.memory_space<vmem>> -> memref<1x40x128xf32, #tpu.memory_space<vmem>>
      %dma_start3A_314 = tpu.memref_squeeze %dma_start3A_313 : memref<1x40x128xf32, #tpu.memory_space<vmem>> -> memref<40x128xf32, #tpu.memory_space<vmem>>
      %dma_start3A_315 = arith.constant 0 : i32
      %dma_start3A_316 = tpu.memref_slice %arg8[%add3A_54, %dma_start3A_315] : memref<10240x128xf32, #tpu.memory_space<vmem_shared>> -> memref<40x128xf32, #tpu.memory_space<vmem_shared>>
      %dma_start3A_317 = arith.constant 0 : i32
      %dma_start3A_318 = tpu.memref_slice %arg8[%add3A_54, %dma_start3A_317] : memref<10240x128xf32, #tpu.memory_space<vmem_shared>> -> memref<40x128xf32, #tpu.memory_space<vmem_shared>>
      %dma_start3A_319 = arith.constant 0 : i32
      %dma_start3A_320 = arith.constant 0 : i32
      %dma_start3A_321 = tpu.memref_slice %arg9[%run_scoped3A_55, %dma_start3A_319, %dma_start3A_320] : memref<2x40x128xf32, #tpu.memory_space<vmem>> -> memref<1x40x128xf32, #tpu.memory_space<vmem>>
      %dma_start3A_322 = tpu.memref_squeeze %dma_start3A_321 : memref<1x40x128xf32, #tpu.memory_space<vmem>> -> memref<40x128xf32, #tpu.memory_space<vmem>>
      tpu.enqueue_dma source(%dma_start3A_322 : memref<40x128xf32, #tpu.memory_space<vmem>>) target(%dma_start3A_318 : memref<40x128xf32, #tpu.memory_space<vmem_shared>>) target_semaphore(%run_scoped3A_310 : memref<!tpu.dma_semaphore, #tpu.memory_space<semaphore_mem>>)
      %dma_wait3A_323 = arith.constant 0 : i32
      %dma_wait3A_324 = arith.constant 0 : i32
      %dma_wait3A_325 = tpu.memref_slice %arg9[%run_scoped3A_55, %dma_wait3A_323, %dma_wait3A_324] : memref<2x40x128xf32, #tpu.memory_space<vmem>> -> memref<1x40x128xf32, #tpu.memory_space<vmem>>
      %dma_wait3A_326 = tpu.memref_squeeze %dma_wait3A_325 : memref<1x40x128xf32, #tpu.memory_space<vmem>> -> memref<40x128xf32, #tpu.memory_space<vmem>>
      %dma_wait3A_327 = arith.constant 0 : i32
      %dma_wait3A_328 = tpu.memref_slice %arg8[%add3A_54, %dma_wait3A_327] : memref<10240x128xf32, #tpu.memory_space<vmem_shared>> -> memref<40x128xf32, #tpu.memory_space<vmem_shared>>
      %dma_wait3A_329 = arith.constant 0 : i32
      %dma_wait3A_330 = tpu.memref_slice %arg8[%add3A_54, %dma_wait3A_329] : memref<10240x128xf32, #tpu.memory_space<vmem_shared>> -> memref<40x128xf32, #tpu.memory_space<vmem_shared>>
      %dma_wait3A_331 = arith.constant 0 : i32
      %dma_wait3A_332 = arith.constant 0 : i32
      %dma_wait3A_333 = tpu.memref_slice %arg9[%run_scoped3A_55, %dma_wait3A_331, %dma_wait3A_332] : memref<2x40x128xf32, #tpu.memory_space<vmem>> -> memref<1x40x128xf32, #tpu.memory_space<vmem>>
      %dma_wait3A_334 = tpu.memref_squeeze %dma_wait3A_333 : memref<1x40x128xf32, #tpu.memory_space<vmem>> -> memref<40x128xf32, #tpu.memory_space<vmem>>
      tpu.wait_dma2 semaphore(%run_scoped3A_310 : memref<!tpu.dma_semaphore, #tpu.memory_space<semaphore_mem>>) src(%dma_wait3A_334 : memref<40x128xf32, #tpu.memory_space<vmem>>) dst(%dma_wait3A_330 : memref<40x128xf32, #tpu.memory_space<vmem_shared>>)
      tpu.yield
    }) : () -> ()
    %mul3A_56 = arith.constant 640 : i32
    %mul3A_57 = arith.muli %arg1, %mul3A_56 : i32
    %add3A_58 = arith.constant 360 : i32
    %add3A_59 = arith.addi %mul3A_57, %add3A_58 : i32
    %run_scoped3A_60 = arith.constant 0 : i32
    "tpu.region"() ({
      %run_scoped3A_310 = tpu.sem_alloc : memref<!tpu.dma_semaphore, #tpu.memory_space<semaphore_mem>>
      %dma_start3A_311 = arith.constant 0 : i32
      %dma_start3A_312 = arith.constant 0 : i32
      %dma_start3A_313 = tpu.memref_slice %arg9[%run_scoped3A_60, %dma_start3A_311, %dma_start3A_312] : memref<2x40x128xf32, #tpu.memory_space<vmem>> -> memref<1x40x128xf32, #tpu.memory_space<vmem>>
      %dma_start3A_314 = tpu.memref_squeeze %dma_start3A_313 : memref<1x40x128xf32, #tpu.memory_space<vmem>> -> memref<40x128xf32, #tpu.memory_space<vmem>>
      %dma_start3A_315 = arith.constant 0 : i32
      %dma_start3A_316 = tpu.memref_slice %arg8[%add3A_59, %dma_start3A_315] : memref<10240x128xf32, #tpu.memory_space<vmem_shared>> -> memref<40x128xf32, #tpu.memory_space<vmem_shared>>
      %dma_start3A_317 = arith.constant 0 : i32
      %dma_start3A_318 = tpu.memref_slice %arg8[%add3A_59, %dma_start3A_317] : memref<10240x128xf32, #tpu.memory_space<vmem_shared>> -> memref<40x128xf32, #tpu.memory_space<vmem_shared>>
      %dma_start3A_319 = arith.constant 0 : i32
      %dma_start3A_320 = arith.constant 0 : i32
      %dma_start3A_321 = tpu.memref_slice %arg9[%run_scoped3A_60, %dma_start3A_319, %dma_start3A_320] : memref<2x40x128xf32, #tpu.memory_space<vmem>> -> memref<1x40x128xf32, #tpu.memory_space<vmem>>
      %dma_start3A_322 = tpu.memref_squeeze %dma_start3A_321 : memref<1x40x128xf32, #tpu.memory_space<vmem>> -> memref<40x128xf32, #tpu.memory_space<vmem>>
      tpu.enqueue_dma source(%dma_start3A_322 : memref<40x128xf32, #tpu.memory_space<vmem>>) target(%dma_start3A_318 : memref<40x128xf32, #tpu.memory_space<vmem_shared>>) target_semaphore(%run_scoped3A_310 : memref<!tpu.dma_semaphore, #tpu.memory_space<semaphore_mem>>)
      %dma_wait3A_323 = arith.constant 0 : i32
      %dma_wait3A_324 = arith.constant 0 : i32
      %dma_wait3A_325 = tpu.memref_slice %arg9[%run_scoped3A_60, %dma_wait3A_323, %dma_wait3A_324] : memref<2x40x128xf32, #tpu.memory_space<vmem>> -> memref<1x40x128xf32, #tpu.memory_space<vmem>>
      %dma_wait3A_326 = tpu.memref_squeeze %dma_wait3A_325 : memref<1x40x128xf32, #tpu.memory_space<vmem>> -> memref<40x128xf32, #tpu.memory_space<vmem>>
      %dma_wait3A_327 = arith.constant 0 : i32
      %dma_wait3A_328 = tpu.memref_slice %arg8[%add3A_59, %dma_wait3A_327] : memref<10240x128xf32, #tpu.memory_space<vmem_shared>> -> memref<40x128xf32, #tpu.memory_space<vmem_shared>>
      %dma_wait3A_329 = arith.constant 0 : i32
      %dma_wait3A_330 = tpu.memref_slice %arg8[%add3A_59, %dma_wait3A_329] : memref<10240x128xf32, #tpu.memory_space<vmem_shared>> -> memref<40x128xf32, #tpu.memory_space<vmem_shared>>
      %dma_wait3A_331 = arith.constant 0 : i32
      %dma_wait3A_332 = arith.constant 0 : i32
      %dma_wait3A_333 = tpu.memref_slice %arg9[%run_scoped3A_60, %dma_wait3A_331, %dma_wait3A_332] : memref<2x40x128xf32, #tpu.memory_space<vmem>> -> memref<1x40x128xf32, #tpu.memory_space<vmem>>
      %dma_wait3A_334 = tpu.memref_squeeze %dma_wait3A_333 : memref<1x40x128xf32, #tpu.memory_space<vmem>> -> memref<40x128xf32, #tpu.memory_space<vmem>>
      tpu.wait_dma2 semaphore(%run_scoped3A_310 : memref<!tpu.dma_semaphore, #tpu.memory_space<semaphore_mem>>) src(%dma_wait3A_334 : memref<40x128xf32, #tpu.memory_space<vmem>>) dst(%dma_wait3A_330 : memref<40x128xf32, #tpu.memory_space<vmem_shared>>)
      tpu.yield
    }) : () -> ()
    %mul3A_61 = arith.constant 640 : i32
    %mul3A_62 = arith.muli %arg1, %mul3A_61 : i32
    %add3A_63 = arith.constant 400 : i32
    %add3A_64 = arith.addi %mul3A_62, %add3A_63 : i32
    %run_scoped3A_65 = arith.constant 0 : i32
    "tpu.region"() ({
      %run_scoped3A_310 = tpu.sem_alloc : memref<!tpu.dma_semaphore, #tpu.memory_space<semaphore_mem>>
      %dma_start3A_311 = arith.constant 0 : i32
      %dma_start3A_312 = arith.constant 0 : i32
      %dma_start3A_313 = tpu.memref_slice %arg9[%run_scoped3A_65, %dma_start3A_311, %dma_start3A_312] : memref<2x40x128xf32, #tpu.memory_space<vmem>> -> memref<1x40x128xf32, #tpu.memory_space<vmem>>
      %dma_start3A_314 = tpu.memref_squeeze %dma_start3A_313 : memref<1x40x128xf32, #tpu.memory_space<vmem>> -> memref<40x128xf32, #tpu.memory_space<vmem>>
      %dma_start3A_315 = arith.constant 0 : i32
      %dma_start3A_316 = tpu.memref_slice %arg8[%add3A_64, %dma_start3A_315] : memref<10240x128xf32, #tpu.memory_space<vmem_shared>> -> memref<40x128xf32, #tpu.memory_space<vmem_shared>>
      %dma_start3A_317 = arith.constant 0 : i32
      %dma_start3A_318 = tpu.memref_slice %arg8[%add3A_64, %dma_start3A_317] : memref<10240x128xf32, #tpu.memory_space<vmem_shared>> -> memref<40x128xf32, #tpu.memory_space<vmem_shared>>
      %dma_start3A_319 = arith.constant 0 : i32
      %dma_start3A_320 = arith.constant 0 : i32
      %dma_start3A_321 = tpu.memref_slice %arg9[%run_scoped3A_65, %dma_start3A_319, %dma_start3A_320] : memref<2x40x128xf32, #tpu.memory_space<vmem>> -> memref<1x40x128xf32, #tpu.memory_space<vmem>>
      %dma_start3A_322 = tpu.memref_squeeze %dma_start3A_321 : memref<1x40x128xf32, #tpu.memory_space<vmem>> -> memref<40x128xf32, #tpu.memory_space<vmem>>
      tpu.enqueue_dma source(%dma_start3A_322 : memref<40x128xf32, #tpu.memory_space<vmem>>) target(%dma_start3A_318 : memref<40x128xf32, #tpu.memory_space<vmem_shared>>) target_semaphore(%run_scoped3A_310 : memref<!tpu.dma_semaphore, #tpu.memory_space<semaphore_mem>>)
      %dma_wait3A_323 = arith.constant 0 : i32
      %dma_wait3A_324 = arith.constant 0 : i32
      %dma_wait3A_325 = tpu.memref_slice %arg9[%run_scoped3A_65, %dma_wait3A_323, %dma_wait3A_324] : memref<2x40x128xf32, #tpu.memory_space<vmem>> -> memref<1x40x128xf32, #tpu.memory_space<vmem>>
      %dma_wait3A_326 = tpu.memref_squeeze %dma_wait3A_325 : memref<1x40x128xf32, #tpu.memory_space<vmem>> -> memref<40x128xf32, #tpu.memory_space<vmem>>
      %dma_wait3A_327 = arith.constant 0 : i32
      %dma_wait3A_328 = tpu.memref_slice %arg8[%add3A_64, %dma_wait3A_327] : memref<10240x128xf32, #tpu.memory_space<vmem_shared>> -> memref<40x128xf32, #tpu.memory_space<vmem_shared>>
      %dma_wait3A_329 = arith.constant 0 : i32
      %dma_wait3A_330 = tpu.memref_slice %arg8[%add3A_64, %dma_wait3A_329] : memref<10240x128xf32, #tpu.memory_space<vmem_shared>> -> memref<40x128xf32, #tpu.memory_space<vmem_shared>>
      %dma_wait3A_331 = arith.constant 0 : i32
      %dma_wait3A_332 = arith.constant 0 : i32
      %dma_wait3A_333 = tpu.memref_slice %arg9[%run_scoped3A_65, %dma_wait3A_331, %dma_wait3A_332] : memref<2x40x128xf32, #tpu.memory_space<vmem>> -> memref<1x40x128xf32, #tpu.memory_space<vmem>>
      %dma_wait3A_334 = tpu.memref_squeeze %dma_wait3A_333 : memref<1x40x128xf32, #tpu.memory_space<vmem>> -> memref<40x128xf32, #tpu.memory_space<vmem>>
      tpu.wait_dma2 semaphore(%run_scoped3A_310 : memref<!tpu.dma_semaphore, #tpu.memory_space<semaphore_mem>>) src(%dma_wait3A_334 : memref<40x128xf32, #tpu.memory_space<vmem>>) dst(%dma_wait3A_330 : memref<40x128xf32, #tpu.memory_space<vmem_shared>>)
      tpu.yield
    }) : () -> ()
    %mul3A_66 = arith.constant 640 : i32
    %mul3A_67 = arith.muli %arg1, %mul3A_66 : i32
    %add3A_68 = arith.constant 440 : i32
    %add3A_69 = arith.addi %mul3A_67, %add3A_68 : i32
    %run_scoped3A_70 = arith.constant 0 : i32
    "tpu.region"() ({
      %run_scoped3A_310 = tpu.sem_alloc : memref<!tpu.dma_semaphore, #tpu.memory_space<semaphore_mem>>
      %dma_start3A_311 = arith.constant 0 : i32
      %dma_start3A_312 = arith.constant 0 : i32
      %dma_start3A_313 = tpu.memref_slice %arg9[%run_scoped3A_70, %dma_start3A_311, %dma_start3A_312] : memref<2x40x128xf32, #tpu.memory_space<vmem>> -> memref<1x40x128xf32, #tpu.memory_space<vmem>>
      %dma_start3A_314 = tpu.memref_squeeze %dma_start3A_313 : memref<1x40x128xf32, #tpu.memory_space<vmem>> -> memref<40x128xf32, #tpu.memory_space<vmem>>
      %dma_start3A_315 = arith.constant 0 : i32
      %dma_start3A_316 = tpu.memref_slice %arg8[%add3A_69, %dma_start3A_315] : memref<10240x128xf32, #tpu.memory_space<vmem_shared>> -> memref<40x128xf32, #tpu.memory_space<vmem_shared>>
      %dma_start3A_317 = arith.constant 0 : i32
      %dma_start3A_318 = tpu.memref_slice %arg8[%add3A_69, %dma_start3A_317] : memref<10240x128xf32, #tpu.memory_space<vmem_shared>> -> memref<40x128xf32, #tpu.memory_space<vmem_shared>>
      %dma_start3A_319 = arith.constant 0 : i32
      %dma_start3A_320 = arith.constant 0 : i32
      %dma_start3A_321 = tpu.memref_slice %arg9[%run_scoped3A_70, %dma_start3A_319, %dma_start3A_320] : memref<2x40x128xf32, #tpu.memory_space<vmem>> -> memref<1x40x128xf32, #tpu.memory_space<vmem>>
      %dma_start3A_322 = tpu.memref_squeeze %dma_start3A_321 : memref<1x40x128xf32, #tpu.memory_space<vmem>> -> memref<40x128xf32, #tpu.memory_space<vmem>>
      tpu.enqueue_dma source(%dma_start3A_322 : memref<40x128xf32, #tpu.memory_space<vmem>>) target(%dma_start3A_318 : memref<40x128xf32, #tpu.memory_space<vmem_shared>>) target_semaphore(%run_scoped3A_310 : memref<!tpu.dma_semaphore, #tpu.memory_space<semaphore_mem>>)
      %dma_wait3A_323 = arith.constant 0 : i32
      %dma_wait3A_324 = arith.constant 0 : i32
      %dma_wait3A_325 = tpu.memref_slice %arg9[%run_scoped3A_70, %dma_wait3A_323, %dma_wait3A_324] : memref<2x40x128xf32, #tpu.memory_space<vmem>> -> memref<1x40x128xf32, #tpu.memory_space<vmem>>
      %dma_wait3A_326 = tpu.memref_squeeze %dma_wait3A_325 : memref<1x40x128xf32, #tpu.memory_space<vmem>> -> memref<40x128xf32, #tpu.memory_space<vmem>>
      %dma_wait3A_327 = arith.constant 0 : i32
      %dma_wait3A_328 = tpu.memref_slice %arg8[%add3A_69, %dma_wait3A_327] : memref<10240x128xf32, #tpu.memory_space<vmem_shared>> -> memref<40x128xf32, #tpu.memory_space<vmem_shared>>
      %dma_wait3A_329 = arith.constant 0 : i32
      %dma_wait3A_330 = tpu.memref_slice %arg8[%add3A_69, %dma_wait3A_329] : memref<10240x128xf32, #tpu.memory_space<vmem_shared>> -> memref<40x128xf32, #tpu.memory_space<vmem_shared>>
      %dma_wait3A_331 = arith.constant 0 : i32
      %dma_wait3A_332 = arith.constant 0 : i32
      %dma_wait3A_333 = tpu.memref_slice %arg9[%run_scoped3A_70, %dma_wait3A_331, %dma_wait3A_332] : memref<2x40x128xf32, #tpu.memory_space<vmem>> -> memref<1x40x128xf32, #tpu.memory_space<vmem>>
      %dma_wait3A_334 = tpu.memref_squeeze %dma_wait3A_333 : memref<1x40x128xf32, #tpu.memory_space<vmem>> -> memref<40x128xf32, #tpu.memory_space<vmem>>
      tpu.wait_dma2 semaphore(%run_scoped3A_310 : memref<!tpu.dma_semaphore, #tpu.memory_space<semaphore_mem>>) src(%dma_wait3A_334 : memref<40x128xf32, #tpu.memory_space<vmem>>) dst(%dma_wait3A_330 : memref<40x128xf32, #tpu.memory_space<vmem_shared>>)
      tpu.yield
    }) : () -> ()
    %mul3A_71 = arith.constant 640 : i32
    %mul3A_72 = arith.muli %arg1, %mul3A_71 : i32
    %add3A_73 = arith.constant 480 : i32
    %add3A_74 = arith.addi %mul3A_72, %add3A_73 : i32
    %run_scoped3A_75 = arith.constant 0 : i32
    "tpu.region"() ({
      %run_scoped3A_310 = tpu.sem_alloc : memref<!tpu.dma_semaphore, #tpu.memory_space<semaphore_mem>>
      %dma_start3A_311 = arith.constant 0 : i32
      %dma_start3A_312 = arith.constant 0 : i32
      %dma_start3A_313 = tpu.memref_slice %arg9[%run_scoped3A_75, %dma_start3A_311, %dma_start3A_312] : memref<2x40x128xf32, #tpu.memory_space<vmem>> -> memref<1x40x128xf32, #tpu.memory_space<vmem>>
      %dma_start3A_314 = tpu.memref_squeeze %dma_start3A_313 : memref<1x40x128xf32, #tpu.memory_space<vmem>> -> memref<40x128xf32, #tpu.memory_space<vmem>>
      %dma_start3A_315 = arith.constant 0 : i32
      %dma_start3A_316 = tpu.memref_slice %arg8[%add3A_74, %dma_start3A_315] : memref<10240x128xf32, #tpu.memory_space<vmem_shared>> -> memref<40x128xf32, #tpu.memory_space<vmem_shared>>
      %dma_start3A_317 = arith.constant 0 : i32
      %dma_start3A_318 = tpu.memref_slice %arg8[%add3A_74, %dma_start3A_317] : memref<10240x128xf32, #tpu.memory_space<vmem_shared>> -> memref<40x128xf32, #tpu.memory_space<vmem_shared>>
      %dma_start3A_319 = arith.constant 0 : i32
      %dma_start3A_320 = arith.constant 0 : i32
      %dma_start3A_321 = tpu.memref_slice %arg9[%run_scoped3A_75, %dma_start3A_319, %dma_start3A_320] : memref<2x40x128xf32, #tpu.memory_space<vmem>> -> memref<1x40x128xf32, #tpu.memory_space<vmem>>
      %dma_start3A_322 = tpu.memref_squeeze %dma_start3A_321 : memref<1x40x128xf32, #tpu.memory_space<vmem>> -> memref<40x128xf32, #tpu.memory_space<vmem>>
      tpu.enqueue_dma source(%dma_start3A_322 : memref<40x128xf32, #tpu.memory_space<vmem>>) target(%dma_start3A_318 : memref<40x128xf32, #tpu.memory_space<vmem_shared>>) target_semaphore(%run_scoped3A_310 : memref<!tpu.dma_semaphore, #tpu.memory_space<semaphore_mem>>)
      %dma_wait3A_323 = arith.constant 0 : i32
      %dma_wait3A_324 = arith.constant 0 : i32
      %dma_wait3A_325 = tpu.memref_slice %arg9[%run_scoped3A_75, %dma_wait3A_323, %dma_wait3A_324] : memref<2x40x128xf32, #tpu.memory_space<vmem>> -> memref<1x40x128xf32, #tpu.memory_space<vmem>>
      %dma_wait3A_326 = tpu.memref_squeeze %dma_wait3A_325 : memref<1x40x128xf32, #tpu.memory_space<vmem>> -> memref<40x128xf32, #tpu.memory_space<vmem>>
      %dma_wait3A_327 = arith.constant 0 : i32
      %dma_wait3A_328 = tpu.memref_slice %arg8[%add3A_74, %dma_wait3A_327] : memref<10240x128xf32, #tpu.memory_space<vmem_shared>> -> memref<40x128xf32, #tpu.memory_space<vmem_shared>>
      %dma_wait3A_329 = arith.constant 0 : i32
      %dma_wait3A_330 = tpu.memref_slice %arg8[%add3A_74, %dma_wait3A_329] : memref<10240x128xf32, #tpu.memory_space<vmem_shared>> -> memref<40x128xf32, #tpu.memory_space<vmem_shared>>
      %dma_wait3A_331 = arith.constant 0 : i32
      %dma_wait3A_332 = arith.constant 0 : i32
      %dma_wait3A_333 = tpu.memref_slice %arg9[%run_scoped3A_75, %dma_wait3A_331, %dma_wait3A_332] : memref<2x40x128xf32, #tpu.memory_space<vmem>> -> memref<1x40x128xf32, #tpu.memory_space<vmem>>
      %dma_wait3A_334 = tpu.memref_squeeze %dma_wait3A_333 : memref<1x40x128xf32, #tpu.memory_space<vmem>> -> memref<40x128xf32, #tpu.memory_space<vmem>>
      tpu.wait_dma2 semaphore(%run_scoped3A_310 : memref<!tpu.dma_semaphore, #tpu.memory_space<semaphore_mem>>) src(%dma_wait3A_334 : memref<40x128xf32, #tpu.memory_space<vmem>>) dst(%dma_wait3A_330 : memref<40x128xf32, #tpu.memory_space<vmem_shared>>)
      tpu.yield
    }) : () -> ()
    %mul3A_76 = arith.constant 640 : i32
    %mul3A_77 = arith.muli %arg1, %mul3A_76 : i32
    %add3A_78 = arith.constant 520 : i32
    %add3A_79 = arith.addi %mul3A_77, %add3A_78 : i32
    %run_scoped3A_80 = arith.constant 0 : i32
    "tpu.region"() ({
      %run_scoped3A_310 = tpu.sem_alloc : memref<!tpu.dma_semaphore, #tpu.memory_space<semaphore_mem>>
      %dma_start3A_311 = arith.constant 0 : i32
      %dma_start3A_312 = arith.constant 0 : i32
      %dma_start3A_313 = tpu.memref_slice %arg9[%run_scoped3A_80, %dma_start3A_311, %dma_start3A_312] : memref<2x40x128xf32, #tpu.memory_space<vmem>> -> memref<1x40x128xf32, #tpu.memory_space<vmem>>
      %dma_start3A_314 = tpu.memref_squeeze %dma_start3A_313 : memref<1x40x128xf32, #tpu.memory_space<vmem>> -> memref<40x128xf32, #tpu.memory_space<vmem>>
      %dma_start3A_315 = arith.constant 0 : i32
      %dma_start3A_316 = tpu.memref_slice %arg8[%add3A_79, %dma_start3A_315] : memref<10240x128xf32, #tpu.memory_space<vmem_shared>> -> memref<40x128xf32, #tpu.memory_space<vmem_shared>>
      %dma_start3A_317 = arith.constant 0 : i32
      %dma_start3A_318 = tpu.memref_slice %arg8[%add3A_79, %dma_start3A_317] : memref<10240x128xf32, #tpu.memory_space<vmem_shared>> -> memref<40x128xf32, #tpu.memory_space<vmem_shared>>
      %dma_start3A_319 = arith.constant 0 : i32
      %dma_start3A_320 = arith.constant 0 : i32
      %dma_start3A_321 = tpu.memref_slice %arg9[%run_scoped3A_80, %dma_start3A_319, %dma_start3A_320] : memref<2x40x128xf32, #tpu.memory_space<vmem>> -> memref<1x40x128xf32, #tpu.memory_space<vmem>>
      %dma_start3A_322 = tpu.memref_squeeze %dma_start3A_321 : memref<1x40x128xf32, #tpu.memory_space<vmem>> -> memref<40x128xf32, #tpu.memory_space<vmem>>
      tpu.enqueue_dma source(%dma_start3A_322 : memref<40x128xf32, #tpu.memory_space<vmem>>) target(%dma_start3A_318 : memref<40x128xf32, #tpu.memory_space<vmem_shared>>) target_semaphore(%run_scoped3A_310 : memref<!tpu.dma_semaphore, #tpu.memory_space<semaphore_mem>>)
      %dma_wait3A_323 = arith.constant 0 : i32
      %dma_wait3A_324 = arith.constant 0 : i32
      %dma_wait3A_325 = tpu.memref_slice %arg9[%run_scoped3A_80, %dma_wait3A_323, %dma_wait3A_324] : memref<2x40x128xf32, #tpu.memory_space<vmem>> -> memref<1x40x128xf32, #tpu.memory_space<vmem>>
      %dma_wait3A_326 = tpu.memref_squeeze %dma_wait3A_325 : memref<1x40x128xf32, #tpu.memory_space<vmem>> -> memref<40x128xf32, #tpu.memory_space<vmem>>
      %dma_wait3A_327 = arith.constant 0 : i32
      %dma_wait3A_328 = tpu.memref_slice %arg8[%add3A_79, %dma_wait3A_327] : memref<10240x128xf32, #tpu.memory_space<vmem_shared>> -> memref<40x128xf32, #tpu.memory_space<vmem_shared>>
      %dma_wait3A_329 = arith.constant 0 : i32
      %dma_wait3A_330 = tpu.memref_slice %arg8[%add3A_79, %dma_wait3A_329] : memref<10240x128xf32, #tpu.memory_space<vmem_shared>> -> memref<40x128xf32, #tpu.memory_space<vmem_shared>>
      %dma_wait3A_331 = arith.constant 0 : i32
      %dma_wait3A_332 = arith.constant 0 : i32
      %dma_wait3A_333 = tpu.memref_slice %arg9[%run_scoped3A_80, %dma_wait3A_331, %dma_wait3A_332] : memref<2x40x128xf32, #tpu.memory_space<vmem>> -> memref<1x40x128xf32, #tpu.memory_space<vmem>>
      %dma_wait3A_334 = tpu.memref_squeeze %dma_wait3A_333 : memref<1x40x128xf32, #tpu.memory_space<vmem>> -> memref<40x128xf32, #tpu.memory_space<vmem>>
      tpu.wait_dma2 semaphore(%run_scoped3A_310 : memref<!tpu.dma_semaphore, #tpu.memory_space<semaphore_mem>>) src(%dma_wait3A_334 : memref<40x128xf32, #tpu.memory_space<vmem>>) dst(%dma_wait3A_330 : memref<40x128xf32, #tpu.memory_space<vmem_shared>>)
      tpu.yield
    }) : () -> ()
    %mul3A_81 = arith.constant 640 : i32
    %mul3A_82 = arith.muli %arg1, %mul3A_81 : i32
    %add3A_83 = arith.constant 560 : i32
    %add3A_84 = arith.addi %mul3A_82, %add3A_83 : i32
    %run_scoped3A_85 = arith.constant 0 : i32
    "tpu.region"() ({
      %run_scoped3A_310 = tpu.sem_alloc : memref<!tpu.dma_semaphore, #tpu.memory_space<semaphore_mem>>
      %dma_start3A_311 = arith.constant 0 : i32
      %dma_start3A_312 = arith.constant 0 : i32
      %dma_start3A_313 = tpu.memref_slice %arg9[%run_scoped3A_85, %dma_start3A_311, %dma_start3A_312] : memref<2x40x128xf32, #tpu.memory_space<vmem>> -> memref<1x40x128xf32, #tpu.memory_space<vmem>>
      %dma_start3A_314 = tpu.memref_squeeze %dma_start3A_313 : memref<1x40x128xf32, #tpu.memory_space<vmem>> -> memref<40x128xf32, #tpu.memory_space<vmem>>
      %dma_start3A_315 = arith.constant 0 : i32
      %dma_start3A_316 = tpu.memref_slice %arg8[%add3A_84, %dma_start3A_315] : memref<10240x128xf32, #tpu.memory_space<vmem_shared>> -> memref<40x128xf32, #tpu.memory_space<vmem_shared>>
      %dma_start3A_317 = arith.constant 0 : i32
      %dma_start3A_318 = tpu.memref_slice %arg8[%add3A_84, %dma_start3A_317] : memref<10240x128xf32, #tpu.memory_space<vmem_shared>> -> memref<40x128xf32, #tpu.memory_space<vmem_shared>>
      %dma_start3A_319 = arith.constant 0 : i32
      %dma_start3A_320 = arith.constant 0 : i32
      %dma_start3A_321 = tpu.memref_slice %arg9[%run_scoped3A_85, %dma_start3A_319, %dma_start3A_320] : memref<2x40x128xf32, #tpu.memory_space<vmem>> -> memref<1x40x128xf32, #tpu.memory_space<vmem>>
      %dma_start3A_322 = tpu.memref_squeeze %dma_start3A_321 : memref<1x40x128xf32, #tpu.memory_space<vmem>> -> memref<40x128xf32, #tpu.memory_space<vmem>>
      tpu.enqueue_dma source(%dma_start3A_322 : memref<40x128xf32, #tpu.memory_space<vmem>>) target(%dma_start3A_318 : memref<40x128xf32, #tpu.memory_space<vmem_shared>>) target_semaphore(%run_scoped3A_310 : memref<!tpu.dma_semaphore, #tpu.memory_space<semaphore_mem>>)
      %dma_wait3A_323 = arith.constant 0 : i32
      %dma_wait3A_324 = arith.constant 0 : i32
      %dma_wait3A_325 = tpu.memref_slice %arg9[%run_scoped3A_85, %dma_wait3A_323, %dma_wait3A_324] : memref<2x40x128xf32, #tpu.memory_space<vmem>> -> memref<1x40x128xf32, #tpu.memory_space<vmem>>
      %dma_wait3A_326 = tpu.memref_squeeze %dma_wait3A_325 : memref<1x40x128xf32, #tpu.memory_space<vmem>> -> memref<40x128xf32, #tpu.memory_space<vmem>>
      %dma_wait3A_327 = arith.constant 0 : i32
      %dma_wait3A_328 = tpu.memref_slice %arg8[%add3A_84, %dma_wait3A_327] : memref<10240x128xf32, #tpu.memory_space<vmem_shared>> -> memref<40x128xf32, #tpu.memory_space<vmem_shared>>
      %dma_wait3A_329 = arith.constant 0 : i32
      %dma_wait3A_330 = tpu.memref_slice %arg8[%add3A_84, %dma_wait3A_329] : memref<10240x128xf32, #tpu.memory_space<vmem_shared>> -> memref<40x128xf32, #tpu.memory_space<vmem_shared>>
      %dma_wait3A_331 = arith.constant 0 : i32
      %dma_wait3A_332 = arith.constant 0 : i32
      %dma_wait3A_333 = tpu.memref_slice %arg9[%run_scoped3A_85, %dma_wait3A_331, %dma_wait3A_332] : memref<2x40x128xf32, #tpu.memory_space<vmem>> -> memref<1x40x128xf32, #tpu.memory_space<vmem>>
      %dma_wait3A_334 = tpu.memref_squeeze %dma_wait3A_333 : memref<1x40x128xf32, #tpu.memory_space<vmem>> -> memref<40x128xf32, #tpu.memory_space<vmem>>
      tpu.wait_dma2 semaphore(%run_scoped3A_310 : memref<!tpu.dma_semaphore, #tpu.memory_space<semaphore_mem>>) src(%dma_wait3A_334 : memref<40x128xf32, #tpu.memory_space<vmem>>) dst(%dma_wait3A_330 : memref<40x128xf32, #tpu.memory_space<vmem_shared>>)
      tpu.yield
    }) : () -> ()
    %mul3A_86 = arith.constant 640 : i32
    %mul3A_87 = arith.muli %arg1, %mul3A_86 : i32
    %add3A_88 = arith.constant 600 : i32
    %add3A_89 = arith.addi %mul3A_87, %add3A_88 : i32
    %run_scoped3A_90 = arith.constant 0 : i32
    "tpu.region"() ({
      %run_scoped3A_310 = tpu.sem_alloc : memref<!tpu.dma_semaphore, #tpu.memory_space<semaphore_mem>>
      %dma_start3A_311 = arith.constant 0 : i32
      %dma_start3A_312 = arith.constant 0 : i32
      %dma_start3A_313 = tpu.memref_slice %arg9[%run_scoped3A_90, %dma_start3A_311, %dma_start3A_312] : memref<2x40x128xf32, #tpu.memory_space<vmem>> -> memref<1x40x128xf32, #tpu.memory_space<vmem>>
      %dma_start3A_314 = tpu.memref_squeeze %dma_start3A_313 : memref<1x40x128xf32, #tpu.memory_space<vmem>> -> memref<40x128xf32, #tpu.memory_space<vmem>>
      %dma_start3A_315 = arith.constant 0 : i32
      %dma_start3A_316 = tpu.memref_slice %arg8[%add3A_89, %dma_start3A_315] : memref<10240x128xf32, #tpu.memory_space<vmem_shared>> -> memref<40x128xf32, #tpu.memory_space<vmem_shared>>
      %dma_start3A_317 = arith.constant 0 : i32
      %dma_start3A_318 = tpu.memref_slice %arg8[%add3A_89, %dma_start3A_317] : memref<10240x128xf32, #tpu.memory_space<vmem_shared>> -> memref<40x128xf32, #tpu.memory_space<vmem_shared>>
      %dma_start3A_319 = arith.constant 0 : i32
      %dma_start3A_320 = arith.constant 0 : i32
      %dma_start3A_321 = tpu.memref_slice %arg9[%run_scoped3A_90, %dma_start3A_319, %dma_start3A_320] : memref<2x40x128xf32, #tpu.memory_space<vmem>> -> memref<1x40x128xf32, #tpu.memory_space<vmem>>
      %dma_start3A_322 = tpu.memref_squeeze %dma_start3A_321 : memref<1x40x128xf32, #tpu.memory_space<vmem>> -> memref<40x128xf32, #tpu.memory_space<vmem>>
      tpu.enqueue_dma source(%dma_start3A_322 : memref<40x128xf32, #tpu.memory_space<vmem>>) target(%dma_start3A_318 : memref<40x128xf32, #tpu.memory_space<vmem_shared>>) target_semaphore(%run_scoped3A_310 : memref<!tpu.dma_semaphore, #tpu.memory_space<semaphore_mem>>)
      %dma_wait3A_323 = arith.constant 0 : i32
      %dma_wait3A_324 = arith.constant 0 : i32
      %dma_wait3A_325 = tpu.memref_slice %arg9[%run_scoped3A_90, %dma_wait3A_323, %dma_wait3A_324] : memref<2x40x128xf32, #tpu.memory_space<vmem>> -> memref<1x40x128xf32, #tpu.memory_space<vmem>>
      %dma_wait3A_326 = tpu.memref_squeeze %dma_wait3A_325 : memref<1x40x128xf32, #tpu.memory_space<vmem>> -> memref<40x128xf32, #tpu.memory_space<vmem>>
      %dma_wait3A_327 = arith.constant 0 : i32
      %dma_wait3A_328 = tpu.memref_slice %arg8[%add3A_89, %dma_wait3A_327] : memref<10240x128xf32, #tpu.memory_space<vmem_shared>> -> memref<40x128xf32, #tpu.memory_space<vmem_shared>>
      %dma_wait3A_329 = arith.constant 0 : i32
      %dma_wait3A_330 = tpu.memref_slice %arg8[%add3A_89, %dma_wait3A_329] : memref<10240x128xf32, #tpu.memory_space<vmem_shared>> -> memref<40x128xf32, #tpu.memory_space<vmem_shared>>
      %dma_wait3A_331 = arith.constant 0 : i32
      %dma_wait3A_332 = arith.constant 0 : i32
      %dma_wait3A_333 = tpu.memref_slice %arg9[%run_scoped3A_90, %dma_wait3A_331, %dma_wait3A_332] : memref<2x40x128xf32, #tpu.memory_space<vmem>> -> memref<1x40x128xf32, #tpu.memory_space<vmem>>
      %dma_wait3A_334 = tpu.memref_squeeze %dma_wait3A_333 : memref<1x40x128xf32, #tpu.memory_space<vmem>> -> memref<40x128xf32, #tpu.memory_space<vmem>>
      tpu.wait_dma2 semaphore(%run_scoped3A_310 : memref<!tpu.dma_semaphore, #tpu.memory_space<semaphore_mem>>) src(%dma_wait3A_334 : memref<40x128xf32, #tpu.memory_space<vmem>>) dst(%dma_wait3A_330 : memref<40x128xf32, #tpu.memory_space<vmem_shared>>)
      tpu.yield
    }) : () -> ()
    %barrier3A = arith.constant 0 : index
    tpu.barrier barrier_id(%barrier3A)
    %add3A_91 = arith.constant 0 : i32
    %add3A_92 = arith.addi %mul3A_5, %add3A_91 : i32
    %dma_start3A = arith.constant 0 : i32
    %dma_start3A_93 = arith.constant 0 : i32
    %dma_start3A_94 = tpu.memref_slice %arg12[%dma_start3A, %dma_start3A_93] : memref<2x40xi32, #tpu.memory_space<vmem>> -> memref<1x40xi32, #tpu.memory_space<vmem>>
    %dma_start3A_95 = tpu.memref_squeeze %dma_start3A_94 : memref<1x40xi32, #tpu.memory_space<vmem>> -> memref<40xi32, #tpu.memory_space<vmem>>
    %dma_start3A_96 = tpu.memref_slice %arg4[%add3A_92] : memref<320000xi32, #tpu.memory_space<hbm>> -> memref<40xi32, #tpu.memory_space<hbm>>
    %dma_start3A_97 = arith.constant 0 : i32
    %dma_start3A_98 = tpu.memref_slice %arg12[%dma_start3A, %dma_start3A_97] : memref<2x40xi32, #tpu.memory_space<vmem>> -> memref<1x40xi32, #tpu.memory_space<vmem>>
    %dma_start3A_99 = tpu.memref_squeeze %dma_start3A_98 : memref<1x40xi32, #tpu.memory_space<vmem>> -> memref<40xi32, #tpu.memory_space<vmem>>
    %dma_start3A_100 = tpu.memref_slice %arg4[%add3A_92] : memref<320000xi32, #tpu.memory_space<hbm>> -> memref<40xi32, #tpu.memory_space<hbm>>
    tpu.enqueue_dma source(%dma_start3A_100 : memref<40xi32, #tpu.memory_space<hbm>>) target(%dma_start3A_99 : memref<40xi32, #tpu.memory_space<vmem>>) target_semaphore(%arg13 : memref<!tpu.dma_semaphore, #tpu.memory_space<semaphore_mem>>)
    %dma_start3A_101 = arith.constant 0 : i32
    %dma_start3A_102 = arith.constant 0 : i32
    %dma_start3A_103 = tpu.memref_slice %arg11[%dma_start3A_101, %dma_start3A_102] : memref<2x40xi32, #tpu.memory_space<vmem>> -> memref<1x40xi32, #tpu.memory_space<vmem>>
    %dma_start3A_104 = tpu.memref_squeeze %dma_start3A_103 : memref<1x40xi32, #tpu.memory_space<vmem>> -> memref<40xi32, #tpu.memory_space<vmem>>
    %dma_start3A_105 = tpu.memref_slice %arg3[%add3A_92] : memref<320000xi32, #tpu.memory_space<hbm>> -> memref<40xi32, #tpu.memory_space<hbm>>
    %dma_start3A_106 = arith.constant 0 : i32
    %dma_start3A_107 = tpu.memref_slice %arg11[%dma_start3A_101, %dma_start3A_106] : memref<2x40xi32, #tpu.memory_space<vmem>> -> memref<1x40xi32, #tpu.memory_space<vmem>>
    %dma_start3A_108 = tpu.memref_squeeze %dma_start3A_107 : memref<1x40xi32, #tpu.memory_space<vmem>> -> memref<40xi32, #tpu.memory_space<vmem>>
    %dma_start3A_109 = tpu.memref_slice %arg3[%add3A_92] : memref<320000xi32, #tpu.memory_space<hbm>> -> memref<40xi32, #tpu.memory_space<hbm>>
    tpu.enqueue_dma source(%dma_start3A_109 : memref<40xi32, #tpu.memory_space<hbm>>) target(%dma_start3A_108 : memref<40xi32, #tpu.memory_space<vmem>>) target_semaphore(%arg13 : memref<!tpu.dma_semaphore, #tpu.memory_space<semaphore_mem>>)
    %dma_start3A_110 = arith.constant 0 : i32
    %dma_start3A_111 = arith.constant 0 : i32
    %dma_start3A_112 = arith.constant 0 : i32
    %dma_start3A_113 = tpu.memref_slice %arg9[%dma_start3A_110, %dma_start3A_111, %dma_start3A_112] : memref<2x40x128xf32, #tpu.memory_space<vmem>> -> memref<1x40x128xf32, #tpu.memory_space<vmem>>
    %dma_start3A_114 = tpu.memref_squeeze %dma_start3A_113 : memref<1x40x128xf32, #tpu.memory_space<vmem>> -> memref<40x128xf32, #tpu.memory_space<vmem>>
    %dma_start3A_115 = arith.constant 0 : i32
    %dma_start3A_116 = tpu.memref_slice %arg2[%add3A_92, %dma_start3A_115] : memref<320000x128xf32, #tpu.memory_space<hbm>> -> memref<40x128xf32, #tpu.memory_space<hbm>>
    %dma_start3A_117 = arith.constant 0 : i32
    %dma_start3A_118 = arith.constant 0 : i32
    %dma_start3A_119 = tpu.memref_slice %arg9[%dma_start3A_110, %dma_start3A_117, %dma_start3A_118] : memref<2x40x128xf32, #tpu.memory_space<vmem>> -> memref<1x40x128xf32, #tpu.memory_space<vmem>>
    %dma_start3A_120 = tpu.memref_squeeze %dma_start3A_119 : memref<1x40x128xf32, #tpu.memory_space<vmem>> -> memref<40x128xf32, #tpu.memory_space<vmem>>
    %dma_start3A_121 = arith.constant 0 : i32
    %dma_start3A_122 = tpu.memref_slice %arg2[%add3A_92, %dma_start3A_121] : memref<320000x128xf32, #tpu.memory_space<hbm>> -> memref<40x128xf32, #tpu.memory_space<hbm>>
    tpu.enqueue_dma source(%dma_start3A_122 : memref<40x128xf32, #tpu.memory_space<hbm>>) target(%dma_start3A_120 : memref<40x128xf32, #tpu.memory_space<vmem>>) target_semaphore(%arg13 : memref<!tpu.dma_semaphore, #tpu.memory_space<semaphore_mem>>)
    %scan3A_123 = arith.constant 0 : i32
    %scan3A_124 = arith.constant 0 : i32
    %scan3A_125 = arith.constant 125 : i32
    %scan3A_126 = arith.addi %scan3A_124, %scan3A_125 : i32
    %scan3A_127 = arith.constant 1 : i32
    %scan3A_128 = scf.for %scan3A_310 = %scan3A_124 to %scan3A_126 step %scan3A_127 iter_args(%scan3A_311 = %scan3A_123) -> (i32)  : i32 {
      %mul3A_312 = arith.constant 2 : i32
      %mul3A_313 = arith.muli %mul3A_312, %scan3A_310 : i32
      %add3A_314 = arith.constant 1 : i32
      %add3A_315 = arith.addi %mul3A_313, %add3A_314 : i32
      %gt3A = arith.constant 0 : i32
      %gt3A_316 = arith.cmpi sgt, %scan3A_310, %gt3A : i32
      %dma_wait3A_317 = arith.constant 0 : i32
      %dma_wait3A_318 = arith.constant 0 : i32
      %dma_wait3A_319 = tpu.memref_slice %arg12[%dma_wait3A_317, %dma_wait3A_318] : memref<2x40xi32, #tpu.memory_space<vmem>> -> memref<1x40xi32, #tpu.memory_space<vmem>>
      %dma_wait3A_320 = tpu.memref_squeeze %dma_wait3A_319 : memref<1x40xi32, #tpu.memory_space<vmem>> -> memref<40xi32, #tpu.memory_space<vmem>>
      %dma_wait3A_321 = arith.constant 0 : i32
      %dma_wait3A_322 = tpu.memref_slice %arg4[%dma_wait3A_321] : memref<320000xi32, #tpu.memory_space<hbm>> -> memref<40xi32, #tpu.memory_space<hbm>>
      %dma_wait3A_323 = arith.constant 0 : i32
      %dma_wait3A_324 = tpu.memref_slice %arg12[%dma_wait3A_317, %dma_wait3A_323] : memref<2x40xi32, #tpu.memory_space<vmem>> -> memref<1x40xi32, #tpu.memory_space<vmem>>
      %dma_wait3A_325 = tpu.memref_squeeze %dma_wait3A_324 : memref<1x40xi32, #tpu.memory_space<vmem>> -> memref<40xi32, #tpu.memory_space<vmem>>
      %dma_wait3A_326 = arith.constant 0 : i32
      %dma_wait3A_327 = tpu.memref_slice %arg4[%dma_wait3A_326] : memref<320000xi32, #tpu.memory_space<hbm>> -> memref<40xi32, #tpu.memory_space<hbm>>
      tpu.wait_dma2 semaphore(%arg13 : memref<!tpu.dma_semaphore, #tpu.memory_space<semaphore_mem>>) src(%dma_wait3A_327 : memref<40xi32, #tpu.memory_space<hbm>>) dst(%dma_wait3A_325 : memref<40xi32, #tpu.memory_space<vmem>>)
      %dma_wait3A_328 = arith.constant 0 : i32
      %dma_wait3A_329 = arith.constant 0 : i32
      %dma_wait3A_330 = tpu.memref_slice %arg11[%dma_wait3A_328, %dma_wait3A_329] : memref<2x40xi32, #tpu.memory_space<vmem>> -> memref<1x40xi32, #tpu.memory_space<vmem>>
      %dma_wait3A_331 = tpu.memref_squeeze %dma_wait3A_330 : memref<1x40xi32, #tpu.memory_space<vmem>> -> memref<40xi32, #tpu.memory_space<vmem>>
      %dma_wait3A_332 = arith.constant 0 : i32
      %dma_wait3A_333 = tpu.memref_slice %arg3[%dma_wait3A_332] : memref<320000xi32, #tpu.memory_space<hbm>> -> memref<40xi32, #tpu.memory_space<hbm>>
      %dma_wait3A_334 = arith.constant 0 : i32
      %dma_wait3A_335 = tpu.memref_slice %arg11[%dma_wait3A_328, %dma_wait3A_334] : memref<2x40xi32, #tpu.memory_space<vmem>> -> memref<1x40xi32, #tpu.memory_space<vmem>>
      %dma_wait3A_336 = tpu.memref_squeeze %dma_wait3A_335 : memref<1x40xi32, #tpu.memory_space<vmem>> -> memref<40xi32, #tpu.memory_space<vmem>>
      %dma_wait3A_337 = arith.constant 0 : i32
      %dma_wait3A_338 = tpu.memref_slice %arg3[%dma_wait3A_337] : memref<320000xi32, #tpu.memory_space<hbm>> -> memref<40xi32, #tpu.memory_space<hbm>>
      tpu.wait_dma2 semaphore(%arg13 : memref<!tpu.dma_semaphore, #tpu.memory_space<semaphore_mem>>) src(%dma_wait3A_338 : memref<40xi32, #tpu.memory_space<hbm>>) dst(%dma_wait3A_336 : memref<40xi32, #tpu.memory_space<vmem>>)
      %dma_wait3A_339 = arith.constant 0 : i32
      %dma_wait3A_340 = arith.constant 0 : i32
      %dma_wait3A_341 = arith.constant 0 : i32
      %dma_wait3A_342 = tpu.memref_slice %arg9[%dma_wait3A_339, %dma_wait3A_340, %dma_wait3A_341] : memref<2x40x128xf32, #tpu.memory_space<vmem>> -> memref<1x40x128xf32, #tpu.memory_space<vmem>>
      %dma_wait3A_343 = tpu.memref_squeeze %dma_wait3A_342 : memref<1x40x128xf32, #tpu.memory_space<vmem>> -> memref<40x128xf32, #tpu.memory_space<vmem>>
      %dma_wait3A_344 = arith.constant 0 : i32
      %dma_wait3A_345 = arith.constant 0 : i32
      %dma_wait3A_346 = tpu.memref_slice %arg2[%dma_wait3A_344, %dma_wait3A_345] : memref<320000x128xf32, #tpu.memory_space<hbm>> -> memref<40x128xf32, #tpu.memory_space<hbm>>
      %dma_wait3A_347 = arith.constant 0 : i32
      %dma_wait3A_348 = arith.constant 0 : i32
      %dma_wait3A_349 = tpu.memref_slice %arg9[%dma_wait3A_339, %dma_wait3A_347, %dma_wait3A_348] : memref<2x40x128xf32, #tpu.memory_space<vmem>> -> memref<1x40x128xf32, #tpu.memory_space<vmem>>
      %dma_wait3A_350 = tpu.memref_squeeze %dma_wait3A_349 : memref<1x40x128xf32, #tpu.memory_space<vmem>> -> memref<40x128xf32, #tpu.memory_space<vmem>>
      %dma_wait3A_351 = arith.constant 0 : i32
      %dma_wait3A_352 = arith.constant 0 : i32
      %dma_wait3A_353 = tpu.memref_slice %arg2[%dma_wait3A_351, %dma_wait3A_352] : memref<320000x128xf32, #tpu.memory_space<hbm>> -> memref<40x128xf32, #tpu.memory_space<hbm>>
      tpu.wait_dma2 semaphore(%arg13 : memref<!tpu.dma_semaphore, #tpu.memory_space<semaphore_mem>>) src(%dma_wait3A_353 : memref<40x128xf32, #tpu.memory_space<hbm>>) dst(%dma_wait3A_350 : memref<40x128xf32, #tpu.memory_space<vmem>>)
      %dma_start3A_354 = arith.constant 0 : i32
      %dma_start3A_355 = arith.constant 0 : i32
      %dma_start3A_356 = arith.constant 0 : i32
      %dma_start3A_357 = arith.constant 0 : i32
      %dma_start3A_358 = tpu.memref_slice %arg10[%dma_start3A_355, %dma_start3A_356, %dma_start3A_357] : memref<2x40x128xf32, #tpu.memory_space<vmem>> -> memref<1x40x128xf32, #tpu.memory_space<vmem>>
      %dma_start3A_359 = tpu.memref_squeeze %dma_start3A_358 : memref<1x40x128xf32, #tpu.memory_space<vmem>> -> memref<40x128xf32, #tpu.memory_space<vmem>>
      %dma_start3A_360 = arith.constant 0 : i32
      %dma_start3A_361 = tpu.memref_slice %arg11[%dma_start3A_354, %dma_start3A_360] : memref<2x40xi32, #tpu.memory_space<vmem>> -> memref<1x40xi32, #tpu.memory_space<vmem>>
      %dma_start3A_362 = tpu.memref_squeeze %dma_start3A_361 : memref<1x40xi32, #tpu.memory_space<vmem>> -> memref<40xi32, #tpu.memory_space<vmem>>
      %dma_start3A_363 = arith.constant 0 : i32
      %dma_start3A_364 = arith.constant 0 : i32
      %dma_start3A_365 = tpu.memref_slice %arg5[%dma_start3A_363, %dma_start3A_364] : memref<10000x128xf32, #tpu.memory_space<hbm>> -> memref<10000x128xf32, #tpu.memory_space<hbm>>
      tpu.enqueue_indirect_dma source(%dma_start3A_365 : memref<10000x128xf32, #tpu.memory_space<hbm>>) target(%dma_start3A_359 : memref<40x128xf32, #tpu.memory_space<vmem>>) offsets(%dma_start3A_362 : memref<40xi32, #tpu.memory_space<vmem>>) semaphore(%arg14 : memref<!tpu.dma_semaphore, #tpu.memory_space<semaphore_mem>>)
      %convert_element_type3A = arith.extui %gt3A_316 : i1 to i32
      %cond3A = arith.constant 0 : i32
      %cond3A_366 = arith.cmpi ne, %convert_element_type3A, %cond3A : i32
      scf.if %cond3A_366 {
        %dma_wait3A_535 = arith.constant 1 : i32
        %dma_wait3A_536 = arith.constant 1 : i32
        %dma_wait3A_537 = arith.constant 0 : i32
        %dma_wait3A_538 = arith.constant 0 : i32
        %dma_wait3A_539 = tpu.memref_slice %arg9[%dma_wait3A_535, %dma_wait3A_537, %dma_wait3A_538] : memref<2x40x128xf32, #tpu.memory_space<vmem>> -> memref<1x40x128xf32, #tpu.memory_space<vmem>>
        %dma_wait3A_540 = tpu.memref_squeeze %dma_wait3A_539 : memref<1x40x128xf32, #tpu.memory_space<vmem>> -> memref<40x128xf32, #tpu.memory_space<vmem>>
        %dma_wait3A_541 = arith.constant 0 : i32
        %dma_wait3A_542 = tpu.memref_slice %arg12[%dma_wait3A_536, %dma_wait3A_541] : memref<2x40xi32, #tpu.memory_space<vmem>> -> memref<1x40xi32, #tpu.memory_space<vmem>>
        %dma_wait3A_543 = tpu.memref_squeeze %dma_wait3A_542 : memref<1x40xi32, #tpu.memory_space<vmem>> -> memref<40xi32, #tpu.memory_space<vmem>>
        %dma_wait3A_544 = arith.constant 0 : i32
        %dma_wait3A_545 = arith.constant 0 : i32
        %dma_wait3A_546 = tpu.memref_slice %arg8[%dma_wait3A_544, %dma_wait3A_545] : memref<10240x128xf32, #tpu.memory_space<vmem_shared>> -> memref<10240x128xf32, #tpu.memory_space<vmem_shared>>
        tpu.wait_indirect_dma semaphore(%arg15 : memref<!tpu.dma_semaphore, #tpu.memory_space<semaphore_mem>>) src(%dma_wait3A_540 : memref<40x128xf32, #tpu.memory_space<vmem>>) dst(%dma_wait3A_546 : memref<10240x128xf32, #tpu.memory_space<vmem_shared>>)
      } else {
      }
      %mul3A_367 = arith.constant 40 : i32
      %mul3A_368 = arith.muli %add3A_315, %mul3A_367 : i32
      %add3A_369 = arith.addi %mul3A_5, %mul3A_368 : i32
      %dma_start3A_370 = arith.constant 1 : i32
      %dma_start3A_371 = arith.constant 0 : i32
      %dma_start3A_372 = tpu.memref_slice %arg12[%dma_start3A_370, %dma_start3A_371] : memref<2x40xi32, #tpu.memory_space<vmem>> -> memref<1x40xi32, #tpu.memory_space<vmem>>
      %dma_start3A_373 = tpu.memref_squeeze %dma_start3A_372 : memref<1x40xi32, #tpu.memory_space<vmem>> -> memref<40xi32, #tpu.memory_space<vmem>>
      %dma_start3A_374 = tpu.memref_slice %arg4[%add3A_369] : memref<320000xi32, #tpu.memory_space<hbm>> -> memref<40xi32, #tpu.memory_space<hbm>>
      %dma_start3A_375 = arith.constant 0 : i32
      %dma_start3A_376 = tpu.memref_slice %arg12[%dma_start3A_370, %dma_start3A_375] : memref<2x40xi32, #tpu.memory_space<vmem>> -> memref<1x40xi32, #tpu.memory_space<vmem>>
      %dma_start3A_377 = tpu.memref_squeeze %dma_start3A_376 : memref<1x40xi32, #tpu.memory_space<vmem>> -> memref<40xi32, #tpu.memory_space<vmem>>
      %dma_start3A_378 = tpu.memref_slice %arg4[%add3A_369] : memref<320000xi32, #tpu.memory_space<hbm>> -> memref<40xi32, #tpu.memory_space<hbm>>
      tpu.enqueue_dma source(%dma_start3A_378 : memref<40xi32, #tpu.memory_space<hbm>>) target(%dma_start3A_377 : memref<40xi32, #tpu.memory_space<vmem>>) target_semaphore(%arg13 : memref<!tpu.dma_semaphore, #tpu.memory_space<semaphore_mem>>)
      %dma_start3A_379 = arith.constant 1 : i32
      %dma_start3A_380 = arith.constant 0 : i32
      %dma_start3A_381 = tpu.memref_slice %arg11[%dma_start3A_379, %dma_start3A_380] : memref<2x40xi32, #tpu.memory_space<vmem>> -> memref<1x40xi32, #tpu.memory_space<vmem>>
      %dma_start3A_382 = tpu.memref_squeeze %dma_start3A_381 : memref<1x40xi32, #tpu.memory_space<vmem>> -> memref<40xi32, #tpu.memory_space<vmem>>
      %dma_start3A_383 = tpu.memref_slice %arg3[%add3A_369] : memref<320000xi32, #tpu.memory_space<hbm>> -> memref<40xi32, #tpu.memory_space<hbm>>
      %dma_start3A_384 = arith.constant 0 : i32
      %dma_start3A_385 = tpu.memref_slice %arg11[%dma_start3A_379, %dma_start3A_384] : memref<2x40xi32, #tpu.memory_space<vmem>> -> memref<1x40xi32, #tpu.memory_space<vmem>>
      %dma_start3A_386 = tpu.memref_squeeze %dma_start3A_385 : memref<1x40xi32, #tpu.memory_space<vmem>> -> memref<40xi32, #tpu.memory_space<vmem>>
      %dma_start3A_387 = tpu.memref_slice %arg3[%add3A_369] : memref<320000xi32, #tpu.memory_space<hbm>> -> memref<40xi32, #tpu.memory_space<hbm>>
      tpu.enqueue_dma source(%dma_start3A_387 : memref<40xi32, #tpu.memory_space<hbm>>) target(%dma_start3A_386 : memref<40xi32, #tpu.memory_space<vmem>>) target_semaphore(%arg13 : memref<!tpu.dma_semaphore, #tpu.memory_space<semaphore_mem>>)
      %dma_start3A_388 = arith.constant 1 : i32
      %dma_start3A_389 = arith.constant 0 : i32
      %dma_start3A_390 = arith.constant 0 : i32
      %dma_start3A_391 = tpu.memref_slice %arg9[%dma_start3A_388, %dma_start3A_389, %dma_start3A_390] : memref<2x40x128xf32, #tpu.memory_space<vmem>> -> memref<1x40x128xf32, #tpu.memory_space<vmem>>
      %dma_start3A_392 = tpu.memref_squeeze %dma_start3A_391 : memref<1x40x128xf32, #tpu.memory_space<vmem>> -> memref<40x128xf32, #tpu.memory_space<vmem>>
      %dma_start3A_393 = arith.constant 0 : i32
      %dma_start3A_394 = tpu.memref_slice %arg2[%add3A_369, %dma_start3A_393] : memref<320000x128xf32, #tpu.memory_space<hbm>> -> memref<40x128xf32, #tpu.memory_space<hbm>>
      %dma_start3A_395 = arith.constant 0 : i32
      %dma_start3A_396 = arith.constant 0 : i32
      %dma_start3A_397 = tpu.memref_slice %arg9[%dma_start3A_388, %dma_start3A_395, %dma_start3A_396] : memref<2x40x128xf32, #tpu.memory_space<vmem>> -> memref<1x40x128xf32, #tpu.memory_space<vmem>>
      %dma_start3A_398 = tpu.memref_squeeze %dma_start3A_397 : memref<1x40x128xf32, #tpu.memory_space<vmem>> -> memref<40x128xf32, #tpu.memory_space<vmem>>
      %dma_start3A_399 = arith.constant 0 : i32
      %dma_start3A_400 = tpu.memref_slice %arg2[%add3A_369, %dma_start3A_399] : memref<320000x128xf32, #tpu.memory_space<hbm>> -> memref<40x128xf32, #tpu.memory_space<hbm>>
      tpu.enqueue_dma source(%dma_start3A_400 : memref<40x128xf32, #tpu.memory_space<hbm>>) target(%dma_start3A_398 : memref<40x128xf32, #tpu.memory_space<vmem>>) target_semaphore(%arg13 : memref<!tpu.dma_semaphore, #tpu.memory_space<semaphore_mem>>)
      %dma_wait3A_401 = arith.constant 0 : i32
      %dma_wait3A_402 = arith.constant 0 : i32
      %dma_wait3A_403 = arith.constant 0 : i32
      %dma_wait3A_404 = arith.constant 0 : i32
      %dma_wait3A_405 = tpu.memref_slice %arg10[%dma_wait3A_402, %dma_wait3A_403, %dma_wait3A_404] : memref<2x40x128xf32, #tpu.memory_space<vmem>> -> memref<1x40x128xf32, #tpu.memory_space<vmem>>
      %dma_wait3A_406 = tpu.memref_squeeze %dma_wait3A_405 : memref<1x40x128xf32, #tpu.memory_space<vmem>> -> memref<40x128xf32, #tpu.memory_space<vmem>>
      %dma_wait3A_407 = arith.constant 0 : i32
      %dma_wait3A_408 = tpu.memref_slice %arg11[%dma_wait3A_401, %dma_wait3A_407] : memref<2x40xi32, #tpu.memory_space<vmem>> -> memref<1x40xi32, #tpu.memory_space<vmem>>
      %dma_wait3A_409 = tpu.memref_squeeze %dma_wait3A_408 : memref<1x40xi32, #tpu.memory_space<vmem>> -> memref<40xi32, #tpu.memory_space<vmem>>
      %dma_wait3A_410 = arith.constant 0 : i32
      %dma_wait3A_411 = arith.constant 0 : i32
      %dma_wait3A_412 = tpu.memref_slice %arg5[%dma_wait3A_410, %dma_wait3A_411] : memref<10000x128xf32, #tpu.memory_space<hbm>> -> memref<10000x128xf32, #tpu.memory_space<hbm>>
      tpu.wait_indirect_dma semaphore(%arg14 : memref<!tpu.dma_semaphore, #tpu.memory_space<semaphore_mem>>) src(%dma_wait3A_412 : memref<10000x128xf32, #tpu.memory_space<hbm>>) dst(%dma_wait3A_406 : memref<40x128xf32, #tpu.memory_space<vmem>>)
      %scan3A_413 = arith.constant 0 : i32
      %scan3A_414 = arith.constant 0 : i32
      %scan3A_415 = arith.constant 40 : i32
      %scan3A_416 = arith.addi %scan3A_414, %scan3A_415 : i32
      %scan3A_417 = arith.constant 1 : i32
      %scan3A_418 = scf.for %scan3A_535 = %scan3A_414 to %scan3A_416 step %scan3A_417 iter_args(%scan3A_536 = %scan3A_413) -> (i32)  : i32 {
        %get3A = arith.constant 0 : i32
        %get3A_537 = arith.index_cast %get3A : i32 to index
        %get3A_538 = arith.index_cast %scan3A_535 : i32 to index
        %get3A_539 = arith.constant 0 : index
        %get3A_540 = tpu.vector_load %arg9[%get3A_537, %get3A_538, %get3A_539] {strides = array<i32>} : memref<2x40x128xf32, #tpu.memory_space<vmem>>, vector<1x1x16xf32>,
        %get3A_541 = vector.shape_cast %get3A_540 : vector<1x1x16xf32> to vector<16xf32>
        %get3A_542 = arith.constant 0 : i32
        %get3A_543 = arith.index_cast %get3A_542 : i32 to index
        %get3A_544 = arith.index_cast %scan3A_535 : i32 to index
        %get3A_545 = arith.constant 0 : index
        %get3A_546 = tpu.vector_load %arg10[%get3A_543, %get3A_544, %get3A_545] {strides = array<i32>} : memref<2x40x128xf32, #tpu.memory_space<vmem>>, vector<1x1x16xf32>,
        %get3A_547 = vector.shape_cast %get3A_546 : vector<1x1x16xf32> to vector<16xf32>
        %mul3A_548 = arith.mulf %get3A_541, %get3A_547 : vector<16xf32>
        %swap3A = arith.constant 0 : i32
        %swap3A_549 = arith.index_cast %swap3A : i32 to index
        %swap3A_550 = arith.index_cast %scan3A_535 : i32 to index
        %swap3A_551 = arith.constant 0 : index
        %swap3A_552 = tpu.vector_load %arg9[%swap3A_549, %swap3A_550, %swap3A_551] {strides = array<i32>} : memref<2x40x128xf32, #tpu.memory_space<vmem>>, vector<1x1x16xf32>,
        %swap3A_553 = vector.shape_cast %swap3A_552 : vector<1x1x16xf32> to vector<16xf32>
        %swap3A_554 = vector.shape_cast %mul3A_548 : vector<16xf32> to vector<1x1x16xf32>
        tpu.vector_store %arg9[%swap3A_549, %swap3A_550, %swap3A_551], %swap3A_554 {strides = array<i32>} : memref<2x40x128xf32, #tpu.memory_space<vmem>>, vector<1x1x16xf32>,
        %get3A_555 = arith.constant 0 : i32
        %get3A_556 = arith.index_cast %get3A_555 : i32 to index
        %get3A_557 = arith.index_cast %scan3A_535 : i32 to index
        %get3A_558 = arith.constant 16 : index
        %get3A_559 = tpu.vector_load %arg9[%get3A_556, %get3A_557, %get3A_558] {strides = array<i32>} : memref<2x40x128xf32, #tpu.memory_space<vmem>>, vector<1x1x16xf32>,
        %get3A_560 = vector.shape_cast %get3A_559 : vector<1x1x16xf32> to vector<16xf32>
        %get3A_561 = arith.constant 0 : i32
        %get3A_562 = arith.index_cast %get3A_561 : i32 to index
        %get3A_563 = arith.index_cast %scan3A_535 : i32 to index
        %get3A_564 = arith.constant 16 : index
        %get3A_565 = tpu.vector_load %arg10[%get3A_562, %get3A_563, %get3A_564] {strides = array<i32>} : memref<2x40x128xf32, #tpu.memory_space<vmem>>, vector<1x1x16xf32>,
        %get3A_566 = vector.shape_cast %get3A_565 : vector<1x1x16xf32> to vector<16xf32>
        %mul3A_567 = arith.mulf %get3A_560, %get3A_566 : vector<16xf32>
        %swap3A_568 = arith.constant 0 : i32
        %swap3A_569 = arith.index_cast %swap3A_568 : i32 to index
        %swap3A_570 = arith.index_cast %scan3A_535 : i32 to index
        %swap3A_571 = arith.constant 16 : index
        %swap3A_572 = tpu.vector_load %arg9[%swap3A_569, %swap3A_570, %swap3A_571] {strides = array<i32>} : memref<2x40x128xf32, #tpu.memory_space<vmem>>, vector<1x1x16xf32>,
        %swap3A_573 = vector.shape_cast %swap3A_572 : vector<1x1x16xf32> to vector<16xf32>
        %swap3A_574 = vector.shape_cast %mul3A_567 : vector<16xf32> to vector<1x1x16xf32>
        tpu.vector_store %arg9[%swap3A_569, %swap3A_570, %swap3A_571], %swap3A_574 {strides = array<i32>} : memref<2x40x128xf32, #tpu.memory_space<vmem>>, vector<1x1x16xf32>,
        %get3A_575 = arith.constant 0 : i32
        %get3A_576 = arith.index_cast %get3A_575 : i32 to index
        %get3A_577 = arith.index_cast %scan3A_535 : i32 to index
        %get3A_578 = arith.constant 32 : index
        %get3A_579 = tpu.vector_load %arg9[%get3A_576, %get3A_577, %get3A_578] {strides = array<i32>} : memref<2x40x128xf32, #tpu.memory_space<vmem>>, vector<1x1x16xf32>,
        %get3A_580 = vector.shape_cast %get3A_579 : vector<1x1x16xf32> to vector<16xf32>
        %get3A_581 = arith.constant 0 : i32
        %get3A_582 = arith.index_cast %get3A_581 : i32 to index
        %get3A_583 = arith.index_cast %scan3A_535 : i32 to index
        %get3A_584 = arith.constant 32 : index
        %get3A_585 = tpu.vector_load %arg10[%get3A_582, %get3A_583, %get3A_584] {strides = array<i32>} : memref<2x40x128xf32, #tpu.memory_space<vmem>>, vector<1x1x16xf32>,
        %get3A_586 = vector.shape_cast %get3A_585 : vector<1x1x16xf32> to vector<16xf32>
        %mul3A_587 = arith.mulf %get3A_580, %get3A_586 : vector<16xf32>
        %swap3A_588 = arith.constant 0 : i32
        %swap3A_589 = arith.index_cast %swap3A_588 : i32 to index
        %swap3A_590 = arith.index_cast %scan3A_535 : i32 to index
        %swap3A_591 = arith.constant 32 : index
        %swap3A_592 = tpu.vector_load %arg9[%swap3A_589, %swap3A_590, %swap3A_591] {strides = array<i32>} : memref<2x40x128xf32, #tpu.memory_space<vmem>>, vector<1x1x16xf32>,
        %swap3A_593 = vector.shape_cast %swap3A_592 : vector<1x1x16xf32> to vector<16xf32>
        %swap3A_594 = vector.shape_cast %mul3A_587 : vector<16xf32> to vector<1x1x16xf32>
        tpu.vector_store %arg9[%swap3A_589, %swap3A_590, %swap3A_591], %swap3A_594 {strides = array<i32>} : memref<2x40x128xf32, #tpu.memory_space<vmem>>, vector<1x1x16xf32>,
        %get3A_595 = arith.constant 0 : i32
        %get3A_596 = arith.index_cast %get3A_595 : i32 to index
        %get3A_597 = arith.index_cast %scan3A_535 : i32 to index
        %get3A_598 = arith.constant 48 : index
        %get3A_599 = tpu.vector_load %arg9[%get3A_596, %get3A_597, %get3A_598] {strides = array<i32>} : memref<2x40x128xf32, #tpu.memory_space<vmem>>, vector<1x1x16xf32>,
        %get3A_600 = vector.shape_cast %get3A_599 : vector<1x1x16xf32> to vector<16xf32>
        %get3A_601 = arith.constant 0 : i32
        %get3A_602 = arith.index_cast %get3A_601 : i32 to index
        %get3A_603 = arith.index_cast %scan3A_535 : i32 to index
        %get3A_604 = arith.constant 48 : index
        %get3A_605 = tpu.vector_load %arg10[%get3A_602, %get3A_603, %get3A_604] {strides = array<i32>} : memref<2x40x128xf32, #tpu.memory_space<vmem>>, vector<1x1x16xf32>,
        %get3A_606 = vector.shape_cast %get3A_605 : vector<1x1x16xf32> to vector<16xf32>
        %mul3A_607 = arith.mulf %get3A_600, %get3A_606 : vector<16xf32>
        %swap3A_608 = arith.constant 0 : i32
        %swap3A_609 = arith.index_cast %swap3A_608 : i32 to index
        %swap3A_610 = arith.index_cast %scan3A_535 : i32 to index
        %swap3A_611 = arith.constant 48 : index
        %swap3A_612 = tpu.vector_load %arg9[%swap3A_609, %swap3A_610, %swap3A_611] {strides = array<i32>} : memref<2x40x128xf32, #tpu.memory_space<vmem>>, vector<1x1x16xf32>,
        %swap3A_613 = vector.shape_cast %swap3A_612 : vector<1x1x16xf32> to vector<16xf32>
        %swap3A_614 = vector.shape_cast %mul3A_607 : vector<16xf32> to vector<1x1x16xf32>
        tpu.vector_store %arg9[%swap3A_609, %swap3A_610, %swap3A_611], %swap3A_614 {strides = array<i32>} : memref<2x40x128xf32, #tpu.memory_space<vmem>>, vector<1x1x16xf32>,
        %get3A_615 = arith.constant 0 : i32
        %get3A_616 = arith.index_cast %get3A_615 : i32 to index
        %get3A_617 = arith.index_cast %scan3A_535 : i32 to index
        %get3A_618 = arith.constant 64 : index
        %get3A_619 = tpu.vector_load %arg9[%get3A_616, %get3A_617, %get3A_618] {strides = array<i32>} : memref<2x40x128xf32, #tpu.memory_space<vmem>>, vector<1x1x16xf32>,
        %get3A_620 = vector.shape_cast %get3A_619 : vector<1x1x16xf32> to vector<16xf32>
        %get3A_621 = arith.constant 0 : i32
        %get3A_622 = arith.index_cast %get3A_621 : i32 to index
        %get3A_623 = arith.index_cast %scan3A_535 : i32 to index
        %get3A_624 = arith.constant 64 : index
        %get3A_625 = tpu.vector_load %arg10[%get3A_622, %get3A_623, %get3A_624] {strides = array<i32>} : memref<2x40x128xf32, #tpu.memory_space<vmem>>, vector<1x1x16xf32>,
        %get3A_626 = vector.shape_cast %get3A_625 : vector<1x1x16xf32> to vector<16xf32>
        %mul3A_627 = arith.mulf %get3A_620, %get3A_626 : vector<16xf32>
        %swap3A_628 = arith.constant 0 : i32
        %swap3A_629 = arith.index_cast %swap3A_628 : i32 to index
        %swap3A_630 = arith.index_cast %scan3A_535 : i32 to index
        %swap3A_631 = arith.constant 64 : index
        %swap3A_632 = tpu.vector_load %arg9[%swap3A_629, %swap3A_630, %swap3A_631] {strides = array<i32>} : memref<2x40x128xf32, #tpu.memory_space<vmem>>, vector<1x1x16xf32>,
        %swap3A_633 = vector.shape_cast %swap3A_632 : vector<1x1x16xf32> to vector<16xf32>
        %swap3A_634 = vector.shape_cast %mul3A_627 : vector<16xf32> to vector<1x1x16xf32>
        tpu.vector_store %arg9[%swap3A_629, %swap3A_630, %swap3A_631], %swap3A_634 {strides = array<i32>} : memref<2x40x128xf32, #tpu.memory_space<vmem>>, vector<1x1x16xf32>,
        %get3A_635 = arith.constant 0 : i32
        %get3A_636 = arith.index_cast %get3A_635 : i32 to index
        %get3A_637 = arith.index_cast %scan3A_535 : i32 to index
        %get3A_638 = arith.constant 80 : index
        %get3A_639 = tpu.vector_load %arg9[%get3A_636, %get3A_637, %get3A_638] {strides = array<i32>} : memref<2x40x128xf32, #tpu.memory_space<vmem>>, vector<1x1x16xf32>,
        %get3A_640 = vector.shape_cast %get3A_639 : vector<1x1x16xf32> to vector<16xf32>
        %get3A_641 = arith.constant 0 : i32
        %get3A_642 = arith.index_cast %get3A_641 : i32 to index
        %get3A_643 = arith.index_cast %scan3A_535 : i32 to index
        %get3A_644 = arith.constant 80 : index
        %get3A_645 = tpu.vector_load %arg10[%get3A_642, %get3A_643, %get3A_644] {strides = array<i32>} : memref<2x40x128xf32, #tpu.memory_space<vmem>>, vector<1x1x16xf32>,
        %get3A_646 = vector.shape_cast %get3A_645 : vector<1x1x16xf32> to vector<16xf32>
        %mul3A_647 = arith.mulf %get3A_640, %get3A_646 : vector<16xf32>
        %swap3A_648 = arith.constant 0 : i32
        %swap3A_649 = arith.index_cast %swap3A_648 : i32 to index
        %swap3A_650 = arith.index_cast %scan3A_535 : i32 to index
        %swap3A_651 = arith.constant 80 : index
        %swap3A_652 = tpu.vector_load %arg9[%swap3A_649, %swap3A_650, %swap3A_651] {strides = array<i32>} : memref<2x40x128xf32, #tpu.memory_space<vmem>>, vector<1x1x16xf32>,
        %swap3A_653 = vector.shape_cast %swap3A_652 : vector<1x1x16xf32> to vector<16xf32>
        %swap3A_654 = vector.shape_cast %mul3A_647 : vector<16xf32> to vector<1x1x16xf32>
        tpu.vector_store %arg9[%swap3A_649, %swap3A_650, %swap3A_651], %swap3A_654 {strides = array<i32>} : memref<2x40x128xf32, #tpu.memory_space<vmem>>, vector<1x1x16xf32>,
        %get3A_655 = arith.constant 0 : i32
        %get3A_656 = arith.index_cast %get3A_655 : i32 to index
        %get3A_657 = arith.index_cast %scan3A_535 : i32 to index
        %get3A_658 = arith.constant 96 : index
        %get3A_659 = tpu.vector_load %arg9[%get3A_656, %get3A_657, %get3A_658] {strides = array<i32>} : memref<2x40x128xf32, #tpu.memory_space<vmem>>, vector<1x1x16xf32>,
        %get3A_660 = vector.shape_cast %get3A_659 : vector<1x1x16xf32> to vector<16xf32>
        %get3A_661 = arith.constant 0 : i32
        %get3A_662 = arith.index_cast %get3A_661 : i32 to index
        %get3A_663 = arith.index_cast %scan3A_535 : i32 to index
        %get3A_664 = arith.constant 96 : index
        %get3A_665 = tpu.vector_load %arg10[%get3A_662, %get3A_663, %get3A_664] {strides = array<i32>} : memref<2x40x128xf32, #tpu.memory_space<vmem>>, vector<1x1x16xf32>,
        %get3A_666 = vector.shape_cast %get3A_665 : vector<1x1x16xf32> to vector<16xf32>
        %mul3A_667 = arith.mulf %get3A_660, %get3A_666 : vector<16xf32>
        %swap3A_668 = arith.constant 0 : i32
        %swap3A_669 = arith.index_cast %swap3A_668 : i32 to index
        %swap3A_670 = arith.index_cast %scan3A_535 : i32 to index
        %swap3A_671 = arith.constant 96 : index
        %swap3A_672 = tpu.vector_load %arg9[%swap3A_669, %swap3A_670, %swap3A_671] {strides = array<i32>} : memref<2x40x128xf32, #tpu.memory_space<vmem>>, vector<1x1x16xf32>,
        %swap3A_673 = vector.shape_cast %swap3A_672 : vector<1x1x16xf32> to vector<16xf32>
        %swap3A_674 = vector.shape_cast %mul3A_667 : vector<16xf32> to vector<1x1x16xf32>
        tpu.vector_store %arg9[%swap3A_669, %swap3A_670, %swap3A_671], %swap3A_674 {strides = array<i32>} : memref<2x40x128xf32, #tpu.memory_space<vmem>>, vector<1x1x16xf32>,
        %get3A_675 = arith.constant 0 : i32
        %get3A_676 = arith.index_cast %get3A_675 : i32 to index
        %get3A_677 = arith.index_cast %scan3A_535 : i32 to index
        %get3A_678 = arith.constant 112 : index
        %get3A_679 = tpu.vector_load %arg9[%get3A_676, %get3A_677, %get3A_678] {strides = array<i32>} : memref<2x40x128xf32, #tpu.memory_space<vmem>>, vector<1x1x16xf32>,
        %get3A_680 = vector.shape_cast %get3A_679 : vector<1x1x16xf32> to vector<16xf32>
        %get3A_681 = arith.constant 0 : i32
        %get3A_682 = arith.index_cast %get3A_681 : i32 to index
        %get3A_683 = arith.index_cast %scan3A_535 : i32 to index
        %get3A_684 = arith.constant 112 : index
        %get3A_685 = tpu.vector_load %arg10[%get3A_682, %get3A_683, %get3A_684] {strides = array<i32>} : memref<2x40x128xf32, #tpu.memory_space<vmem>>, vector<1x1x16xf32>,
        %get3A_686 = vector.shape_cast %get3A_685 : vector<1x1x16xf32> to vector<16xf32>
        %mul3A_687 = arith.mulf %get3A_680, %get3A_686 : vector<16xf32>
        %swap3A_688 = arith.constant 0 : i32
        %swap3A_689 = arith.index_cast %swap3A_688 : i32 to index
        %swap3A_690 = arith.index_cast %scan3A_535 : i32 to index
        %swap3A_691 = arith.constant 112 : index
        %swap3A_692 = tpu.vector_load %arg9[%swap3A_689, %swap3A_690, %swap3A_691] {strides = array<i32>} : memref<2x40x128xf32, #tpu.memory_space<vmem>>, vector<1x1x16xf32>,
        %swap3A_693 = vector.shape_cast %swap3A_692 : vector<1x1x16xf32> to vector<16xf32>
        %swap3A_694 = vector.shape_cast %mul3A_687 : vector<16xf32> to vector<1x1x16xf32>
        tpu.vector_store %arg9[%swap3A_689, %swap3A_690, %swap3A_691], %swap3A_694 {strides = array<i32>} : memref<2x40x128xf32, #tpu.memory_space<vmem>>, vector<1x1x16xf32>,
        %scan3A_695 = arith.constant 0 : i32
        scf.yield %scan3A_695 : i32
      }
      %scan3A_419 = arith.constant 40 : i32
      %dma_start3A_420 = arith.constant 0 : i32
      %dma_start3A_421 = arith.constant 0 : i32
      %dma_start3A_422 = arith.constant 0 : i32
      %dma_start3A_423 = arith.constant 0 : i32
      %dma_start3A_424 = tpu.memref_slice %arg9[%dma_start3A_420, %dma_start3A_422, %dma_start3A_423] : memref<2x40x128xf32, #tpu.memory_space<vmem>> -> memref<1x40x128xf32, #tpu.memory_space<vmem>>
      %dma_start3A_425 = tpu.memref_squeeze %dma_start3A_424 : memref<1x40x128xf32, #tpu.memory_space<vmem>> -> memref<40x128xf32, #tpu.memory_space<vmem>>
      %dma_start3A_426 = arith.constant 0 : i32
      %dma_start3A_427 = tpu.memref_slice %arg12[%dma_start3A_421, %dma_start3A_426] : memref<2x40xi32, #tpu.memory_space<vmem>> -> memref<1x40xi32, #tpu.memory_space<vmem>>
      %dma_start3A_428 = tpu.memref_squeeze %dma_start3A_427 : memref<1x40xi32, #tpu.memory_space<vmem>> -> memref<40xi32, #tpu.memory_space<vmem>>
      %dma_start3A_429 = arith.constant 0 : i32
      %dma_start3A_430 = arith.constant 0 : i32
      %dma_start3A_431 = tpu.memref_slice %arg8[%dma_start3A_429, %dma_start3A_430] : memref<10240x128xf32, #tpu.memory_space<vmem_shared>> -> memref<10240x128xf32, #tpu.memory_space<vmem_shared>>
      tpu.enqueue_indirect_dma source(%dma_start3A_425 : memref<40x128xf32, #tpu.memory_space<vmem>>) target(%dma_start3A_431 : memref<10240x128xf32, #tpu.memory_space<vmem_shared>>) offsets(%dma_start3A_428 : memref<40xi32, #tpu.memory_space<vmem>>) semaphore(%arg15 : memref<!tpu.dma_semaphore, #tpu.memory_space<semaphore_mem>>) {add = true}
      %add3A_432 = arith.constant 1 : i32
      %add3A_433 = arith.addi %mul3A_313, %add3A_432 : i32
      %add3A_434 = arith.constant 2 : i32
      %add3A_435 = arith.addi %mul3A_313, %add3A_434 : i32
      %add3A_436 = arith.constant 2 : i32
      %add3A_437 = arith.addi %mul3A_313, %add3A_436 : i32
      %lt3A = arith.constant 250 : i32
      %lt3A_438 = arith.cmpi slt, %add3A_437, %lt3A : i32
      %dma_wait3A_439 = arith.constant 1 : i32
      %dma_wait3A_440 = arith.constant 0 : i32
      %dma_wait3A_441 = tpu.memref_slice %arg12[%dma_wait3A_439, %dma_wait3A_440] : memref<2x40xi32, #tpu.memory_space<vmem>> -> memref<1x40xi32, #tpu.memory_space<vmem>>
      %dma_wait3A_442 = tpu.memref_squeeze %dma_wait3A_441 : memref<1x40xi32, #tpu.memory_space<vmem>> -> memref<40xi32, #tpu.memory_space<vmem>>
      %dma_wait3A_443 = arith.constant 0 : i32
      %dma_wait3A_444 = tpu.memref_slice %arg4[%dma_wait3A_443] : memref<320000xi32, #tpu.memory_space<hbm>> -> memref<40xi32, #tpu.memory_space<hbm>>
      %dma_wait3A_445 = arith.constant 0 : i32
      %dma_wait3A_446 = tpu.memref_slice %arg12[%dma_wait3A_439, %dma_wait3A_445] : memref<2x40xi32, #tpu.memory_space<vmem>> -> memref<1x40xi32, #tpu.memory_space<vmem>>
      %dma_wait3A_447 = tpu.memref_squeeze %dma_wait3A_446 : memref<1x40xi32, #tpu.memory_space<vmem>> -> memref<40xi32, #tpu.memory_space<vmem>>
      %dma_wait3A_448 = arith.constant 0 : i32
      %dma_wait3A_449 = tpu.memref_slice %arg4[%dma_wait3A_448] : memref<320000xi32, #tpu.memory_space<hbm>> -> memref<40xi32, #tpu.memory_space<hbm>>
      tpu.wait_dma2 semaphore(%arg13 : memref<!tpu.dma_semaphore, #tpu.memory_space<semaphore_mem>>) src(%dma_wait3A_449 : memref<40xi32, #tpu.memory_space<hbm>>) dst(%dma_wait3A_447 : memref<40xi32, #tpu.memory_space<vmem>>)
      %dma_wait3A_450 = arith.constant 1 : i32
      %dma_wait3A_451 = arith.constant 0 : i32
      %dma_wait3A_452 = tpu.memref_slice %arg11[%dma_wait3A_450, %dma_wait3A_451] : memref<2x40xi32, #tpu.memory_space<vmem>> -> memref<1x40xi32, #tpu.memory_space<vmem>>
      %dma_wait3A_453 = tpu.memref_squeeze %dma_wait3A_452 : memref<1x40xi32, #tpu.memory_space<vmem>> -> memref<40xi32, #tpu.memory_space<vmem>>
      %dma_wait3A_454 = arith.constant 0 : i32
      %dma_wait3A_455 = tpu.memref_slice %arg3[%dma_wait3A_454] : memref<320000xi32, #tpu.memory_space<hbm>> -> memref<40xi32, #tpu.memory_space<hbm>>
      %dma_wait3A_456 = arith.constant 0 : i32
      %dma_wait3A_457 = tpu.memref_slice %arg11[%dma_wait3A_450, %dma_wait3A_456] : memref<2x40xi32, #tpu.memory_space<vmem>> -> memref<1x40xi32, #tpu.memory_space<vmem>>
      %dma_wait3A_458 = tpu.memref_squeeze %dma_wait3A_457 : memref<1x40xi32, #tpu.memory_space<vmem>> -> memref<40xi32, #tpu.memory_space<vmem>>
      %dma_wait3A_459 = arith.constant 0 : i32
      %dma_wait3A_460 = tpu.memref_slice %arg3[%dma_wait3A_459] : memref<320000xi32, #tpu.memory_space<hbm>> -> memref<40xi32, #tpu.memory_space<hbm>>
      tpu.wait_dma2 semaphore(%arg13 : memref<!tpu.dma_semaphore, #tpu.memory_space<semaphore_mem>>) src(%dma_wait3A_460 : memref<40xi32, #tpu.memory_space<hbm>>) dst(%dma_wait3A_458 : memref<40xi32, #tpu.memory_space<vmem>>)
      %dma_wait3A_461 = arith.constant 1 : i32
      %dma_wait3A_462 = arith.constant 0 : i32
      %dma_wait3A_463 = arith.constant 0 : i32
      %dma_wait3A_464 = tpu.memref_slice %arg9[%dma_wait3A_461, %dma_wait3A_462, %dma_wait3A_463] : memref<2x40x128xf32, #tpu.memory_space<vmem>> -> memref<1x40x128xf32, #tpu.memory_space<vmem>>
      %dma_wait3A_465 = tpu.memref_squeeze %dma_wait3A_464 : memref<1x40x128xf32, #tpu.memory_space<vmem>> -> memref<40x128xf32, #tpu.memory_space<vmem>>
      %dma_wait3A_466 = arith.constant 0 : i32
      %dma_wait3A_467 = arith.constant 0 : i32
      %dma_wait3A_468 = tpu.memref_slice %arg2[%dma_wait3A_466, %dma_wait3A_467] : memref<320000x128xf32, #tpu.memory_space<hbm>> -> memref<40x128xf32, #tpu.memory_space<hbm>>
      %dma_wait3A_469 = arith.constant 0 : i32
      %dma_wait3A_470 = arith.constant 0 : i32
      %dma_wait3A_471 = tpu.memref_slice %arg9[%dma_wait3A_461, %dma_wait3A_469, %dma_wait3A_470] : memref<2x40x128xf32, #tpu.memory_space<vmem>> -> memref<1x40x128xf32, #tpu.memory_space<vmem>>
      %dma_wait3A_472 = tpu.memref_squeeze %dma_wait3A_471 : memref<1x40x128xf32, #tpu.memory_space<vmem>> -> memref<40x128xf32, #tpu.memory_space<vmem>>
      %dma_wait3A_473 = arith.constant 0 : i32
      %dma_wait3A_474 = arith.constant 0 : i32
      %dma_wait3A_475 = tpu.memref_slice %arg2[%dma_wait3A_473, %dma_wait3A_474] : memref<320000x128xf32, #tpu.memory_space<hbm>> -> memref<40x128xf32, #tpu.memory_space<hbm>>
      tpu.wait_dma2 semaphore(%arg13 : memref<!tpu.dma_semaphore, #tpu.memory_space<semaphore_mem>>) src(%dma_wait3A_475 : memref<40x128xf32, #tpu.memory_space<hbm>>) dst(%dma_wait3A_472 : memref<40x128xf32, #tpu.memory_space<vmem>>)
      %dma_start3A_476 = arith.constant 1 : i32
      %dma_start3A_477 = arith.constant 1 : i32
      %dma_start3A_478 = arith.constant 0 : i32
      %dma_start3A_479 = arith.constant 0 : i32
      %dma_start3A_480 = tpu.memref_slice %arg10[%dma_start3A_477, %dma_start3A_478, %dma_start3A_479] : memref<2x40x128xf32, #tpu.memory_space<vmem>> -> memref<1x40x128xf32, #tpu.memory_space<vmem>>
      %dma_start3A_481 = tpu.memref_squeeze %dma_start3A_480 : memref<1x40x128xf32, #tpu.memory_space<vmem>> -> memref<40x128xf32, #tpu.memory_space<vmem>>
      %dma_start3A_482 = arith.constant 0 : i32
      %dma_start3A_483 = tpu.memref_slice %arg11[%dma_start3A_476, %dma_start3A_482] : memref<2x40xi32, #tpu.memory_space<vmem>> -> memref<1x40xi32, #tpu.memory_space<vmem>>
      %dma_start3A_484 = tpu.memref_squeeze %dma_start3A_483 : memref<1x40xi32, #tpu.memory_space<vmem>> -> memref<40xi32, #tpu.memory_space<vmem>>
      %dma_start3A_485 = arith.constant 0 : i32
      %dma_start3A_486 = arith.constant 0 : i32
      %dma_start3A_487 = tpu.memref_slice %arg5[%dma_start3A_485, %dma_start3A_486] : memref<10000x128xf32, #tpu.memory_space<hbm>> -> memref<10000x128xf32, #tpu.memory_space<hbm>>
      tpu.enqueue_indirect_dma source(%dma_start3A_487 : memref<10000x128xf32, #tpu.memory_space<hbm>>) target(%dma_start3A_481 : memref<40x128xf32, #tpu.memory_space<vmem>>) offsets(%dma_start3A_484 : memref<40xi32, #tpu.memory_space<vmem>>) semaphore(%arg14 : memref<!tpu.dma_semaphore, #tpu.memory_space<semaphore_mem>>)
      %dma_wait3A_488 = arith.constant 0 : i32
      %dma_wait3A_489 = arith.constant 0 : i32
      %dma_wait3A_490 = arith.constant 0 : i32
      %dma_wait3A_491 = arith.constant 0 : i32
      %dma_wait3A_492 = tpu.memref_slice %arg9[%dma_wait3A_488, %dma_wait3A_490, %dma_wait3A_491] : memref<2x40x128xf32, #tpu.memory_space<vmem>> -> memref<1x40x128xf32, #tpu.memory_space<vmem>>
      %dma_wait3A_493 = tpu.memref_squeeze %dma_wait3A_492 : memref<1x40x128xf32, #tpu.memory_space<vmem>> -> memref<40x128xf32, #tpu.memory_space<vmem>>
      %dma_wait3A_494 = arith.constant 0 : i32
      %dma_wait3A_495 = tpu.memref_slice %arg12[%dma_wait3A_489, %dma_wait3A_494] : memref<2x40xi32, #tpu.memory_space<vmem>> -> memref<1x40xi32, #tpu.memory_space<vmem>>
      %dma_wait3A_496 = tpu.memref_squeeze %dma_wait3A_495 : memref<1x40xi32, #tpu.memory_space<vmem>> -> memref<40xi32, #tpu.memory_space<vmem>>
      %dma_wait3A_497 = arith.constant 0 : i32
      %dma_wait3A_498 = arith.constant 0 : i32
      %dma_wait3A_499 = tpu.memref_slice %arg8[%dma_wait3A_497, %dma_wait3A_498] : memref<10240x128xf32, #tpu.memory_space<vmem_shared>> -> memref<10240x128xf32, #tpu.memory_space<vmem_shared>>
      tpu.wait_indirect_dma semaphore(%arg15 : memref<!tpu.dma_semaphore, #tpu.memory_space<semaphore_mem>>) src(%dma_wait3A_493 : memref<40x128xf32, #tpu.memory_space<vmem>>) dst(%dma_wait3A_499 : memref<10240x128xf32, #tpu.memory_space<vmem_shared>>)
      %convert_element_type3A_500 = arith.extui %lt3A_438 : i1 to i32
      %cond3A_501 = arith.constant 0 : i32
      %cond3A_502 = arith.cmpi ne, %convert_element_type3A_500, %cond3A_501 : i32
      scf.if %cond3A_502 {
        %mul3A_535 = arith.constant 40 : i32
        %mul3A_536 = arith.muli %add3A_435, %mul3A_535 : i32
        %add3A_537 = arith.addi %mul3A_5, %mul3A_536 : i32
        %dma_start3A_538 = arith.constant 0 : i32
        %dma_start3A_539 = arith.constant 0 : i32
        %dma_start3A_540 = tpu.memref_slice %arg12[%dma_start3A_538, %dma_start3A_539] : memref<2x40xi32, #tpu.memory_space<vmem>> -> memref<1x40xi32, #tpu.memory_space<vmem>>
        %dma_start3A_541 = tpu.memref_squeeze %dma_start3A_540 : memref<1x40xi32, #tpu.memory_space<vmem>> -> memref<40xi32, #tpu.memory_space<vmem>>
        %dma_start3A_542 = tpu.memref_slice %arg4[%add3A_537] : memref<320000xi32, #tpu.memory_space<hbm>> -> memref<40xi32, #tpu.memory_space<hbm>>
        %dma_start3A_543 = arith.constant 0 : i32
        %dma_start3A_544 = tpu.memref_slice %arg12[%dma_start3A_538, %dma_start3A_543] : memref<2x40xi32, #tpu.memory_space<vmem>> -> memref<1x40xi32, #tpu.memory_space<vmem>>
        %dma_start3A_545 = tpu.memref_squeeze %dma_start3A_544 : memref<1x40xi32, #tpu.memory_space<vmem>> -> memref<40xi32, #tpu.memory_space<vmem>>
        %dma_start3A_546 = tpu.memref_slice %arg4[%add3A_537] : memref<320000xi32, #tpu.memory_space<hbm>> -> memref<40xi32, #tpu.memory_space<hbm>>
        tpu.enqueue_dma source(%dma_start3A_546 : memref<40xi32, #tpu.memory_space<hbm>>) target(%dma_start3A_545 : memref<40xi32, #tpu.memory_space<vmem>>) target_semaphore(%arg13 : memref<!tpu.dma_semaphore, #tpu.memory_space<semaphore_mem>>)
        %dma_start3A_547 = arith.constant 0 : i32
        %dma_start3A_548 = arith.constant 0 : i32
        %dma_start3A_549 = tpu.memref_slice %arg11[%dma_start3A_547, %dma_start3A_548] : memref<2x40xi32, #tpu.memory_space<vmem>> -> memref<1x40xi32, #tpu.memory_space<vmem>>
        %dma_start3A_550 = tpu.memref_squeeze %dma_start3A_549 : memref<1x40xi32, #tpu.memory_space<vmem>> -> memref<40xi32, #tpu.memory_space<vmem>>
        %dma_start3A_551 = tpu.memref_slice %arg3[%add3A_537] : memref<320000xi32, #tpu.memory_space<hbm>> -> memref<40xi32, #tpu.memory_space<hbm>>
        %dma_start3A_552 = arith.constant 0 : i32
        %dma_start3A_553 = tpu.memref_slice %arg11[%dma_start3A_547, %dma_start3A_552] : memref<2x40xi32, #tpu.memory_space<vmem>> -> memref<1x40xi32, #tpu.memory_space<vmem>>
        %dma_start3A_554 = tpu.memref_squeeze %dma_start3A_553 : memref<1x40xi32, #tpu.memory_space<vmem>> -> memref<40xi32, #tpu.memory_space<vmem>>
        %dma_start3A_555 = tpu.memref_slice %arg3[%add3A_537] : memref<320000xi32, #tpu.memory_space<hbm>> -> memref<40xi32, #tpu.memory_space<hbm>>
        tpu.enqueue_dma source(%dma_start3A_555 : memref<40xi32, #tpu.memory_space<hbm>>) target(%dma_start3A_554 : memref<40xi32, #tpu.memory_space<vmem>>) target_semaphore(%arg13 : memref<!tpu.dma_semaphore, #tpu.memory_space<semaphore_mem>>)
        %dma_start3A_556 = arith.constant 0 : i32
        %dma_start3A_557 = arith.constant 0 : i32
        %dma_start3A_558 = arith.constant 0 : i32
        %dma_start3A_559 = tpu.memref_slice %arg9[%dma_start3A_556, %dma_start3A_557, %dma_start3A_558] : memref<2x40x128xf32, #tpu.memory_space<vmem>> -> memref<1x40x128xf32, #tpu.memory_space<vmem>>
        %dma_start3A_560 = tpu.memref_squeeze %dma_start3A_559 : memref<1x40x128xf32, #tpu.memory_space<vmem>> -> memref<40x128xf32, #tpu.memory_space<vmem>>
        %dma_start3A_561 = arith.constant 0 : i32
        %dma_start3A_562 = tpu.memref_slice %arg2[%add3A_537, %dma_start3A_561] : memref<320000x128xf32, #tpu.memory_space<hbm>> -> memref<40x128xf32, #tpu.memory_space<hbm>>
        %dma_start3A_563 = arith.constant 0 : i32
        %dma_start3A_564 = arith.constant 0 : i32
        %dma_start3A_565 = tpu.memref_slice %arg9[%dma_start3A_556, %dma_start3A_563, %dma_start3A_564] : memref<2x40x128xf32, #tpu.memory_space<vmem>> -> memref<1x40x128xf32, #tpu.memory_space<vmem>>
        %dma_start3A_566 = tpu.memref_squeeze %dma_start3A_565 : memref<1x40x128xf32, #tpu.memory_space<vmem>> -> memref<40x128xf32, #tpu.memory_space<vmem>>
        %dma_start3A_567 = arith.constant 0 : i32
        %dma_start3A_568 = tpu.memref_slice %arg2[%add3A_537, %dma_start3A_567] : memref<320000x128xf32, #tpu.memory_space<hbm>> -> memref<40x128xf32, #tpu.memory_space<hbm>>
        tpu.enqueue_dma source(%dma_start3A_568 : memref<40x128xf32, #tpu.memory_space<hbm>>) target(%dma_start3A_566 : memref<40x128xf32, #tpu.memory_space<vmem>>) target_semaphore(%arg13 : memref<!tpu.dma_semaphore, #tpu.memory_space<semaphore_mem>>)
      } else {
      }
      %dma_wait3A_503 = arith.constant 1 : i32
      %dma_wait3A_504 = arith.constant 1 : i32
      %dma_wait3A_505 = arith.constant 0 : i32
      %dma_wait3A_506 = arith.constant 0 : i32
      %dma_wait3A_507 = tpu.memref_slice %arg10[%dma_wait3A_504, %dma_wait3A_505, %dma_wait3A_506] : memref<2x40x128xf32, #tpu.memory_space<vmem>> -> memref<1x40x128xf32, #tpu.memory_space<vmem>>
      %dma_wait3A_508 = tpu.memref_squeeze %dma_wait3A_507 : memref<1x40x128xf32, #tpu.memory_space<vmem>> -> memref<40x128xf32, #tpu.memory_space<vmem>>
      %dma_wait3A_509 = arith.constant 0 : i32
      %dma_wait3A_510 = tpu.memref_slice %arg11[%dma_wait3A_503, %dma_wait3A_509] : memref<2x40xi32, #tpu.memory_space<vmem>> -> memref<1x40xi32, #tpu.memory_space<vmem>>
      %dma_wait3A_511 = tpu.memref_squeeze %dma_wait3A_510 : memref<1x40xi32, #tpu.memory_space<vmem>> -> memref<40xi32, #tpu.memory_space<vmem>>
      %dma_wait3A_512 = arith.constant 0 : i32
      %dma_wait3A_513 = arith.constant 0 : i32
      %dma_wait3A_514 = tpu.memref_slice %arg5[%dma_wait3A_512, %dma_wait3A_513] : memref<10000x128xf32, #tpu.memory_space<hbm>> -> memref<10000x128xf32, #tpu.memory_space<hbm>>
      tpu.wait_indirect_dma semaphore(%arg14 : memref<!tpu.dma_semaphore, #tpu.memory_space<semaphore_mem>>) src(%dma_wait3A_514 : memref<10000x128xf32, #tpu.memory_space<hbm>>) dst(%dma_wait3A_508 : memref<40x128xf32, #tpu.memory_space<vmem>>)
      %scan3A_515 = arith.constant 0 : i32
      %scan3A_516 = arith.constant 0 : i32
      %scan3A_517 = arith.constant 40 : i32
      %scan3A_518 = arith.addi %scan3A_516, %scan3A_517 : i32
      %scan3A_519 = arith.constant 1 : i32
      %scan3A_520 = scf.for %scan3A_535 = %scan3A_516 to %scan3A_518 step %scan3A_519 iter_args(%scan3A_536 = %scan3A_515) -> (i32)  : i32 {
        %get3A = arith.constant 1 : i32
        %get3A_537 = arith.index_cast %get3A : i32 to index
        %get3A_538 = arith.index_cast %scan3A_535 : i32 to index
        %get3A_539 = arith.constant 0 : index
        %get3A_540 = tpu.vector_load %arg9[%get3A_537, %get3A_538, %get3A_539] {strides = array<i32>} : memref<2x40x128xf32, #tpu.memory_space<vmem>>, vector<1x1x16xf32>,
        %get3A_541 = vector.shape_cast %get3A_540 : vector<1x1x16xf32> to vector<16xf32>
        %get3A_542 = arith.constant 1 : i32
        %get3A_543 = arith.index_cast %get3A_542 : i32 to index
        %get3A_544 = arith.index_cast %scan3A_535 : i32 to index
        %get3A_545 = arith.constant 0 : index
        %get3A_546 = tpu.vector_load %arg10[%get3A_543, %get3A_544, %get3A_545] {strides = array<i32>} : memref<2x40x128xf32, #tpu.memory_space<vmem>>, vector<1x1x16xf32>,
        %get3A_547 = vector.shape_cast %get3A_546 : vector<1x1x16xf32> to vector<16xf32>
        %mul3A_548 = arith.mulf %get3A_541, %get3A_547 : vector<16xf32>
        %swap3A = arith.constant 1 : i32
        %swap3A_549 = arith.index_cast %swap3A : i32 to index
        %swap3A_550 = arith.index_cast %scan3A_535 : i32 to index
        %swap3A_551 = arith.constant 0 : index
        %swap3A_552 = tpu.vector_load %arg9[%swap3A_549, %swap3A_550, %swap3A_551] {strides = array<i32>} : memref<2x40x128xf32, #tpu.memory_space<vmem>>, vector<1x1x16xf32>,
        %swap3A_553 = vector.shape_cast %swap3A_552 : vector<1x1x16xf32> to vector<16xf32>
        %swap3A_554 = vector.shape_cast %mul3A_548 : vector<16xf32> to vector<1x1x16xf32>
        tpu.vector_store %arg9[%swap3A_549, %swap3A_550, %swap3A_551], %swap3A_554 {strides = array<i32>} : memref<2x40x128xf32, #tpu.memory_space<vmem>>, vector<1x1x16xf32>,
        %get3A_555 = arith.constant 1 : i32
        %get3A_556 = arith.index_cast %get3A_555 : i32 to index
        %get3A_557 = arith.index_cast %scan3A_535 : i32 to index
        %get3A_558 = arith.constant 16 : index
        %get3A_559 = tpu.vector_load %arg9[%get3A_556, %get3A_557, %get3A_558] {strides = array<i32>} : memref<2x40x128xf32, #tpu.memory_space<vmem>>, vector<1x1x16xf32>,
        %get3A_560 = vector.shape_cast %get3A_559 : vector<1x1x16xf32> to vector<16xf32>
        %get3A_561 = arith.constant 1 : i32
        %get3A_562 = arith.index_cast %get3A_561 : i32 to index
        %get3A_563 = arith.index_cast %scan3A_535 : i32 to index
        %get3A_564 = arith.constant 16 : index
        %get3A_565 = tpu.vector_load %arg10[%get3A_562, %get3A_563, %get3A_564] {strides = array<i32>} : memref<2x40x128xf32, #tpu.memory_space<vmem>>, vector<1x1x16xf32>,
        %get3A_566 = vector.shape_cast %get3A_565 : vector<1x1x16xf32> to vector<16xf32>
        %mul3A_567 = arith.mulf %get3A_560, %get3A_566 : vector<16xf32>
        %swap3A_568 = arith.constant 1 : i32
        %swap3A_569 = arith.index_cast %swap3A_568 : i32 to index
        %swap3A_570 = arith.index_cast %scan3A_535 : i32 to index
        %swap3A_571 = arith.constant 16 : index
        %swap3A_572 = tpu.vector_load %arg9[%swap3A_569, %swap3A_570, %swap3A_571] {strides = array<i32>} : memref<2x40x128xf32, #tpu.memory_space<vmem>>, vector<1x1x16xf32>,
        %swap3A_573 = vector.shape_cast %swap3A_572 : vector<1x1x16xf32> to vector<16xf32>
        %swap3A_574 = vector.shape_cast %mul3A_567 : vector<16xf32> to vector<1x1x16xf32>
        tpu.vector_store %arg9[%swap3A_569, %swap3A_570, %swap3A_571], %swap3A_574 {strides = array<i32>} : memref<2x40x128xf32, #tpu.memory_space<vmem>>, vector<1x1x16xf32>,
        %get3A_575 = arith.constant 1 : i32
        %get3A_576 = arith.index_cast %get3A_575 : i32 to index
        %get3A_577 = arith.index_cast %scan3A_535 : i32 to index
        %get3A_578 = arith.constant 32 : index
        %get3A_579 = tpu.vector_load %arg9[%get3A_576, %get3A_577, %get3A_578] {strides = array<i32>} : memref<2x40x128xf32, #tpu.memory_space<vmem>>, vector<1x1x16xf32>,
        %get3A_580 = vector.shape_cast %get3A_579 : vector<1x1x16xf32> to vector<16xf32>
        %get3A_581 = arith.constant 1 : i32
        %get3A_582 = arith.index_cast %get3A_581 : i32 to index
        %get3A_583 = arith.index_cast %scan3A_535 : i32 to index
        %get3A_584 = arith.constant 32 : index
        %get3A_585 = tpu.vector_load %arg10[%get3A_582, %get3A_583, %get3A_584] {strides = array<i32>} : memref<2x40x128xf32, #tpu.memory_space<vmem>>, vector<1x1x16xf32>,
        %get3A_586 = vector.shape_cast %get3A_585 : vector<1x1x16xf32> to vector<16xf32>
        %mul3A_587 = arith.mulf %get3A_580, %get3A_586 : vector<16xf32>
        %swap3A_588 = arith.constant 1 : i32
        %swap3A_589 = arith.index_cast %swap3A_588 : i32 to index
        %swap3A_590 = arith.index_cast %scan3A_535 : i32 to index
        %swap3A_591 = arith.constant 32 : index
        %swap3A_592 = tpu.vector_load %arg9[%swap3A_589, %swap3A_590, %swap3A_591] {strides = array<i32>} : memref<2x40x128xf32, #tpu.memory_space<vmem>>, vector<1x1x16xf32>,
        %swap3A_593 = vector.shape_cast %swap3A_592 : vector<1x1x16xf32> to vector<16xf32>
        %swap3A_594 = vector.shape_cast %mul3A_587 : vector<16xf32> to vector<1x1x16xf32>
        tpu.vector_store %arg9[%swap3A_589, %swap3A_590, %swap3A_591], %swap3A_594 {strides = array<i32>} : memref<2x40x128xf32, #tpu.memory_space<vmem>>, vector<1x1x16xf32>,
        %get3A_595 = arith.constant 1 : i32
        %get3A_596 = arith.index_cast %get3A_595 : i32 to index
        %get3A_597 = arith.index_cast %scan3A_535 : i32 to index
        %get3A_598 = arith.constant 48 : index
        %get3A_599 = tpu.vector_load %arg9[%get3A_596, %get3A_597, %get3A_598] {strides = array<i32>} : memref<2x40x128xf32, #tpu.memory_space<vmem>>, vector<1x1x16xf32>,
        %get3A_600 = vector.shape_cast %get3A_599 : vector<1x1x16xf32> to vector<16xf32>
        %get3A_601 = arith.constant 1 : i32
        %get3A_602 = arith.index_cast %get3A_601 : i32 to index
        %get3A_603 = arith.index_cast %scan3A_535 : i32 to index
        %get3A_604 = arith.constant 48 : index
        %get3A_605 = tpu.vector_load %arg10[%get3A_602, %get3A_603, %get3A_604] {strides = array<i32>} : memref<2x40x128xf32, #tpu.memory_space<vmem>>, vector<1x1x16xf32>,
        %get3A_606 = vector.shape_cast %get3A_605 : vector<1x1x16xf32> to vector<16xf32>
        %mul3A_607 = arith.mulf %get3A_600, %get3A_606 : vector<16xf32>
        %swap3A_608 = arith.constant 1 : i32
        %swap3A_609 = arith.index_cast %swap3A_608 : i32 to index
        %swap3A_610 = arith.index_cast %scan3A_535 : i32 to index
        %swap3A_611 = arith.constant 48 : index
        %swap3A_612 = tpu.vector_load %arg9[%swap3A_609, %swap3A_610, %swap3A_611] {strides = array<i32>} : memref<2x40x128xf32, #tpu.memory_space<vmem>>, vector<1x1x16xf32>,
        %swap3A_613 = vector.shape_cast %swap3A_612 : vector<1x1x16xf32> to vector<16xf32>
        %swap3A_614 = vector.shape_cast %mul3A_607 : vector<16xf32> to vector<1x1x16xf32>
        tpu.vector_store %arg9[%swap3A_609, %swap3A_610, %swap3A_611], %swap3A_614 {strides = array<i32>} : memref<2x40x128xf32, #tpu.memory_space<vmem>>, vector<1x1x16xf32>,
        %get3A_615 = arith.constant 1 : i32
        %get3A_616 = arith.index_cast %get3A_615 : i32 to index
        %get3A_617 = arith.index_cast %scan3A_535 : i32 to index
        %get3A_618 = arith.constant 64 : index
        %get3A_619 = tpu.vector_load %arg9[%get3A_616, %get3A_617, %get3A_618] {strides = array<i32>} : memref<2x40x128xf32, #tpu.memory_space<vmem>>, vector<1x1x16xf32>,
        %get3A_620 = vector.shape_cast %get3A_619 : vector<1x1x16xf32> to vector<16xf32>
        %get3A_621 = arith.constant 1 : i32
        %get3A_622 = arith.index_cast %get3A_621 : i32 to index
        %get3A_623 = arith.index_cast %scan3A_535 : i32 to index
        %get3A_624 = arith.constant 64 : index
        %get3A_625 = tpu.vector_load %arg10[%get3A_622, %get3A_623, %get3A_624] {strides = array<i32>} : memref<2x40x128xf32, #tpu.memory_space<vmem>>, vector<1x1x16xf32>,
        %get3A_626 = vector.shape_cast %get3A_625 : vector<1x1x16xf32> to vector<16xf32>
        %mul3A_627 = arith.mulf %get3A_620, %get3A_626 : vector<16xf32>
        %swap3A_628 = arith.constant 1 : i32
        %swap3A_629 = arith.index_cast %swap3A_628 : i32 to index
        %swap3A_630 = arith.index_cast %scan3A_535 : i32 to index
        %swap3A_631 = arith.constant 64 : index
        %swap3A_632 = tpu.vector_load %arg9[%swap3A_629, %swap3A_630, %swap3A_631] {strides = array<i32>} : memref<2x40x128xf32, #tpu.memory_space<vmem>>, vector<1x1x16xf32>,
        %swap3A_633 = vector.shape_cast %swap3A_632 : vector<1x1x16xf32> to vector<16xf32>
        %swap3A_634 = vector.shape_cast %mul3A_627 : vector<16xf32> to vector<1x1x16xf32>
        tpu.vector_store %arg9[%swap3A_629, %swap3A_630, %swap3A_631], %swap3A_634 {strides = array<i32>} : memref<2x40x128xf32, #tpu.memory_space<vmem>>, vector<1x1x16xf32>,
        %get3A_635 = arith.constant 1 : i32
        %get3A_636 = arith.index_cast %get3A_635 : i32 to index
        %get3A_637 = arith.index_cast %scan3A_535 : i32 to index
        %get3A_638 = arith.constant 80 : index
        %get3A_639 = tpu.vector_load %arg9[%get3A_636, %get3A_637, %get3A_638] {strides = array<i32>} : memref<2x40x128xf32, #tpu.memory_space<vmem>>, vector<1x1x16xf32>,
        %get3A_640 = vector.shape_cast %get3A_639 : vector<1x1x16xf32> to vector<16xf32>
        %get3A_641 = arith.constant 1 : i32
        %get3A_642 = arith.index_cast %get3A_641 : i32 to index
        %get3A_643 = arith.index_cast %scan3A_535 : i32 to index
        %get3A_644 = arith.constant 80 : index
        %get3A_645 = tpu.vector_load %arg10[%get3A_642, %get3A_643, %get3A_644] {strides = array<i32>} : memref<2x40x128xf32, #tpu.memory_space<vmem>>, vector<1x1x16xf32>,
        %get3A_646 = vector.shape_cast %get3A_645 : vector<1x1x16xf32> to vector<16xf32>
        %mul3A_647 = arith.mulf %get3A_640, %get3A_646 : vector<16xf32>
        %swap3A_648 = arith.constant 1 : i32
        %swap3A_649 = arith.index_cast %swap3A_648 : i32 to index
        %swap3A_650 = arith.index_cast %scan3A_535 : i32 to index
        %swap3A_651 = arith.constant 80 : index
        %swap3A_652 = tpu.vector_load %arg9[%swap3A_649, %swap3A_650, %swap3A_651] {strides = array<i32>} : memref<2x40x128xf32, #tpu.memory_space<vmem>>, vector<1x1x16xf32>,
        %swap3A_653 = vector.shape_cast %swap3A_652 : vector<1x1x16xf32> to vector<16xf32>
        %swap3A_654 = vector.shape_cast %mul3A_647 : vector<16xf32> to vector<1x1x16xf32>
        tpu.vector_store %arg9[%swap3A_649, %swap3A_650, %swap3A_651], %swap3A_654 {strides = array<i32>} : memref<2x40x128xf32, #tpu.memory_space<vmem>>, vector<1x1x16xf32>,
        %get3A_655 = arith.constant 1 : i32
        %get3A_656 = arith.index_cast %get3A_655 : i32 to index
        %get3A_657 = arith.index_cast %scan3A_535 : i32 to index
        %get3A_658 = arith.constant 96 : index
        %get3A_659 = tpu.vector_load %arg9[%get3A_656, %get3A_657, %get3A_658] {strides = array<i32>} : memref<2x40x128xf32, #tpu.memory_space<vmem>>, vector<1x1x16xf32>,
        %get3A_660 = vector.shape_cast %get3A_659 : vector<1x1x16xf32> to vector<16xf32>
        %get3A_661 = arith.constant 1 : i32
        %get3A_662 = arith.index_cast %get3A_661 : i32 to index
        %get3A_663 = arith.index_cast %scan3A_535 : i32 to index
        %get3A_664 = arith.constant 96 : index
        %get3A_665 = tpu.vector_load %arg10[%get3A_662, %get3A_663, %get3A_664] {strides = array<i32>} : memref<2x40x128xf32, #tpu.memory_space<vmem>>, vector<1x1x16xf32>,
        %get3A_666 = vector.shape_cast %get3A_665 : vector<1x1x16xf32> to vector<16xf32>
        %mul3A_667 = arith.mulf %get3A_660, %get3A_666 : vector<16xf32>
        %swap3A_668 = arith.constant 1 : i32
        %swap3A_669 = arith.index_cast %swap3A_668 : i32 to index
        %swap3A_670 = arith.index_cast %scan3A_535 : i32 to index
        %swap3A_671 = arith.constant 96 : index
        %swap3A_672 = tpu.vector_load %arg9[%swap3A_669, %swap3A_670, %swap3A_671] {strides = array<i32>} : memref<2x40x128xf32, #tpu.memory_space<vmem>>, vector<1x1x16xf32>,
        %swap3A_673 = vector.shape_cast %swap3A_672 : vector<1x1x16xf32> to vector<16xf32>
        %swap3A_674 = vector.shape_cast %mul3A_667 : vector<16xf32> to vector<1x1x16xf32>
        tpu.vector_store %arg9[%swap3A_669, %swap3A_670, %swap3A_671], %swap3A_674 {strides = array<i32>} : memref<2x40x128xf32, #tpu.memory_space<vmem>>, vector<1x1x16xf32>,
        %get3A_675 = arith.constant 1 : i32
        %get3A_676 = arith.index_cast %get3A_675 : i32 to index
        %get3A_677 = arith.index_cast %scan3A_535 : i32 to index
        %get3A_678 = arith.constant 112 : index
        %get3A_679 = tpu.vector_load %arg9[%get3A_676, %get3A_677, %get3A_678] {strides = array<i32>} : memref<2x40x128xf32, #tpu.memory_space<vmem>>, vector<1x1x16xf32>,
        %get3A_680 = vector.shape_cast %get3A_679 : vector<1x1x16xf32> to vector<16xf32>
        %get3A_681 = arith.constant 1 : i32
        %get3A_682 = arith.index_cast %get3A_681 : i32 to index
        %get3A_683 = arith.index_cast %scan3A_535 : i32 to index
        %get3A_684 = arith.constant 112 : index
        %get3A_685 = tpu.vector_load %arg10[%get3A_682, %get3A_683, %get3A_684] {strides = array<i32>} : memref<2x40x128xf32, #tpu.memory_space<vmem>>, vector<1x1x16xf32>,
        %get3A_686 = vector.shape_cast %get3A_685 : vector<1x1x16xf32> to vector<16xf32>
        %mul3A_687 = arith.mulf %get3A_680, %get3A_686 : vector<16xf32>
        %swap3A_688 = arith.constant 1 : i32
        %swap3A_689 = arith.index_cast %swap3A_688 : i32 to index
        %swap3A_690 = arith.index_cast %scan3A_535 : i32 to index
        %swap3A_691 = arith.constant 112 : index
        %swap3A_692 = tpu.vector_load %arg9[%swap3A_689, %swap3A_690, %swap3A_691] {strides = array<i32>} : memref<2x40x128xf32, #tpu.memory_space<vmem>>, vector<1x1x16xf32>,
        %swap3A_693 = vector.shape_cast %swap3A_692 : vector<1x1x16xf32> to vector<16xf32>
        %swap3A_694 = vector.shape_cast %mul3A_687 : vector<16xf32> to vector<1x1x16xf32>
        tpu.vector_store %arg9[%swap3A_689, %swap3A_690, %swap3A_691], %swap3A_694 {strides = array<i32>} : memref<2x40x128xf32, #tpu.memory_space<vmem>>, vector<1x1x16xf32>,
        %scan3A_695 = arith.constant 0 : i32
        scf.yield %scan3A_695 : i32
      }
      %scan3A_521 = arith.constant 40 : i32
      %dma_start3A_522 = arith.constant 1 : i32
      %dma_start3A_523 = arith.constant 1 : i32
      %dma_start3A_524 = arith.constant 0 : i32
      %dma_start3A_525 = arith.constant 0 : i32
      %dma_start3A_526 = tpu.memref_slice %arg9[%dma_start3A_522, %dma_start3A_524, %dma_start3A_525] : memref<2x40x128xf32, #tpu.memory_space<vmem>> -> memref<1x40x128xf32, #tpu.memory_space<vmem>>
      %dma_start3A_527 = tpu.memref_squeeze %dma_start3A_526 : memref<1x40x128xf32, #tpu.memory_space<vmem>> -> memref<40x128xf32, #tpu.memory_space<vmem>>
      %dma_start3A_528 = arith.constant 0 : i32
      %dma_start3A_529 = tpu.memref_slice %arg12[%dma_start3A_523, %dma_start3A_528] : memref<2x40xi32, #tpu.memory_space<vmem>> -> memref<1x40xi32, #tpu.memory_space<vmem>>
      %dma_start3A_530 = tpu.memref_squeeze %dma_start3A_529 : memref<1x40xi32, #tpu.memory_space<vmem>> -> memref<40xi32, #tpu.memory_space<vmem>>
      %dma_start3A_531 = arith.constant 0 : i32
      %dma_start3A_532 = arith.constant 0 : i32
      %dma_start3A_533 = tpu.memref_slice %arg8[%dma_start3A_531, %dma_start3A_532] : memref<10240x128xf32, #tpu.memory_space<vmem_shared>> -> memref<10240x128xf32, #tpu.memory_space<vmem_shared>>
      tpu.enqueue_indirect_dma source(%dma_start3A_527 : memref<40x128xf32, #tpu.memory_space<vmem>>) target(%dma_start3A_533 : memref<10240x128xf32, #tpu.memory_space<vmem_shared>>) offsets(%dma_start3A_530 : memref<40xi32, #tpu.memory_space<vmem>>) semaphore(%arg15 : memref<!tpu.dma_semaphore, #tpu.memory_space<semaphore_mem>>) {add = true}
      %scan3A_534 = arith.constant 0 : i32
      scf.yield %scan3A_534 : i32
    }
    %scan3A_129 = arith.constant 125 : i32
    %dma_wait3A = arith.constant 1 : i32
    %dma_wait3A_130 = arith.constant 1 : i32
    %dma_wait3A_131 = arith.constant 0 : i32
    %dma_wait3A_132 = arith.constant 0 : i32
    %dma_wait3A_133 = tpu.memref_slice %arg9[%dma_wait3A, %dma_wait3A_131, %dma_wait3A_132] : memref<2x40x128xf32, #tpu.memory_space<vmem>> -> memref<1x40x128xf32, #tpu.memory_space<vmem>>
    %dma_wait3A_134 = tpu.memref_squeeze %dma_wait3A_133 : memref<1x40x128xf32, #tpu.memory_space<vmem>> -> memref<40x128xf32, #tpu.memory_space<vmem>>
    %dma_wait3A_135 = arith.constant 0 : i32
    %dma_wait3A_136 = tpu.memref_slice %arg12[%dma_wait3A_130, %dma_wait3A_135] : memref<2x40xi32, #tpu.memory_space<vmem>> -> memref<1x40xi32, #tpu.memory_space<vmem>>
    %dma_wait3A_137 = tpu.memref_squeeze %dma_wait3A_136 : memref<1x40xi32, #tpu.memory_space<vmem>> -> memref<40xi32, #tpu.memory_space<vmem>>
    %dma_wait3A_138 = arith.constant 0 : i32
    %dma_wait3A_139 = arith.constant 0 : i32
    %dma_wait3A_140 = tpu.memref_slice %arg8[%dma_wait3A_138, %dma_wait3A_139] : memref<10240x128xf32, #tpu.memory_space<vmem_shared>> -> memref<10240x128xf32, #tpu.memory_space<vmem_shared>>
    tpu.wait_indirect_dma semaphore(%arg15 : memref<!tpu.dma_semaphore, #tpu.memory_space<semaphore_mem>>) src(%dma_wait3A_134 : memref<40x128xf32, #tpu.memory_space<vmem>>) dst(%dma_wait3A_140 : memref<10240x128xf32, #tpu.memory_space<vmem_shared>>)
    %barrier3A_141 = arith.constant 0 : index
    tpu.barrier barrier_id(%barrier3A_141)
    %mul3A_142 = arith.constant 640 : i32
    %mul3A_143 = arith.muli %arg1, %mul3A_142 : i32
    %add3A_144 = arith.constant 0 : i32
    %add3A_145 = arith.addi %mul3A_143, %add3A_144 : i32
    "tpu.region"() ({
      %run_scoped3A_310 = tpu.sem_alloc : memref<!tpu.dma_semaphore, #tpu.memory_space<semaphore_mem>>
      %dma_start3A_311 = arith.constant 0 : i32
      %dma_start3A_312 = tpu.memref_slice %arg6[%arg0, %add3A_145, %dma_start3A_311] : memref<2x10240x128xf32, #tpu.memory_space<hbm>> -> memref<1x128x128xf32, #tpu.memory_space<hbm>>
      %dma_start3A_313 = tpu.memref_squeeze %dma_start3A_312 : memref<1x128x128xf32, #tpu.memory_space<hbm>> -> memref<128x128xf32, #tpu.memory_space<hbm>>
      %dma_start3A_314 = arith.constant 0 : i32
      %dma_start3A_315 = tpu.memref_slice %arg8[%add3A_145, %dma_start3A_314] : memref<10240x128xf32, #tpu.memory_space<vmem_shared>> -> memref<128x128xf32, #tpu.memory_space<vmem_shared>>
      tpu.enqueue_dma source(%dma_start3A_315 : memref<128x128xf32, #tpu.memory_space<vmem_shared>>) target(%dma_start3A_313 : memref<128x128xf32, #tpu.memory_space<hbm>>) target_semaphore(%run_scoped3A_310 : memref<!tpu.dma_semaphore, #tpu.memory_space<semaphore_mem>>)
      %dma_wait3A_316 = arith.constant 0 : i32
      %dma_wait3A_317 = tpu.memref_slice %arg6[%arg0, %add3A_145, %dma_wait3A_316] : memref<2x10240x128xf32, #tpu.memory_space<hbm>> -> memref<1x128x128xf32, #tpu.memory_space<hbm>>
      %dma_wait3A_318 = tpu.memref_squeeze %dma_wait3A_317 : memref<1x128x128xf32, #tpu.memory_space<hbm>> -> memref<128x128xf32, #tpu.memory_space<hbm>>
      %dma_wait3A_319 = arith.constant 0 : i32
      %dma_wait3A_320 = tpu.memref_slice %arg8[%add3A_145, %dma_wait3A_319] : memref<10240x128xf32, #tpu.memory_space<vmem_shared>> -> memref<128x128xf32, #tpu.memory_space<vmem_shared>>
      tpu.wait_dma2 semaphore(%run_scoped3A_310 : memref<!tpu.dma_semaphore, #tpu.memory_space<semaphore_mem>>) src(%dma_wait3A_320 : memref<128x128xf32, #tpu.memory_space<vmem_shared>>) dst(%dma_wait3A_318 : memref<128x128xf32, #tpu.memory_space<hbm>>)
      tpu.yield
    }) : () -> ()
    %mul3A_146 = arith.constant 640 : i32
    %mul3A_147 = arith.muli %arg1, %mul3A_146 : i32
    %add3A_148 = arith.constant 128 : i32
    %add3A_149 = arith.addi %mul3A_147, %add3A_148 : i32
    "tpu.region"() ({
      %run_scoped3A_310 = tpu.sem_alloc : memref<!tpu.dma_semaphore, #tpu.memory_space<semaphore_mem>>
      %dma_start3A_311 = arith.constant 0 : i32
      %dma_start3A_312 = tpu.memref_slice %arg6[%arg0, %add3A_149, %dma_start3A_311] : memref<2x10240x128xf32, #tpu.memory_space<hbm>> -> memref<1x128x128xf32, #tpu.memory_space<hbm>>
      %dma_start3A_313 = tpu.memref_squeeze %dma_start3A_312 : memref<1x128x128xf32, #tpu.memory_space<hbm>> -> memref<128x128xf32, #tpu.memory_space<hbm>>
      %dma_start3A_314 = arith.constant 0 : i32
      %dma_start3A_315 = tpu.memref_slice %arg8[%add3A_149, %dma_start3A_314] : memref<10240x128xf32, #tpu.memory_space<vmem_shared>> -> memref<128x128xf32, #tpu.memory_space<vmem_shared>>
      tpu.enqueue_dma source(%dma_start3A_315 : memref<128x128xf32, #tpu.memory_space<vmem_shared>>) target(%dma_start3A_313 : memref<128x128xf32, #tpu.memory_space<hbm>>) target_semaphore(%run_scoped3A_310 : memref<!tpu.dma_semaphore, #tpu.memory_space<semaphore_mem>>)
      %dma_wait3A_316 = arith.constant 0 : i32
      %dma_wait3A_317 = tpu.memref_slice %arg6[%arg0, %add3A_149, %dma_wait3A_316] : memref<2x10240x128xf32, #tpu.memory_space<hbm>> -> memref<1x128x128xf32, #tpu.memory_space<hbm>>
      %dma_wait3A_318 = tpu.memref_squeeze %dma_wait3A_317 : memref<1x128x128xf32, #tpu.memory_space<hbm>> -> memref<128x128xf32, #tpu.memory_space<hbm>>
      %dma_wait3A_319 = arith.constant 0 : i32
      %dma_wait3A_320 = tpu.memref_slice %arg8[%add3A_149, %dma_wait3A_319] : memref<10240x128xf32, #tpu.memory_space<vmem_shared>> -> memref<128x128xf32, #tpu.memory_space<vmem_shared>>
      tpu.wait_dma2 semaphore(%run_scoped3A_310 : memref<!tpu.dma_semaphore, #tpu.memory_space<semaphore_mem>>) src(%dma_wait3A_320 : memref<128x128xf32, #tpu.memory_space<vmem_shared>>) dst(%dma_wait3A_318 : memref<128x128xf32, #tpu.memory_space<hbm>>)
      tpu.yield
    }) : () -> ()
    %mul3A_150 = arith.constant 640 : i32
    %mul3A_151 = arith.muli %arg1, %mul3A_150 : i32
    %add3A_152 = arith.constant 256 : i32
    %add3A_153 = arith.addi %mul3A_151, %add3A_152 : i32
    "tpu.region"() ({
      %run_scoped3A_310 = tpu.sem_alloc : memref<!tpu.dma_semaphore, #tpu.memory_space<semaphore_mem>>
      %dma_start3A_311 = arith.constant 0 : i32
      %dma_start3A_312 = tpu.memref_slice %arg6[%arg0, %add3A_153, %dma_start3A_311] : memref<2x10240x128xf32, #tpu.memory_space<hbm>> -> memref<1x128x128xf32, #tpu.memory_space<hbm>>
      %dma_start3A_313 = tpu.memref_squeeze %dma_start3A_312 : memref<1x128x128xf32, #tpu.memory_space<hbm>> -> memref<128x128xf32, #tpu.memory_space<hbm>>
      %dma_start3A_314 = arith.constant 0 : i32
      %dma_start3A_315 = tpu.memref_slice %arg8[%add3A_153, %dma_start3A_314] : memref<10240x128xf32, #tpu.memory_space<vmem_shared>> -> memref<128x128xf32, #tpu.memory_space<vmem_shared>>
      tpu.enqueue_dma source(%dma_start3A_315 : memref<128x128xf32, #tpu.memory_space<vmem_shared>>) target(%dma_start3A_313 : memref<128x128xf32, #tpu.memory_space<hbm>>) target_semaphore(%run_scoped3A_310 : memref<!tpu.dma_semaphore, #tpu.memory_space<semaphore_mem>>)
      %dma_wait3A_316 = arith.constant 0 : i32
      %dma_wait3A_317 = tpu.memref_slice %arg6[%arg0, %add3A_153, %dma_wait3A_316] : memref<2x10240x128xf32, #tpu.memory_space<hbm>> -> memref<1x128x128xf32, #tpu.memory_space<hbm>>
      %dma_wait3A_318 = tpu.memref_squeeze %dma_wait3A_317 : memref<1x128x128xf32, #tpu.memory_space<hbm>> -> memref<128x128xf32, #tpu.memory_space<hbm>>
      %dma_wait3A_319 = arith.constant 0 : i32
      %dma_wait3A_320 = tpu.memref_slice %arg8[%add3A_153, %dma_wait3A_319] : memref<10240x128xf32, #tpu.memory_space<vmem_shared>> -> memref<128x128xf32, #tpu.memory_space<vmem_shared>>
      tpu.wait_dma2 semaphore(%run_scoped3A_310 : memref<!tpu.dma_semaphore, #tpu.memory_space<semaphore_mem>>) src(%dma_wait3A_320 : memref<128x128xf32, #tpu.memory_space<vmem_shared>>) dst(%dma_wait3A_318 : memref<128x128xf32, #tpu.memory_space<hbm>>)
      tpu.yield
    }) : () -> ()
    %mul3A_154 = arith.constant 640 : i32
    %mul3A_155 = arith.muli %arg1, %mul3A_154 : i32
    %add3A_156 = arith.constant 384 : i32
    %add3A_157 = arith.addi %mul3A_155, %add3A_156 : i32
    "tpu.region"() ({
      %run_scoped3A_310 = tpu.sem_alloc : memref<!tpu.dma_semaphore, #tpu.memory_space<semaphore_mem>>
      %dma_start3A_311 = arith.constant 0 : i32
      %dma_start3A_312 = tpu.memref_slice %arg6[%arg0, %add3A_157, %dma_start3A_311] : memref<2x10240x128xf32, #tpu.memory_space<hbm>> -> memref<1x128x128xf32, #tpu.memory_space<hbm>>
      %dma_start3A_313 = tpu.memref_squeeze %dma_start3A_312 : memref<1x128x128xf32, #tpu.memory_space<hbm>> -> memref<128x128xf32, #tpu.memory_space<hbm>>
      %dma_start3A_314 = arith.constant 0 : i32
      %dma_start3A_315 = tpu.memref_slice %arg8[%add3A_157, %dma_start3A_314] : memref<10240x128xf32, #tpu.memory_space<vmem_shared>> -> memref<128x128xf32, #tpu.memory_space<vmem_shared>>
      tpu.enqueue_dma source(%dma_start3A_315 : memref<128x128xf32, #tpu.memory_space<vmem_shared>>) target(%dma_start3A_313 : memref<128x128xf32, #tpu.memory_space<hbm>>) target_semaphore(%run_scoped3A_310 : memref<!tpu.dma_semaphore, #tpu.memory_space<semaphore_mem>>)
      %dma_wait3A_316 = arith.constant 0 : i32
      %dma_wait3A_317 = tpu.memref_slice %arg6[%arg0, %add3A_157, %dma_wait3A_316] : memref<2x10240x128xf32, #tpu.memory_space<hbm>> -> memref<1x128x128xf32, #tpu.memory_space<hbm>>
      %dma_wait3A_318 = tpu.memref_squeeze %dma_wait3A_317 : memref<1x128x128xf32, #tpu.memory_space<hbm>> -> memref<128x128xf32, #tpu.memory_space<hbm>>
      %dma_wait3A_319 = arith.constant 0 : i32
      %dma_wait3A_320 = tpu.memref_slice %arg8[%add3A_157, %dma_wait3A_319] : memref<10240x128xf32, #tpu.memory_space<vmem_shared>> -> memref<128x128xf32, #tpu.memory_space<vmem_shared>>
      tpu.wait_dma2 semaphore(%run_scoped3A_310 : memref<!tpu.dma_semaphore, #tpu.memory_space<semaphore_mem>>) src(%dma_wait3A_320 : memref<128x128xf32, #tpu.memory_space<vmem_shared>>) dst(%dma_wait3A_318 : memref<128x128xf32, #tpu.memory_space<hbm>>)
      tpu.yield
    }) : () -> ()
    %mul3A_158 = arith.constant 640 : i32
    %mul3A_159 = arith.muli %arg1, %mul3A_158 : i32
    %add3A_160 = arith.constant 512 : i32
    %add3A_161 = arith.addi %mul3A_159, %add3A_160 : i32
    "tpu.region"() ({
      %run_scoped3A_310 = tpu.sem_alloc : memref<!tpu.dma_semaphore, #tpu.memory_space<semaphore_mem>>
      %dma_start3A_311 = arith.constant 0 : i32
      %dma_start3A_312 = tpu.memref_slice %arg6[%arg0, %add3A_161, %dma_start3A_311] : memref<2x10240x128xf32, #tpu.memory_space<hbm>> -> memref<1x128x128xf32, #tpu.memory_space<hbm>>
      %dma_start3A_313 = tpu.memref_squeeze %dma_start3A_312 : memref<1x128x128xf32, #tpu.memory_space<hbm>> -> memref<128x128xf32, #tpu.memory_space<hbm>>
      %dma_start3A_314 = arith.constant 0 : i32
      %dma_start3A_315 = tpu.memref_slice %arg8[%add3A_161, %dma_start3A_314] : memref<10240x128xf32, #tpu.memory_space<vmem_shared>> -> memref<128x128xf32, #tpu.memory_space<vmem_shared>>
      tpu.enqueue_dma source(%dma_start3A_315 : memref<128x128xf32, #tpu.memory_space<vmem_shared>>) target(%dma_start3A_313 : memref<128x128xf32, #tpu.memory_space<hbm>>) target_semaphore(%run_scoped3A_310 : memref<!tpu.dma_semaphore, #tpu.memory_space<semaphore_mem>>)
      %dma_wait3A_316 = arith.constant 0 : i32
      %dma_wait3A_317 = tpu.memref_slice %arg6[%arg0, %add3A_161, %dma_wait3A_316] : memref<2x10240x128xf32, #tpu.memory_space<hbm>> -> memref<1x128x128xf32, #tpu.memory_space<hbm>>
      %dma_wait3A_318 = tpu.memref_squeeze %dma_wait3A_317 : memref<1x128x128xf32, #tpu.memory_space<hbm>> -> memref<128x128xf32, #tpu.memory_space<hbm>>
      %dma_wait3A_319 = arith.constant 0 : i32
      %dma_wait3A_320 = tpu.memref_slice %arg8[%add3A_161, %dma_wait3A_319] : memref<10240x128xf32, #tpu.memory_space<vmem_shared>> -> memref<128x128xf32, #tpu.memory_space<vmem_shared>>
      tpu.wait_dma2 semaphore(%run_scoped3A_310 : memref<!tpu.dma_semaphore, #tpu.memory_space<semaphore_mem>>) src(%dma_wait3A_320 : memref<128x128xf32, #tpu.memory_space<vmem_shared>>) dst(%dma_wait3A_318 : memref<128x128xf32, #tpu.memory_space<hbm>>)
      tpu.yield
    }) : () -> ()
    %barrier3A_162 = arith.constant 0 : index
    tpu.barrier barrier_id(%barrier3A_162)
    %scan3A_163 = arith.constant 0 : i32
    %scan3A_164 = arith.constant 0 : i32
    %scan3A_165 = arith.constant 320 : i32
    %scan3A_166 = arith.addi %scan3A_164, %scan3A_165 : i32
    %scan3A_167 = arith.constant 1 : i32
    %scan3A_168 = scf.for %scan3A_310 = %scan3A_164 to %scan3A_166 step %scan3A_167 iter_args(%scan3A_311 = %scan3A_163) -> (i32)  : i32 {
      %jit3A = arith.constant 8 : i32
      %div3A = arith.divsi %scan3A_310, %jit3A : i32
      %sign3A = arith.constant 0 : i32
      %sign3A_312 = arith.cmpi sgt, %scan3A_310, %sign3A : i32
      %sign3A_313 = arith.extui %sign3A_312 : i1 to i32
      %sign3A_314 = arith.constant 0 : i32
      %sign3A_315 = arith.cmpi slt, %scan3A_310, %sign3A_314 : i32
      %sign3A_316 = arith.extui %sign3A_315 : i1 to i32
      %sign3A_317 = arith.subi %sign3A_313, %sign3A_316 : i32
      %sign3A_318 = arith.constant 0 : i32
      %sign3A_319 = arith.cmpi sgt, %jit3A, %sign3A_318 : i32
      %sign3A_320 = arith.extui %sign3A_319 : i1 to i32
      %sign3A_321 = arith.constant 0 : i32
      %sign3A_322 = arith.cmpi slt, %jit3A, %sign3A_321 : i32
      %sign3A_323 = arith.extui %sign3A_322 : i1 to i32
      %sign3A_324 = arith.subi %sign3A_320, %sign3A_323 : i32
      %ne3A = arith.cmpi ne, %sign3A_317, %sign3A_324 : i32
      %rem3A = arith.remsi %scan3A_310, %jit3A : i32
      %ne3A_325 = arith.constant 0 : i32
      %ne3A_326 = arith.cmpi ne, %rem3A, %ne3A_325 : i32
      %and3A = arith.andi %ne3A, %ne3A_326 : i1
      %sub3A = arith.constant 1 : i32
      %sub3A_327 = arith.subi %div3A, %sub3A : i32
      %select_n3A = arith.select %and3A, %sub3A_327, %div3A : i32
      %jit3A_328 = arith.constant 8 : i32
      %eq3A = arith.constant 0 : i32
      %eq3A_329 = arith.cmpi eq, %jit3A_328, %eq3A : i32
      %jit3A_330 = arith.constant 1 : i32
      %select_n3A_331 = arith.select %eq3A_329, %jit3A_330, %jit3A_328 : i32
      %rem3A_332 = arith.remsi %scan3A_310, %select_n3A_331 : i32
      %ne3A_333 = arith.constant 0 : i32
      %ne3A_334 = arith.cmpi ne, %rem3A_332, %ne3A_333 : i32
      %lt3A = arith.constant 0 : i32
      %lt3A_335 = arith.cmpi slt, %rem3A_332, %lt3A : i32
      %lt3A_336 = arith.constant 0 : i32
      %lt3A_337 = arith.cmpi slt, %select_n3A_331, %lt3A_336 : i32
      %ne3A_338 = arith.xori %lt3A_335, %lt3A_337 : i1
      %and3A_339 = arith.andi %ne3A_338, %ne3A_334 : i1
      %add3A_340 = arith.addi %rem3A_332, %select_n3A_331 : i32
      %select_n3A_341 = arith.select %and3A_339, %add3A_340, %rem3A_332 : i32
      %mul3A_342 = arith.constant 16 : i32
      %mul3A_343 = arith.muli %select_n3A_341, %mul3A_342 : i32
      %swap3A = arith.constant 0 : i32
      %swap3A_344 = arith.index_cast %swap3A : i32 to index
      %swap3A_345 = arith.index_cast %select_n3A : i32 to index
      %swap3A_346 = arith.index_cast %mul3A_343 : i32 to index
      %swap3A_347 = tpu.vector_load %arg9[%swap3A_344, %swap3A_345, %swap3A_346] {strides = array<i32>} : memref<2x40x128xf32, #tpu.memory_space<vmem>>, vector<1x1x16xf32>,
      %swap3A_348 = vector.shape_cast %swap3A_347 : vector<1x1x16xf32> to vector<16xf32>
      %swap3A_349 = vector.shape_cast %broadcast_in_dim3A_1 : vector<16xf32> to vector<1x1x16xf32>
      tpu.vector_store %arg9[%swap3A_344, %swap3A_345, %swap3A_346], %swap3A_349 {strides = array<i32>} : memref<2x40x128xf32, #tpu.memory_space<vmem>>, vector<1x1x16xf32>,
      %scan3A_350 = arith.constant 0 : i32
      scf.yield %scan3A_350 : i32
    }
    %scan3A_169 = arith.constant 320 : i32
    %mul3A_170 = arith.constant 640 : i32
    %mul3A_171 = arith.muli %arg1, %mul3A_170 : i32
    %add3A_172 = arith.constant 0 : i32
    %add3A_173 = arith.addi %mul3A_171, %add3A_172 : i32
    %run_scoped3A_174 = arith.constant 0 : i32
    "tpu.region"() ({
      %run_scoped3A_310 = tpu.sem_alloc : memref<!tpu.dma_semaphore, #tpu.memory_space<semaphore_mem>>
      %dma_start3A_311 = arith.constant 0 : i32
      %dma_start3A_312 = arith.constant 0 : i32
      %dma_start3A_313 = tpu.memref_slice %arg9[%run_scoped3A_174, %dma_start3A_311, %dma_start3A_312] : memref<2x40x128xf32, #tpu.memory_space<vmem>> -> memref<1x40x128xf32, #tpu.memory_space<vmem>>
      %dma_start3A_314 = tpu.memref_squeeze %dma_start3A_313 : memref<1x40x128xf32, #tpu.memory_space<vmem>> -> memref<40x128xf32, #tpu.memory_space<vmem>>
      %dma_start3A_315 = arith.constant 0 : i32
      %dma_start3A_316 = tpu.memref_slice %arg8[%add3A_173, %dma_start3A_315] : memref<10240x128xf32, #tpu.memory_space<vmem_shared>> -> memref<40x128xf32, #tpu.memory_space<vmem_shared>>
      %dma_start3A_317 = arith.constant 0 : i32
      %dma_start3A_318 = tpu.memref_slice %arg8[%add3A_173, %dma_start3A_317] : memref<10240x128xf32, #tpu.memory_space<vmem_shared>> -> memref<40x128xf32, #tpu.memory_space<vmem_shared>>
      %dma_start3A_319 = arith.constant 0 : i32
      %dma_start3A_320 = arith.constant 0 : i32
      %dma_start3A_321 = tpu.memref_slice %arg9[%run_scoped3A_174, %dma_start3A_319, %dma_start3A_320] : memref<2x40x128xf32, #tpu.memory_space<vmem>> -> memref<1x40x128xf32, #tpu.memory_space<vmem>>
      %dma_start3A_322 = tpu.memref_squeeze %dma_start3A_321 : memref<1x40x128xf32, #tpu.memory_space<vmem>> -> memref<40x128xf32, #tpu.memory_space<vmem>>
      tpu.enqueue_dma source(%dma_start3A_322 : memref<40x128xf32, #tpu.memory_space<vmem>>) target(%dma_start3A_318 : memref<40x128xf32, #tpu.memory_space<vmem_shared>>) target_semaphore(%run_scoped3A_310 : memref<!tpu.dma_semaphore, #tpu.memory_space<semaphore_mem>>)
      %dma_wait3A_323 = arith.constant 0 : i32
      %dma_wait3A_324 = arith.constant 0 : i32
      %dma_wait3A_325 = tpu.memref_slice %arg9[%run_scoped3A_174, %dma_wait3A_323, %dma_wait3A_324] : memref<2x40x128xf32, #tpu.memory_space<vmem>> -> memref<1x40x128xf32, #tpu.memory_space<vmem>>
      %dma_wait3A_326 = tpu.memref_squeeze %dma_wait3A_325 : memref<1x40x128xf32, #tpu.memory_space<vmem>> -> memref<40x128xf32, #tpu.memory_space<vmem>>
      %dma_wait3A_327 = arith.constant 0 : i32
      %dma_wait3A_328 = tpu.memref_slice %arg8[%add3A_173, %dma_wait3A_327] : memref<10240x128xf32, #tpu.memory_space<vmem_shared>> -> memref<40x128xf32, #tpu.memory_space<vmem_shared>>
      %dma_wait3A_329 = arith.constant 0 : i32
      %dma_wait3A_330 = tpu.memref_slice %arg8[%add3A_173, %dma_wait3A_329] : memref<10240x128xf32, #tpu.memory_space<vmem_shared>> -> memref<40x128xf32, #tpu.memory_space<vmem_shared>>
      %dma_wait3A_331 = arith.constant 0 : i32
      %dma_wait3A_332 = arith.constant 0 : i32
      %dma_wait3A_333 = tpu.memref_slice %arg9[%run_scoped3A_174, %dma_wait3A_331, %dma_wait3A_332] : memref<2x40x128xf32, #tpu.memory_space<vmem>> -> memref<1x40x128xf32, #tpu.memory_space<vmem>>
      %dma_wait3A_334 = tpu.memref_squeeze %dma_wait3A_333 : memref<1x40x128xf32, #tpu.memory_space<vmem>> -> memref<40x128xf32, #tpu.memory_space<vmem>>
      tpu.wait_dma2 semaphore(%run_scoped3A_310 : memref<!tpu.dma_semaphore, #tpu.memory_space<semaphore_mem>>) src(%dma_wait3A_334 : memref<40x128xf32, #tpu.memory_space<vmem>>) dst(%dma_wait3A_330 : memref<40x128xf32, #tpu.memory_space<vmem_shared>>)
      tpu.yield
    }) : () -> ()
    %mul3A_175 = arith.constant 640 : i32
    %mul3A_176 = arith.muli %arg1, %mul3A_175 : i32
    %add3A_177 = arith.constant 40 : i32
    %add3A_178 = arith.addi %mul3A_176, %add3A_177 : i32
    %run_scoped3A_179 = arith.constant 0 : i32
    "tpu.region"() ({
      %run_scoped3A_310 = tpu.sem_alloc : memref<!tpu.dma_semaphore, #tpu.memory_space<semaphore_mem>>
      %dma_start3A_311 = arith.constant 0 : i32
      %dma_start3A_312 = arith.constant 0 : i32
      %dma_start3A_313 = tpu.memref_slice %arg9[%run_scoped3A_179, %dma_start3A_311, %dma_start3A_312] : memref<2x40x128xf32, #tpu.memory_space<vmem>> -> memref<1x40x128xf32, #tpu.memory_space<vmem>>
      %dma_start3A_314 = tpu.memref_squeeze %dma_start3A_313 : memref<1x40x128xf32, #tpu.memory_space<vmem>> -> memref<40x128xf32, #tpu.memory_space<vmem>>
      %dma_start3A_315 = arith.constant 0 : i32
      %dma_start3A_316 = tpu.memref_slice %arg8[%add3A_178, %dma_start3A_315] : memref<10240x128xf32, #tpu.memory_space<vmem_shared>> -> memref<40x128xf32, #tpu.memory_space<vmem_shared>>
      %dma_start3A_317 = arith.constant 0 : i32
      %dma_start3A_318 = tpu.memref_slice %arg8[%add3A_178, %dma_start3A_317] : memref<10240x128xf32, #tpu.memory_space<vmem_shared>> -> memref<40x128xf32, #tpu.memory_space<vmem_shared>>
      %dma_start3A_319 = arith.constant 0 : i32
      %dma_start3A_320 = arith.constant 0 : i32
      %dma_start3A_321 = tpu.memref_slice %arg9[%run_scoped3A_179, %dma_start3A_319, %dma_start3A_320] : memref<2x40x128xf32, #tpu.memory_space<vmem>> -> memref<1x40x128xf32, #tpu.memory_space<vmem>>
      %dma_start3A_322 = tpu.memref_squeeze %dma_start3A_321 : memref<1x40x128xf32, #tpu.memory_space<vmem>> -> memref<40x128xf32, #tpu.memory_space<vmem>>
      tpu.enqueue_dma source(%dma_start3A_322 : memref<40x128xf32, #tpu.memory_space<vmem>>) target(%dma_start3A_318 : memref<40x128xf32, #tpu.memory_space<vmem_shared>>) target_semaphore(%run_scoped3A_310 : memref<!tpu.dma_semaphore, #tpu.memory_space<semaphore_mem>>)
      %dma_wait3A_323 = arith.constant 0 : i32
      %dma_wait3A_324 = arith.constant 0 : i32
      %dma_wait3A_325 = tpu.memref_slice %arg9[%run_scoped3A_179, %dma_wait3A_323, %dma_wait3A_324] : memref<2x40x128xf32, #tpu.memory_space<vmem>> -> memref<1x40x128xf32, #tpu.memory_space<vmem>>
      %dma_wait3A_326 = tpu.memref_squeeze %dma_wait3A_325 : memref<1x40x128xf32, #tpu.memory_space<vmem>> -> memref<40x128xf32, #tpu.memory_space<vmem>>
      %dma_wait3A_327 = arith.constant 0 : i32
      %dma_wait3A_328 = tpu.memref_slice %arg8[%add3A_178, %dma_wait3A_327] : memref<10240x128xf32, #tpu.memory_space<vmem_shared>> -> memref<40x128xf32, #tpu.memory_space<vmem_shared>>
      %dma_wait3A_329 = arith.constant 0 : i32
      %dma_wait3A_330 = tpu.memref_slice %arg8[%add3A_178, %dma_wait3A_329] : memref<10240x128xf32, #tpu.memory_space<vmem_shared>> -> memref<40x128xf32, #tpu.memory_space<vmem_shared>>
      %dma_wait3A_331 = arith.constant 0 : i32
      %dma_wait3A_332 = arith.constant 0 : i32
      %dma_wait3A_333 = tpu.memref_slice %arg9[%run_scoped3A_179, %dma_wait3A_331, %dma_wait3A_332] : memref<2x40x128xf32, #tpu.memory_space<vmem>> -> memref<1x40x128xf32, #tpu.memory_space<vmem>>
      %dma_wait3A_334 = tpu.memref_squeeze %dma_wait3A_333 : memref<1x40x128xf32, #tpu.memory_space<vmem>> -> memref<40x128xf32, #tpu.memory_space<vmem>>
      tpu.wait_dma2 semaphore(%run_scoped3A_310 : memref<!tpu.dma_semaphore, #tpu.memory_space<semaphore_mem>>) src(%dma_wait3A_334 : memref<40x128xf32, #tpu.memory_space<vmem>>) dst(%dma_wait3A_330 : memref<40x128xf32, #tpu.memory_space<vmem_shared>>)
      tpu.yield
    }) : () -> ()
    %mul3A_180 = arith.constant 640 : i32
    %mul3A_181 = arith.muli %arg1, %mul3A_180 : i32
    %add3A_182 = arith.constant 80 : i32
    %add3A_183 = arith.addi %mul3A_181, %add3A_182 : i32
    %run_scoped3A_184 = arith.constant 0 : i32
    "tpu.region"() ({
      %run_scoped3A_310 = tpu.sem_alloc : memref<!tpu.dma_semaphore, #tpu.memory_space<semaphore_mem>>
      %dma_start3A_311 = arith.constant 0 : i32
      %dma_start3A_312 = arith.constant 0 : i32
      %dma_start3A_313 = tpu.memref_slice %arg9[%run_scoped3A_184, %dma_start3A_311, %dma_start3A_312] : memref<2x40x128xf32, #tpu.memory_space<vmem>> -> memref<1x40x128xf32, #tpu.memory_space<vmem>>
      %dma_start3A_314 = tpu.memref_squeeze %dma_start3A_313 : memref<1x40x128xf32, #tpu.memory_space<vmem>> -> memref<40x128xf32, #tpu.memory_space<vmem>>
      %dma_start3A_315 = arith.constant 0 : i32
      %dma_start3A_316 = tpu.memref_slice %arg8[%add3A_183, %dma_start3A_315] : memref<10240x128xf32, #tpu.memory_space<vmem_shared>> -> memref<40x128xf32, #tpu.memory_space<vmem_shared>>
      %dma_start3A_317 = arith.constant 0 : i32
      %dma_start3A_318 = tpu.memref_slice %arg8[%add3A_183, %dma_start3A_317] : memref<10240x128xf32, #tpu.memory_space<vmem_shared>> -> memref<40x128xf32, #tpu.memory_space<vmem_shared>>
      %dma_start3A_319 = arith.constant 0 : i32
      %dma_start3A_320 = arith.constant 0 : i32
      %dma_start3A_321 = tpu.memref_slice %arg9[%run_scoped3A_184, %dma_start3A_319, %dma_start3A_320] : memref<2x40x128xf32, #tpu.memory_space<vmem>> -> memref<1x40x128xf32, #tpu.memory_space<vmem>>
      %dma_start3A_322 = tpu.memref_squeeze %dma_start3A_321 : memref<1x40x128xf32, #tpu.memory_space<vmem>> -> memref<40x128xf32, #tpu.memory_space<vmem>>
      tpu.enqueue_dma source(%dma_start3A_322 : memref<40x128xf32, #tpu.memory_space<vmem>>) target(%dma_start3A_318 : memref<40x128xf32, #tpu.memory_space<vmem_shared>>) target_semaphore(%run_scoped3A_310 : memref<!tpu.dma_semaphore, #tpu.memory_space<semaphore_mem>>)
      %dma_wait3A_323 = arith.constant 0 : i32
      %dma_wait3A_324 = arith.constant 0 : i32
      %dma_wait3A_325 = tpu.memref_slice %arg9[%run_scoped3A_184, %dma_wait3A_323, %dma_wait3A_324] : memref<2x40x128xf32, #tpu.memory_space<vmem>> -> memref<1x40x128xf32, #tpu.memory_space<vmem>>
      %dma_wait3A_326 = tpu.memref_squeeze %dma_wait3A_325 : memref<1x40x128xf32, #tpu.memory_space<vmem>> -> memref<40x128xf32, #tpu.memory_space<vmem>>
      %dma_wait3A_327 = arith.constant 0 : i32
      %dma_wait3A_328 = tpu.memref_slice %arg8[%add3A_183, %dma_wait3A_327] : memref<10240x128xf32, #tpu.memory_space<vmem_shared>> -> memref<40x128xf32, #tpu.memory_space<vmem_shared>>
      %dma_wait3A_329 = arith.constant 0 : i32
      %dma_wait3A_330 = tpu.memref_slice %arg8[%add3A_183, %dma_wait3A_329] : memref<10240x128xf32, #tpu.memory_space<vmem_shared>> -> memref<40x128xf32, #tpu.memory_space<vmem_shared>>
      %dma_wait3A_331 = arith.constant 0 : i32
      %dma_wait3A_332 = arith.constant 0 : i32
      %dma_wait3A_333 = tpu.memref_slice %arg9[%run_scoped3A_184, %dma_wait3A_331, %dma_wait3A_332] : memref<2x40x128xf32, #tpu.memory_space<vmem>> -> memref<1x40x128xf32, #tpu.memory_space<vmem>>
      %dma_wait3A_334 = tpu.memref_squeeze %dma_wait3A_333 : memref<1x40x128xf32, #tpu.memory_space<vmem>> -> memref<40x128xf32, #tpu.memory_space<vmem>>
      tpu.wait_dma2 semaphore(%run_scoped3A_310 : memref<!tpu.dma_semaphore, #tpu.memory_space<semaphore_mem>>) src(%dma_wait3A_334 : memref<40x128xf32, #tpu.memory_space<vmem>>) dst(%dma_wait3A_330 : memref<40x128xf32, #tpu.memory_space<vmem_shared>>)
      tpu.yield
    }) : () -> ()
    %mul3A_185 = arith.constant 640 : i32
    %mul3A_186 = arith.muli %arg1, %mul3A_185 : i32
    %add3A_187 = arith.constant 120 : i32
    %add3A_188 = arith.addi %mul3A_186, %add3A_187 : i32
    %run_scoped3A_189 = arith.constant 0 : i32
    "tpu.region"() ({
      %run_scoped3A_310 = tpu.sem_alloc : memref<!tpu.dma_semaphore, #tpu.memory_space<semaphore_mem>>
      %dma_start3A_311 = arith.constant 0 : i32
      %dma_start3A_312 = arith.constant 0 : i32
      %dma_start3A_313 = tpu.memref_slice %arg9[%run_scoped3A_189, %dma_start3A_311, %dma_start3A_312] : memref<2x40x128xf32, #tpu.memory_space<vmem>> -> memref<1x40x128xf32, #tpu.memory_space<vmem>>
      %dma_start3A_314 = tpu.memref_squeeze %dma_start3A_313 : memref<1x40x128xf32, #tpu.memory_space<vmem>> -> memref<40x128xf32, #tpu.memory_space<vmem>>
      %dma_start3A_315 = arith.constant 0 : i32
      %dma_start3A_316 = tpu.memref_slice %arg8[%add3A_188, %dma_start3A_315] : memref<10240x128xf32, #tpu.memory_space<vmem_shared>> -> memref<40x128xf32, #tpu.memory_space<vmem_shared>>
      %dma_start3A_317 = arith.constant 0 : i32
      %dma_start3A_318 = tpu.memref_slice %arg8[%add3A_188, %dma_start3A_317] : memref<10240x128xf32, #tpu.memory_space<vmem_shared>> -> memref<40x128xf32, #tpu.memory_space<vmem_shared>>
      %dma_start3A_319 = arith.constant 0 : i32
      %dma_start3A_320 = arith.constant 0 : i32
      %dma_start3A_321 = tpu.memref_slice %arg9[%run_scoped3A_189, %dma_start3A_319, %dma_start3A_320] : memref<2x40x128xf32, #tpu.memory_space<vmem>> -> memref<1x40x128xf32, #tpu.memory_space<vmem>>
      %dma_start3A_322 = tpu.memref_squeeze %dma_start3A_321 : memref<1x40x128xf32, #tpu.memory_space<vmem>> -> memref<40x128xf32, #tpu.memory_space<vmem>>
      tpu.enqueue_dma source(%dma_start3A_322 : memref<40x128xf32, #tpu.memory_space<vmem>>) target(%dma_start3A_318 : memref<40x128xf32, #tpu.memory_space<vmem_shared>>) target_semaphore(%run_scoped3A_310 : memref<!tpu.dma_semaphore, #tpu.memory_space<semaphore_mem>>)
      %dma_wait3A_323 = arith.constant 0 : i32
      %dma_wait3A_324 = arith.constant 0 : i32
      %dma_wait3A_325 = tpu.memref_slice %arg9[%run_scoped3A_189, %dma_wait3A_323, %dma_wait3A_324] : memref<2x40x128xf32, #tpu.memory_space<vmem>> -> memref<1x40x128xf32, #tpu.memory_space<vmem>>
      %dma_wait3A_326 = tpu.memref_squeeze %dma_wait3A_325 : memref<1x40x128xf32, #tpu.memory_space<vmem>> -> memref<40x128xf32, #tpu.memory_space<vmem>>
      %dma_wait3A_327 = arith.constant 0 : i32
      %dma_wait3A_328 = tpu.memref_slice %arg8[%add3A_188, %dma_wait3A_327] : memref<10240x128xf32, #tpu.memory_space<vmem_shared>> -> memref<40x128xf32, #tpu.memory_space<vmem_shared>>
      %dma_wait3A_329 = arith.constant 0 : i32
      %dma_wait3A_330 = tpu.memref_slice %arg8[%add3A_188, %dma_wait3A_329] : memref<10240x128xf32, #tpu.memory_space<vmem_shared>> -> memref<40x128xf32, #tpu.memory_space<vmem_shared>>
      %dma_wait3A_331 = arith.constant 0 : i32
      %dma_wait3A_332 = arith.constant 0 : i32
      %dma_wait3A_333 = tpu.memref_slice %arg9[%run_scoped3A_189, %dma_wait3A_331, %dma_wait3A_332] : memref<2x40x128xf32, #tpu.memory_space<vmem>> -> memref<1x40x128xf32, #tpu.memory_space<vmem>>
      %dma_wait3A_334 = tpu.memref_squeeze %dma_wait3A_333 : memref<1x40x128xf32, #tpu.memory_space<vmem>> -> memref<40x128xf32, #tpu.memory_space<vmem>>
      tpu.wait_dma2 semaphore(%run_scoped3A_310 : memref<!tpu.dma_semaphore, #tpu.memory_space<semaphore_mem>>) src(%dma_wait3A_334 : memref<40x128xf32, #tpu.memory_space<vmem>>) dst(%dma_wait3A_330 : memref<40x128xf32, #tpu.memory_space<vmem_shared>>)
      tpu.yield
    }) : () -> ()
    %mul3A_190 = arith.constant 640 : i32
    %mul3A_191 = arith.muli %arg1, %mul3A_190 : i32
    %add3A_192 = arith.constant 160 : i32
    %add3A_193 = arith.addi %mul3A_191, %add3A_192 : i32
    %run_scoped3A_194 = arith.constant 0 : i32
    "tpu.region"() ({
      %run_scoped3A_310 = tpu.sem_alloc : memref<!tpu.dma_semaphore, #tpu.memory_space<semaphore_mem>>
      %dma_start3A_311 = arith.constant 0 : i32
      %dma_start3A_312 = arith.constant 0 : i32
      %dma_start3A_313 = tpu.memref_slice %arg9[%run_scoped3A_194, %dma_start3A_311, %dma_start3A_312] : memref<2x40x128xf32, #tpu.memory_space<vmem>> -> memref<1x40x128xf32, #tpu.memory_space<vmem>>
      %dma_start3A_314 = tpu.memref_squeeze %dma_start3A_313 : memref<1x40x128xf32, #tpu.memory_space<vmem>> -> memref<40x128xf32, #tpu.memory_space<vmem>>
      %dma_start3A_315 = arith.constant 0 : i32
      %dma_start3A_316 = tpu.memref_slice %arg8[%add3A_193, %dma_start3A_315] : memref<10240x128xf32, #tpu.memory_space<vmem_shared>> -> memref<40x128xf32, #tpu.memory_space<vmem_shared>>
      %dma_start3A_317 = arith.constant 0 : i32
      %dma_start3A_318 = tpu.memref_slice %arg8[%add3A_193, %dma_start3A_317] : memref<10240x128xf32, #tpu.memory_space<vmem_shared>> -> memref<40x128xf32, #tpu.memory_space<vmem_shared>>
      %dma_start3A_319 = arith.constant 0 : i32
      %dma_start3A_320 = arith.constant 0 : i32
      %dma_start3A_321 = tpu.memref_slice %arg9[%run_scoped3A_194, %dma_start3A_319, %dma_start3A_320] : memref<2x40x128xf32, #tpu.memory_space<vmem>> -> memref<1x40x128xf32, #tpu.memory_space<vmem>>
      %dma_start3A_322 = tpu.memref_squeeze %dma_start3A_321 : memref<1x40x128xf32, #tpu.memory_space<vmem>> -> memref<40x128xf32, #tpu.memory_space<vmem>>
      tpu.enqueue_dma source(%dma_start3A_322 : memref<40x128xf32, #tpu.memory_space<vmem>>) target(%dma_start3A_318 : memref<40x128xf32, #tpu.memory_space<vmem_shared>>) target_semaphore(%run_scoped3A_310 : memref<!tpu.dma_semaphore, #tpu.memory_space<semaphore_mem>>)
      %dma_wait3A_323 = arith.constant 0 : i32
      %dma_wait3A_324 = arith.constant 0 : i32
      %dma_wait3A_325 = tpu.memref_slice %arg9[%run_scoped3A_194, %dma_wait3A_323, %dma_wait3A_324] : memref<2x40x128xf32, #tpu.memory_space<vmem>> -> memref<1x40x128xf32, #tpu.memory_space<vmem>>
      %dma_wait3A_326 = tpu.memref_squeeze %dma_wait3A_325 : memref<1x40x128xf32, #tpu.memory_space<vmem>> -> memref<40x128xf32, #tpu.memory_space<vmem>>
      %dma_wait3A_327 = arith.constant 0 : i32
      %dma_wait3A_328 = tpu.memref_slice %arg8[%add3A_193, %dma_wait3A_327] : memref<10240x128xf32, #tpu.memory_space<vmem_shared>> -> memref<40x128xf32, #tpu.memory_space<vmem_shared>>
      %dma_wait3A_329 = arith.constant 0 : i32
      %dma_wait3A_330 = tpu.memref_slice %arg8[%add3A_193, %dma_wait3A_329] : memref<10240x128xf32, #tpu.memory_space<vmem_shared>> -> memref<40x128xf32, #tpu.memory_space<vmem_shared>>
      %dma_wait3A_331 = arith.constant 0 : i32
      %dma_wait3A_332 = arith.constant 0 : i32
      %dma_wait3A_333 = tpu.memref_slice %arg9[%run_scoped3A_194, %dma_wait3A_331, %dma_wait3A_332] : memref<2x40x128xf32, #tpu.memory_space<vmem>> -> memref<1x40x128xf32, #tpu.memory_space<vmem>>
      %dma_wait3A_334 = tpu.memref_squeeze %dma_wait3A_333 : memref<1x40x128xf32, #tpu.memory_space<vmem>> -> memref<40x128xf32, #tpu.memory_space<vmem>>
      tpu.wait_dma2 semaphore(%run_scoped3A_310 : memref<!tpu.dma_semaphore, #tpu.memory_space<semaphore_mem>>) src(%dma_wait3A_334 : memref<40x128xf32, #tpu.memory_space<vmem>>) dst(%dma_wait3A_330 : memref<40x128xf32, #tpu.memory_space<vmem_shared>>)
      tpu.yield
    }) : () -> ()
    %mul3A_195 = arith.constant 640 : i32
    %mul3A_196 = arith.muli %arg1, %mul3A_195 : i32
    %add3A_197 = arith.constant 200 : i32
    %add3A_198 = arith.addi %mul3A_196, %add3A_197 : i32
    %run_scoped3A_199 = arith.constant 0 : i32
    "tpu.region"() ({
      %run_scoped3A_310 = tpu.sem_alloc : memref<!tpu.dma_semaphore, #tpu.memory_space<semaphore_mem>>
      %dma_start3A_311 = arith.constant 0 : i32
      %dma_start3A_312 = arith.constant 0 : i32
      %dma_start3A_313 = tpu.memref_slice %arg9[%run_scoped3A_199, %dma_start3A_311, %dma_start3A_312] : memref<2x40x128xf32, #tpu.memory_space<vmem>> -> memref<1x40x128xf32, #tpu.memory_space<vmem>>
      %dma_start3A_314 = tpu.memref_squeeze %dma_start3A_313 : memref<1x40x128xf32, #tpu.memory_space<vmem>> -> memref<40x128xf32, #tpu.memory_space<vmem>>
      %dma_start3A_315 = arith.constant 0 : i32
      %dma_start3A_316 = tpu.memref_slice %arg8[%add3A_198, %dma_start3A_315] : memref<10240x128xf32, #tpu.memory_space<vmem_shared>> -> memref<40x128xf32, #tpu.memory_space<vmem_shared>>
      %dma_start3A_317 = arith.constant 0 : i32
      %dma_start3A_318 = tpu.memref_slice %arg8[%add3A_198, %dma_start3A_317] : memref<10240x128xf32, #tpu.memory_space<vmem_shared>> -> memref<40x128xf32, #tpu.memory_space<vmem_shared>>
      %dma_start3A_319 = arith.constant 0 : i32
      %dma_start3A_320 = arith.constant 0 : i32
      %dma_start3A_321 = tpu.memref_slice %arg9[%run_scoped3A_199, %dma_start3A_319, %dma_start3A_320] : memref<2x40x128xf32, #tpu.memory_space<vmem>> -> memref<1x40x128xf32, #tpu.memory_space<vmem>>
      %dma_start3A_322 = tpu.memref_squeeze %dma_start3A_321 : memref<1x40x128xf32, #tpu.memory_space<vmem>> -> memref<40x128xf32, #tpu.memory_space<vmem>>
      tpu.enqueue_dma source(%dma_start3A_322 : memref<40x128xf32, #tpu.memory_space<vmem>>) target(%dma_start3A_318 : memref<40x128xf32, #tpu.memory_space<vmem_shared>>) target_semaphore(%run_scoped3A_310 : memref<!tpu.dma_semaphore, #tpu.memory_space<semaphore_mem>>)
      %dma_wait3A_323 = arith.constant 0 : i32
      %dma_wait3A_324 = arith.constant 0 : i32
      %dma_wait3A_325 = tpu.memref_slice %arg9[%run_scoped3A_199, %dma_wait3A_323, %dma_wait3A_324] : memref<2x40x128xf32, #tpu.memory_space<vmem>> -> memref<1x40x128xf32, #tpu.memory_space<vmem>>
      %dma_wait3A_326 = tpu.memref_squeeze %dma_wait3A_325 : memref<1x40x128xf32, #tpu.memory_space<vmem>> -> memref<40x128xf32, #tpu.memory_space<vmem>>
      %dma_wait3A_327 = arith.constant 0 : i32
      %dma_wait3A_328 = tpu.memref_slice %arg8[%add3A_198, %dma_wait3A_327] : memref<10240x128xf32, #tpu.memory_space<vmem_shared>> -> memref<40x128xf32, #tpu.memory_space<vmem_shared>>
      %dma_wait3A_329 = arith.constant 0 : i32
      %dma_wait3A_330 = tpu.memref_slice %arg8[%add3A_198, %dma_wait3A_329] : memref<10240x128xf32, #tpu.memory_space<vmem_shared>> -> memref<40x128xf32, #tpu.memory_space<vmem_shared>>
      %dma_wait3A_331 = arith.constant 0 : i32
      %dma_wait3A_332 = arith.constant 0 : i32
      %dma_wait3A_333 = tpu.memref_slice %arg9[%run_scoped3A_199, %dma_wait3A_331, %dma_wait3A_332] : memref<2x40x128xf32, #tpu.memory_space<vmem>> -> memref<1x40x128xf32, #tpu.memory_space<vmem>>
      %dma_wait3A_334 = tpu.memref_squeeze %dma_wait3A_333 : memref<1x40x128xf32, #tpu.memory_space<vmem>> -> memref<40x128xf32, #tpu.memory_space<vmem>>
      tpu.wait_dma2 semaphore(%run_scoped3A_310 : memref<!tpu.dma_semaphore, #tpu.memory_space<semaphore_mem>>) src(%dma_wait3A_334 : memref<40x128xf32, #tpu.memory_space<vmem>>) dst(%dma_wait3A_330 : memref<40x128xf32, #tpu.memory_space<vmem_shared>>)
      tpu.yield
    }) : () -> ()
    %mul3A_200 = arith.constant 640 : i32
    %mul3A_201 = arith.muli %arg1, %mul3A_200 : i32
    %add3A_202 = arith.constant 240 : i32
    %add3A_203 = arith.addi %mul3A_201, %add3A_202 : i32
    %run_scoped3A_204 = arith.constant 0 : i32
    "tpu.region"() ({
      %run_scoped3A_310 = tpu.sem_alloc : memref<!tpu.dma_semaphore, #tpu.memory_space<semaphore_mem>>
      %dma_start3A_311 = arith.constant 0 : i32
      %dma_start3A_312 = arith.constant 0 : i32
      %dma_start3A_313 = tpu.memref_slice %arg9[%run_scoped3A_204, %dma_start3A_311, %dma_start3A_312] : memref<2x40x128xf32, #tpu.memory_space<vmem>> -> memref<1x40x128xf32, #tpu.memory_space<vmem>>
      %dma_start3A_314 = tpu.memref_squeeze %dma_start3A_313 : memref<1x40x128xf32, #tpu.memory_space<vmem>> -> memref<40x128xf32, #tpu.memory_space<vmem>>
      %dma_start3A_315 = arith.constant 0 : i32
      %dma_start3A_316 = tpu.memref_slice %arg8[%add3A_203, %dma_start3A_315] : memref<10240x128xf32, #tpu.memory_space<vmem_shared>> -> memref<40x128xf32, #tpu.memory_space<vmem_shared>>
      %dma_start3A_317 = arith.constant 0 : i32
      %dma_start3A_318 = tpu.memref_slice %arg8[%add3A_203, %dma_start3A_317] : memref<10240x128xf32, #tpu.memory_space<vmem_shared>> -> memref<40x128xf32, #tpu.memory_space<vmem_shared>>
      %dma_start3A_319 = arith.constant 0 : i32
      %dma_start3A_320 = arith.constant 0 : i32
      %dma_start3A_321 = tpu.memref_slice %arg9[%run_scoped3A_204, %dma_start3A_319, %dma_start3A_320] : memref<2x40x128xf32, #tpu.memory_space<vmem>> -> memref<1x40x128xf32, #tpu.memory_space<vmem>>
      %dma_start3A_322 = tpu.memref_squeeze %dma_start3A_321 : memref<1x40x128xf32, #tpu.memory_space<vmem>> -> memref<40x128xf32, #tpu.memory_space<vmem>>
      tpu.enqueue_dma source(%dma_start3A_322 : memref<40x128xf32, #tpu.memory_space<vmem>>) target(%dma_start3A_318 : memref<40x128xf32, #tpu.memory_space<vmem_shared>>) target_semaphore(%run_scoped3A_310 : memref<!tpu.dma_semaphore, #tpu.memory_space<semaphore_mem>>)
      %dma_wait3A_323 = arith.constant 0 : i32
      %dma_wait3A_324 = arith.constant 0 : i32
      %dma_wait3A_325 = tpu.memref_slice %arg9[%run_scoped3A_204, %dma_wait3A_323, %dma_wait3A_324] : memref<2x40x128xf32, #tpu.memory_space<vmem>> -> memref<1x40x128xf32, #tpu.memory_space<vmem>>
      %dma_wait3A_326 = tpu.memref_squeeze %dma_wait3A_325 : memref<1x40x128xf32, #tpu.memory_space<vmem>> -> memref<40x128xf32, #tpu.memory_space<vmem>>
      %dma_wait3A_327 = arith.constant 0 : i32
      %dma_wait3A_328 = tpu.memref_slice %arg8[%add3A_203, %dma_wait3A_327] : memref<10240x128xf32, #tpu.memory_space<vmem_shared>> -> memref<40x128xf32, #tpu.memory_space<vmem_shared>>
      %dma_wait3A_329 = arith.constant 0 : i32
      %dma_wait3A_330 = tpu.memref_slice %arg8[%add3A_203, %dma_wait3A_329] : memref<10240x128xf32, #tpu.memory_space<vmem_shared>> -> memref<40x128xf32, #tpu.memory_space<vmem_shared>>
      %dma_wait3A_331 = arith.constant 0 : i32
      %dma_wait3A_332 = arith.constant 0 : i32
      %dma_wait3A_333 = tpu.memref_slice %arg9[%run_scoped3A_204, %dma_wait3A_331, %dma_wait3A_332] : memref<2x40x128xf32, #tpu.memory_space<vmem>> -> memref<1x40x128xf32, #tpu.memory_space<vmem>>
      %dma_wait3A_334 = tpu.memref_squeeze %dma_wait3A_333 : memref<1x40x128xf32, #tpu.memory_space<vmem>> -> memref<40x128xf32, #tpu.memory_space<vmem>>
      tpu.wait_dma2 semaphore(%run_scoped3A_310 : memref<!tpu.dma_semaphore, #tpu.memory_space<semaphore_mem>>) src(%dma_wait3A_334 : memref<40x128xf32, #tpu.memory_space<vmem>>) dst(%dma_wait3A_330 : memref<40x128xf32, #tpu.memory_space<vmem_shared>>)
      tpu.yield
    }) : () -> ()
    %mul3A_205 = arith.constant 640 : i32
    %mul3A_206 = arith.muli %arg1, %mul3A_205 : i32
    %add3A_207 = arith.constant 280 : i32
    %add3A_208 = arith.addi %mul3A_206, %add3A_207 : i32
    %run_scoped3A_209 = arith.constant 0 : i32
    "tpu.region"() ({
      %run_scoped3A_310 = tpu.sem_alloc : memref<!tpu.dma_semaphore, #tpu.memory_space<semaphore_mem>>
      %dma_start3A_311 = arith.constant 0 : i32
      %dma_start3A_312 = arith.constant 0 : i32
      %dma_start3A_313 = tpu.memref_slice %arg9[%run_scoped3A_209, %dma_start3A_311, %dma_start3A_312] : memref<2x40x128xf32, #tpu.memory_space<vmem>> -> memref<1x40x128xf32, #tpu.memory_space<vmem>>
      %dma_start3A_314 = tpu.memref_squeeze %dma_start3A_313 : memref<1x40x128xf32, #tpu.memory_space<vmem>> -> memref<40x128xf32, #tpu.memory_space<vmem>>
      %dma_start3A_315 = arith.constant 0 : i32
      %dma_start3A_316 = tpu.memref_slice %arg8[%add3A_208, %dma_start3A_315] : memref<10240x128xf32, #tpu.memory_space<vmem_shared>> -> memref<40x128xf32, #tpu.memory_space<vmem_shared>>
      %dma_start3A_317 = arith.constant 0 : i32
      %dma_start3A_318 = tpu.memref_slice %arg8[%add3A_208, %dma_start3A_317] : memref<10240x128xf32, #tpu.memory_space<vmem_shared>> -> memref<40x128xf32, #tpu.memory_space<vmem_shared>>
      %dma_start3A_319 = arith.constant 0 : i32
      %dma_start3A_320 = arith.constant 0 : i32
      %dma_start3A_321 = tpu.memref_slice %arg9[%run_scoped3A_209, %dma_start3A_319, %dma_start3A_320] : memref<2x40x128xf32, #tpu.memory_space<vmem>> -> memref<1x40x128xf32, #tpu.memory_space<vmem>>
      %dma_start3A_322 = tpu.memref_squeeze %dma_start3A_321 : memref<1x40x128xf32, #tpu.memory_space<vmem>> -> memref<40x128xf32, #tpu.memory_space<vmem>>
      tpu.enqueue_dma source(%dma_start3A_322 : memref<40x128xf32, #tpu.memory_space<vmem>>) target(%dma_start3A_318 : memref<40x128xf32, #tpu.memory_space<vmem_shared>>) target_semaphore(%run_scoped3A_310 : memref<!tpu.dma_semaphore, #tpu.memory_space<semaphore_mem>>)
      %dma_wait3A_323 = arith.constant 0 : i32
      %dma_wait3A_324 = arith.constant 0 : i32
      %dma_wait3A_325 = tpu.memref_slice %arg9[%run_scoped3A_209, %dma_wait3A_323, %dma_wait3A_324] : memref<2x40x128xf32, #tpu.memory_space<vmem>> -> memref<1x40x128xf32, #tpu.memory_space<vmem>>
      %dma_wait3A_326 = tpu.memref_squeeze %dma_wait3A_325 : memref<1x40x128xf32, #tpu.memory_space<vmem>> -> memref<40x128xf32, #tpu.memory_space<vmem>>
      %dma_wait3A_327 = arith.constant 0 : i32
      %dma_wait3A_328 = tpu.memref_slice %arg8[%add3A_208, %dma_wait3A_327] : memref<10240x128xf32, #tpu.memory_space<vmem_shared>> -> memref<40x128xf32, #tpu.memory_space<vmem_shared>>
      %dma_wait3A_329 = arith.constant 0 : i32
      %dma_wait3A_330 = tpu.memref_slice %arg8[%add3A_208, %dma_wait3A_329] : memref<10240x128xf32, #tpu.memory_space<vmem_shared>> -> memref<40x128xf32, #tpu.memory_space<vmem_shared>>
      %dma_wait3A_331 = arith.constant 0 : i32
      %dma_wait3A_332 = arith.constant 0 : i32
      %dma_wait3A_333 = tpu.memref_slice %arg9[%run_scoped3A_209, %dma_wait3A_331, %dma_wait3A_332] : memref<2x40x128xf32, #tpu.memory_space<vmem>> -> memref<1x40x128xf32, #tpu.memory_space<vmem>>
      %dma_wait3A_334 = tpu.memref_squeeze %dma_wait3A_333 : memref<1x40x128xf32, #tpu.memory_space<vmem>> -> memref<40x128xf32, #tpu.memory_space<vmem>>
      tpu.wait_dma2 semaphore(%run_scoped3A_310 : memref<!tpu.dma_semaphore, #tpu.memory_space<semaphore_mem>>) src(%dma_wait3A_334 : memref<40x128xf32, #tpu.memory_space<vmem>>) dst(%dma_wait3A_330 : memref<40x128xf32, #tpu.memory_space<vmem_shared>>)
      tpu.yield
    }) : () -> ()
    %mul3A_210 = arith.constant 640 : i32
    %mul3A_211 = arith.muli %arg1, %mul3A_210 : i32
    %add3A_212 = arith.constant 320 : i32
    %add3A_213 = arith.addi %mul3A_211, %add3A_212 : i32
    %run_scoped3A_214 = arith.constant 0 : i32
    "tpu.region"() ({
      %run_scoped3A_310 = tpu.sem_alloc : memref<!tpu.dma_semaphore, #tpu.memory_space<semaphore_mem>>
      %dma_start3A_311 = arith.constant 0 : i32
      %dma_start3A_312 = arith.constant 0 : i32
      %dma_start3A_313 = tpu.memref_slice %arg9[%run_scoped3A_214, %dma_start3A_311, %dma_start3A_312] : memref<2x40x128xf32, #tpu.memory_space<vmem>> -> memref<1x40x128xf32, #tpu.memory_space<vmem>>
      %dma_start3A_314 = tpu.memref_squeeze %dma_start3A_313 : memref<1x40x128xf32, #tpu.memory_space<vmem>> -> memref<40x128xf32, #tpu.memory_space<vmem>>
      %dma_start3A_315 = arith.constant 0 : i32
      %dma_start3A_316 = tpu.memref_slice %arg8[%add3A_213, %dma_start3A_315] : memref<10240x128xf32, #tpu.memory_space<vmem_shared>> -> memref<40x128xf32, #tpu.memory_space<vmem_shared>>
      %dma_start3A_317 = arith.constant 0 : i32
      %dma_start3A_318 = tpu.memref_slice %arg8[%add3A_213, %dma_start3A_317] : memref<10240x128xf32, #tpu.memory_space<vmem_shared>> -> memref<40x128xf32, #tpu.memory_space<vmem_shared>>
      %dma_start3A_319 = arith.constant 0 : i32
      %dma_start3A_320 = arith.constant 0 : i32
      %dma_start3A_321 = tpu.memref_slice %arg9[%run_scoped3A_214, %dma_start3A_319, %dma_start3A_320] : memref<2x40x128xf32, #tpu.memory_space<vmem>> -> memref<1x40x128xf32, #tpu.memory_space<vmem>>
      %dma_start3A_322 = tpu.memref_squeeze %dma_start3A_321 : memref<1x40x128xf32, #tpu.memory_space<vmem>> -> memref<40x128xf32, #tpu.memory_space<vmem>>
      tpu.enqueue_dma source(%dma_start3A_322 : memref<40x128xf32, #tpu.memory_space<vmem>>) target(%dma_start3A_318 : memref<40x128xf32, #tpu.memory_space<vmem_shared>>) target_semaphore(%run_scoped3A_310 : memref<!tpu.dma_semaphore, #tpu.memory_space<semaphore_mem>>)
      %dma_wait3A_323 = arith.constant 0 : i32
      %dma_wait3A_324 = arith.constant 0 : i32
      %dma_wait3A_325 = tpu.memref_slice %arg9[%run_scoped3A_214, %dma_wait3A_323, %dma_wait3A_324] : memref<2x40x128xf32, #tpu.memory_space<vmem>> -> memref<1x40x128xf32, #tpu.memory_space<vmem>>
      %dma_wait3A_326 = tpu.memref_squeeze %dma_wait3A_325 : memref<1x40x128xf32, #tpu.memory_space<vmem>> -> memref<40x128xf32, #tpu.memory_space<vmem>>
      %dma_wait3A_327 = arith.constant 0 : i32
      %dma_wait3A_328 = tpu.memref_slice %arg8[%add3A_213, %dma_wait3A_327] : memref<10240x128xf32, #tpu.memory_space<vmem_shared>> -> memref<40x128xf32, #tpu.memory_space<vmem_shared>>
      %dma_wait3A_329 = arith.constant 0 : i32
      %dma_wait3A_330 = tpu.memref_slice %arg8[%add3A_213, %dma_wait3A_329] : memref<10240x128xf32, #tpu.memory_space<vmem_shared>> -> memref<40x128xf32, #tpu.memory_space<vmem_shared>>
      %dma_wait3A_331 = arith.constant 0 : i32
      %dma_wait3A_332 = arith.constant 0 : i32
      %dma_wait3A_333 = tpu.memref_slice %arg9[%run_scoped3A_214, %dma_wait3A_331, %dma_wait3A_332] : memref<2x40x128xf32, #tpu.memory_space<vmem>> -> memref<1x40x128xf32, #tpu.memory_space<vmem>>
      %dma_wait3A_334 = tpu.memref_squeeze %dma_wait3A_333 : memref<1x40x128xf32, #tpu.memory_space<vmem>> -> memref<40x128xf32, #tpu.memory_space<vmem>>
      tpu.wait_dma2 semaphore(%run_scoped3A_310 : memref<!tpu.dma_semaphore, #tpu.memory_space<semaphore_mem>>) src(%dma_wait3A_334 : memref<40x128xf32, #tpu.memory_space<vmem>>) dst(%dma_wait3A_330 : memref<40x128xf32, #tpu.memory_space<vmem_shared>>)
      tpu.yield
    }) : () -> ()
    %mul3A_215 = arith.constant 640 : i32
    %mul3A_216 = arith.muli %arg1, %mul3A_215 : i32
    %add3A_217 = arith.constant 360 : i32
    %add3A_218 = arith.addi %mul3A_216, %add3A_217 : i32
    %run_scoped3A_219 = arith.constant 0 : i32
    "tpu.region"() ({
      %run_scoped3A_310 = tpu.sem_alloc : memref<!tpu.dma_semaphore, #tpu.memory_space<semaphore_mem>>
      %dma_start3A_311 = arith.constant 0 : i32
      %dma_start3A_312 = arith.constant 0 : i32
      %dma_start3A_313 = tpu.memref_slice %arg9[%run_scoped3A_219, %dma_start3A_311, %dma_start3A_312] : memref<2x40x128xf32, #tpu.memory_space<vmem>> -> memref<1x40x128xf32, #tpu.memory_space<vmem>>
      %dma_start3A_314 = tpu.memref_squeeze %dma_start3A_313 : memref<1x40x128xf32, #tpu.memory_space<vmem>> -> memref<40x128xf32, #tpu.memory_space<vmem>>
      %dma_start3A_315 = arith.constant 0 : i32
      %dma_start3A_316 = tpu.memref_slice %arg8[%add3A_218, %dma_start3A_315] : memref<10240x128xf32, #tpu.memory_space<vmem_shared>> -> memref<40x128xf32, #tpu.memory_space<vmem_shared>>
      %dma_start3A_317 = arith.constant 0 : i32
      %dma_start3A_318 = tpu.memref_slice %arg8[%add3A_218, %dma_start3A_317] : memref<10240x128xf32, #tpu.memory_space<vmem_shared>> -> memref<40x128xf32, #tpu.memory_space<vmem_shared>>
      %dma_start3A_319 = arith.constant 0 : i32
      %dma_start3A_320 = arith.constant 0 : i32
      %dma_start3A_321 = tpu.memref_slice %arg9[%run_scoped3A_219, %dma_start3A_319, %dma_start3A_320] : memref<2x40x128xf32, #tpu.memory_space<vmem>> -> memref<1x40x128xf32, #tpu.memory_space<vmem>>
      %dma_start3A_322 = tpu.memref_squeeze %dma_start3A_321 : memref<1x40x128xf32, #tpu.memory_space<vmem>> -> memref<40x128xf32, #tpu.memory_space<vmem>>
      tpu.enqueue_dma source(%dma_start3A_322 : memref<40x128xf32, #tpu.memory_space<vmem>>) target(%dma_start3A_318 : memref<40x128xf32, #tpu.memory_space<vmem_shared>>) target_semaphore(%run_scoped3A_310 : memref<!tpu.dma_semaphore, #tpu.memory_space<semaphore_mem>>)
      %dma_wait3A_323 = arith.constant 0 : i32
      %dma_wait3A_324 = arith.constant 0 : i32
      %dma_wait3A_325 = tpu.memref_slice %arg9[%run_scoped3A_219, %dma_wait3A_323, %dma_wait3A_324] : memref<2x40x128xf32, #tpu.memory_space<vmem>> -> memref<1x40x128xf32, #tpu.memory_space<vmem>>
      %dma_wait3A_326 = tpu.memref_squeeze %dma_wait3A_325 : memref<1x40x128xf32, #tpu.memory_space<vmem>> -> memref<40x128xf32, #tpu.memory_space<vmem>>
      %dma_wait3A_327 = arith.constant 0 : i32
      %dma_wait3A_328 = tpu.memref_slice %arg8[%add3A_218, %dma_wait3A_327] : memref<10240x128xf32, #tpu.memory_space<vmem_shared>> -> memref<40x128xf32, #tpu.memory_space<vmem_shared>>
      %dma_wait3A_329 = arith.constant 0 : i32
      %dma_wait3A_330 = tpu.memref_slice %arg8[%add3A_218, %dma_wait3A_329] : memref<10240x128xf32, #tpu.memory_space<vmem_shared>> -> memref<40x128xf32, #tpu.memory_space<vmem_shared>>
      %dma_wait3A_331 = arith.constant 0 : i32
      %dma_wait3A_332 = arith.constant 0 : i32
      %dma_wait3A_333 = tpu.memref_slice %arg9[%run_scoped3A_219, %dma_wait3A_331, %dma_wait3A_332] : memref<2x40x128xf32, #tpu.memory_space<vmem>> -> memref<1x40x128xf32, #tpu.memory_space<vmem>>
      %dma_wait3A_334 = tpu.memref_squeeze %dma_wait3A_333 : memref<1x40x128xf32, #tpu.memory_space<vmem>> -> memref<40x128xf32, #tpu.memory_space<vmem>>
      tpu.wait_dma2 semaphore(%run_scoped3A_310 : memref<!tpu.dma_semaphore, #tpu.memory_space<semaphore_mem>>) src(%dma_wait3A_334 : memref<40x128xf32, #tpu.memory_space<vmem>>) dst(%dma_wait3A_330 : memref<40x128xf32, #tpu.memory_space<vmem_shared>>)
      tpu.yield
    }) : () -> ()
    %mul3A_220 = arith.constant 640 : i32
    %mul3A_221 = arith.muli %arg1, %mul3A_220 : i32
    %add3A_222 = arith.constant 400 : i32
    %add3A_223 = arith.addi %mul3A_221, %add3A_222 : i32
    %run_scoped3A_224 = arith.constant 0 : i32
    "tpu.region"() ({
      %run_scoped3A_310 = tpu.sem_alloc : memref<!tpu.dma_semaphore, #tpu.memory_space<semaphore_mem>>
      %dma_start3A_311 = arith.constant 0 : i32
      %dma_start3A_312 = arith.constant 0 : i32
      %dma_start3A_313 = tpu.memref_slice %arg9[%run_scoped3A_224, %dma_start3A_311, %dma_start3A_312] : memref<2x40x128xf32, #tpu.memory_space<vmem>> -> memref<1x40x128xf32, #tpu.memory_space<vmem>>
      %dma_start3A_314 = tpu.memref_squeeze %dma_start3A_313 : memref<1x40x128xf32, #tpu.memory_space<vmem>> -> memref<40x128xf32, #tpu.memory_space<vmem>>
      %dma_start3A_315 = arith.constant 0 : i32
      %dma_start3A_316 = tpu.memref_slice %arg8[%add3A_223, %dma_start3A_315] : memref<10240x128xf32, #tpu.memory_space<vmem_shared>> -> memref<40x128xf32, #tpu.memory_space<vmem_shared>>
      %dma_start3A_317 = arith.constant 0 : i32
      %dma_start3A_318 = tpu.memref_slice %arg8[%add3A_223, %dma_start3A_317] : memref<10240x128xf32, #tpu.memory_space<vmem_shared>> -> memref<40x128xf32, #tpu.memory_space<vmem_shared>>
      %dma_start3A_319 = arith.constant 0 : i32
      %dma_start3A_320 = arith.constant 0 : i32
      %dma_start3A_321 = tpu.memref_slice %arg9[%run_scoped3A_224, %dma_start3A_319, %dma_start3A_320] : memref<2x40x128xf32, #tpu.memory_space<vmem>> -> memref<1x40x128xf32, #tpu.memory_space<vmem>>
      %dma_start3A_322 = tpu.memref_squeeze %dma_start3A_321 : memref<1x40x128xf32, #tpu.memory_space<vmem>> -> memref<40x128xf32, #tpu.memory_space<vmem>>
      tpu.enqueue_dma source(%dma_start3A_322 : memref<40x128xf32, #tpu.memory_space<vmem>>) target(%dma_start3A_318 : memref<40x128xf32, #tpu.memory_space<vmem_shared>>) target_semaphore(%run_scoped3A_310 : memref<!tpu.dma_semaphore, #tpu.memory_space<semaphore_mem>>)
      %dma_wait3A_323 = arith.constant 0 : i32
      %dma_wait3A_324 = arith.constant 0 : i32
      %dma_wait3A_325 = tpu.memref_slice %arg9[%run_scoped3A_224, %dma_wait3A_323, %dma_wait3A_324] : memref<2x40x128xf32, #tpu.memory_space<vmem>> -> memref<1x40x128xf32, #tpu.memory_space<vmem>>
      %dma_wait3A_326 = tpu.memref_squeeze %dma_wait3A_325 : memref<1x40x128xf32, #tpu.memory_space<vmem>> -> memref<40x128xf32, #tpu.memory_space<vmem>>
      %dma_wait3A_327 = arith.constant 0 : i32
      %dma_wait3A_328 = tpu.memref_slice %arg8[%add3A_223, %dma_wait3A_327] : memref<10240x128xf32, #tpu.memory_space<vmem_shared>> -> memref<40x128xf32, #tpu.memory_space<vmem_shared>>
      %dma_wait3A_329 = arith.constant 0 : i32
      %dma_wait3A_330 = tpu.memref_slice %arg8[%add3A_223, %dma_wait3A_329] : memref<10240x128xf32, #tpu.memory_space<vmem_shared>> -> memref<40x128xf32, #tpu.memory_space<vmem_shared>>
      %dma_wait3A_331 = arith.constant 0 : i32
      %dma_wait3A_332 = arith.constant 0 : i32
      %dma_wait3A_333 = tpu.memref_slice %arg9[%run_scoped3A_224, %dma_wait3A_331, %dma_wait3A_332] : memref<2x40x128xf32, #tpu.memory_space<vmem>> -> memref<1x40x128xf32, #tpu.memory_space<vmem>>
      %dma_wait3A_334 = tpu.memref_squeeze %dma_wait3A_333 : memref<1x40x128xf32, #tpu.memory_space<vmem>> -> memref<40x128xf32, #tpu.memory_space<vmem>>
      tpu.wait_dma2 semaphore(%run_scoped3A_310 : memref<!tpu.dma_semaphore, #tpu.memory_space<semaphore_mem>>) src(%dma_wait3A_334 : memref<40x128xf32, #tpu.memory_space<vmem>>) dst(%dma_wait3A_330 : memref<40x128xf32, #tpu.memory_space<vmem_shared>>)
      tpu.yield
    }) : () -> ()
    %mul3A_225 = arith.constant 640 : i32
    %mul3A_226 = arith.muli %arg1, %mul3A_225 : i32
    %add3A_227 = arith.constant 440 : i32
    %add3A_228 = arith.addi %mul3A_226, %add3A_227 : i32
    %run_scoped3A_229 = arith.constant 0 : i32
    "tpu.region"() ({
      %run_scoped3A_310 = tpu.sem_alloc : memref<!tpu.dma_semaphore, #tpu.memory_space<semaphore_mem>>
      %dma_start3A_311 = arith.constant 0 : i32
      %dma_start3A_312 = arith.constant 0 : i32
      %dma_start3A_313 = tpu.memref_slice %arg9[%run_scoped3A_229, %dma_start3A_311, %dma_start3A_312] : memref<2x40x128xf32, #tpu.memory_space<vmem>> -> memref<1x40x128xf32, #tpu.memory_space<vmem>>
      %dma_start3A_314 = tpu.memref_squeeze %dma_start3A_313 : memref<1x40x128xf32, #tpu.memory_space<vmem>> -> memref<40x128xf32, #tpu.memory_space<vmem>>
      %dma_start3A_315 = arith.constant 0 : i32
      %dma_start3A_316 = tpu.memref_slice %arg8[%add3A_228, %dma_start3A_315] : memref<10240x128xf32, #tpu.memory_space<vmem_shared>> -> memref<40x128xf32, #tpu.memory_space<vmem_shared>>
      %dma_start3A_317 = arith.constant 0 : i32
      %dma_start3A_318 = tpu.memref_slice %arg8[%add3A_228, %dma_start3A_317] : memref<10240x128xf32, #tpu.memory_space<vmem_shared>> -> memref<40x128xf32, #tpu.memory_space<vmem_shared>>
      %dma_start3A_319 = arith.constant 0 : i32
      %dma_start3A_320 = arith.constant 0 : i32
      %dma_start3A_321 = tpu.memref_slice %arg9[%run_scoped3A_229, %dma_start3A_319, %dma_start3A_320] : memref<2x40x128xf32, #tpu.memory_space<vmem>> -> memref<1x40x128xf32, #tpu.memory_space<vmem>>
      %dma_start3A_322 = tpu.memref_squeeze %dma_start3A_321 : memref<1x40x128xf32, #tpu.memory_space<vmem>> -> memref<40x128xf32, #tpu.memory_space<vmem>>
      tpu.enqueue_dma source(%dma_start3A_322 : memref<40x128xf32, #tpu.memory_space<vmem>>) target(%dma_start3A_318 : memref<40x128xf32, #tpu.memory_space<vmem_shared>>) target_semaphore(%run_scoped3A_310 : memref<!tpu.dma_semaphore, #tpu.memory_space<semaphore_mem>>)
      %dma_wait3A_323 = arith.constant 0 : i32
      %dma_wait3A_324 = arith.constant 0 : i32
      %dma_wait3A_325 = tpu.memref_slice %arg9[%run_scoped3A_229, %dma_wait3A_323, %dma_wait3A_324] : memref<2x40x128xf32, #tpu.memory_space<vmem>> -> memref<1x40x128xf32, #tpu.memory_space<vmem>>
      %dma_wait3A_326 = tpu.memref_squeeze %dma_wait3A_325 : memref<1x40x128xf32, #tpu.memory_space<vmem>> -> memref<40x128xf32, #tpu.memory_space<vmem>>
      %dma_wait3A_327 = arith.constant 0 : i32
      %dma_wait3A_328 = tpu.memref_slice %arg8[%add3A_228, %dma_wait3A_327] : memref<10240x128xf32, #tpu.memory_space<vmem_shared>> -> memref<40x128xf32, #tpu.memory_space<vmem_shared>>
      %dma_wait3A_329 = arith.constant 0 : i32
      %dma_wait3A_330 = tpu.memref_slice %arg8[%add3A_228, %dma_wait3A_329] : memref<10240x128xf32, #tpu.memory_space<vmem_shared>> -> memref<40x128xf32, #tpu.memory_space<vmem_shared>>
      %dma_wait3A_331 = arith.constant 0 : i32
      %dma_wait3A_332 = arith.constant 0 : i32
      %dma_wait3A_333 = tpu.memref_slice %arg9[%run_scoped3A_229, %dma_wait3A_331, %dma_wait3A_332] : memref<2x40x128xf32, #tpu.memory_space<vmem>> -> memref<1x40x128xf32, #tpu.memory_space<vmem>>
      %dma_wait3A_334 = tpu.memref_squeeze %dma_wait3A_333 : memref<1x40x128xf32, #tpu.memory_space<vmem>> -> memref<40x128xf32, #tpu.memory_space<vmem>>
      tpu.wait_dma2 semaphore(%run_scoped3A_310 : memref<!tpu.dma_semaphore, #tpu.memory_space<semaphore_mem>>) src(%dma_wait3A_334 : memref<40x128xf32, #tpu.memory_space<vmem>>) dst(%dma_wait3A_330 : memref<40x128xf32, #tpu.memory_space<vmem_shared>>)
      tpu.yield
    }) : () -> ()
    %mul3A_230 = arith.constant 640 : i32
    %mul3A_231 = arith.muli %arg1, %mul3A_230 : i32
    %add3A_232 = arith.constant 480 : i32
    %add3A_233 = arith.addi %mul3A_231, %add3A_232 : i32
    %run_scoped3A_234 = arith.constant 0 : i32
    "tpu.region"() ({
      %run_scoped3A_310 = tpu.sem_alloc : memref<!tpu.dma_semaphore, #tpu.memory_space<semaphore_mem>>
      %dma_start3A_311 = arith.constant 0 : i32
      %dma_start3A_312 = arith.constant 0 : i32
      %dma_start3A_313 = tpu.memref_slice %arg9[%run_scoped3A_234, %dma_start3A_311, %dma_start3A_312] : memref<2x40x128xf32, #tpu.memory_space<vmem>> -> memref<1x40x128xf32, #tpu.memory_space<vmem>>
      %dma_start3A_314 = tpu.memref_squeeze %dma_start3A_313 : memref<1x40x128xf32, #tpu.memory_space<vmem>> -> memref<40x128xf32, #tpu.memory_space<vmem>>
      %dma_start3A_315 = arith.constant 0 : i32
      %dma_start3A_316 = tpu.memref_slice %arg8[%add3A_233, %dma_start3A_315] : memref<10240x128xf32, #tpu.memory_space<vmem_shared>> -> memref<40x128xf32, #tpu.memory_space<vmem_shared>>
      %dma_start3A_317 = arith.constant 0 : i32
      %dma_start3A_318 = tpu.memref_slice %arg8[%add3A_233, %dma_start3A_317] : memref<10240x128xf32, #tpu.memory_space<vmem_shared>> -> memref<40x128xf32, #tpu.memory_space<vmem_shared>>
      %dma_start3A_319 = arith.constant 0 : i32
      %dma_start3A_320 = arith.constant 0 : i32
      %dma_start3A_321 = tpu.memref_slice %arg9[%run_scoped3A_234, %dma_start3A_319, %dma_start3A_320] : memref<2x40x128xf32, #tpu.memory_space<vmem>> -> memref<1x40x128xf32, #tpu.memory_space<vmem>>
      %dma_start3A_322 = tpu.memref_squeeze %dma_start3A_321 : memref<1x40x128xf32, #tpu.memory_space<vmem>> -> memref<40x128xf32, #tpu.memory_space<vmem>>
      tpu.enqueue_dma source(%dma_start3A_322 : memref<40x128xf32, #tpu.memory_space<vmem>>) target(%dma_start3A_318 : memref<40x128xf32, #tpu.memory_space<vmem_shared>>) target_semaphore(%run_scoped3A_310 : memref<!tpu.dma_semaphore, #tpu.memory_space<semaphore_mem>>)
      %dma_wait3A_323 = arith.constant 0 : i32
      %dma_wait3A_324 = arith.constant 0 : i32
      %dma_wait3A_325 = tpu.memref_slice %arg9[%run_scoped3A_234, %dma_wait3A_323, %dma_wait3A_324] : memref<2x40x128xf32, #tpu.memory_space<vmem>> -> memref<1x40x128xf32, #tpu.memory_space<vmem>>
      %dma_wait3A_326 = tpu.memref_squeeze %dma_wait3A_325 : memref<1x40x128xf32, #tpu.memory_space<vmem>> -> memref<40x128xf32, #tpu.memory_space<vmem>>
      %dma_wait3A_327 = arith.constant 0 : i32
      %dma_wait3A_328 = tpu.memref_slice %arg8[%add3A_233, %dma_wait3A_327] : memref<10240x128xf32, #tpu.memory_space<vmem_shared>> -> memref<40x128xf32, #tpu.memory_space<vmem_shared>>
      %dma_wait3A_329 = arith.constant 0 : i32
      %dma_wait3A_330 = tpu.memref_slice %arg8[%add3A_233, %dma_wait3A_329] : memref<10240x128xf32, #tpu.memory_space<vmem_shared>> -> memref<40x128xf32, #tpu.memory_space<vmem_shared>>
      %dma_wait3A_331 = arith.constant 0 : i32
      %dma_wait3A_332 = arith.constant 0 : i32
      %dma_wait3A_333 = tpu.memref_slice %arg9[%run_scoped3A_234, %dma_wait3A_331, %dma_wait3A_332] : memref<2x40x128xf32, #tpu.memory_space<vmem>> -> memref<1x40x128xf32, #tpu.memory_space<vmem>>
      %dma_wait3A_334 = tpu.memref_squeeze %dma_wait3A_333 : memref<1x40x128xf32, #tpu.memory_space<vmem>> -> memref<40x128xf32, #tpu.memory_space<vmem>>
      tpu.wait_dma2 semaphore(%run_scoped3A_310 : memref<!tpu.dma_semaphore, #tpu.memory_space<semaphore_mem>>) src(%dma_wait3A_334 : memref<40x128xf32, #tpu.memory_space<vmem>>) dst(%dma_wait3A_330 : memref<40x128xf32, #tpu.memory_space<vmem_shared>>)
      tpu.yield
    }) : () -> ()
    %mul3A_235 = arith.constant 640 : i32
    %mul3A_236 = arith.muli %arg1, %mul3A_235 : i32
    %add3A_237 = arith.constant 520 : i32
    %add3A_238 = arith.addi %mul3A_236, %add3A_237 : i32
    %run_scoped3A_239 = arith.constant 0 : i32
    "tpu.region"() ({
      %run_scoped3A_310 = tpu.sem_alloc : memref<!tpu.dma_semaphore, #tpu.memory_space<semaphore_mem>>
      %dma_start3A_311 = arith.constant 0 : i32
      %dma_start3A_312 = arith.constant 0 : i32
      %dma_start3A_313 = tpu.memref_slice %arg9[%run_scoped3A_239, %dma_start3A_311, %dma_start3A_312] : memref<2x40x128xf32, #tpu.memory_space<vmem>> -> memref<1x40x128xf32, #tpu.memory_space<vmem>>
      %dma_start3A_314 = tpu.memref_squeeze %dma_start3A_313 : memref<1x40x128xf32, #tpu.memory_space<vmem>> -> memref<40x128xf32, #tpu.memory_space<vmem>>
      %dma_start3A_315 = arith.constant 0 : i32
      %dma_start3A_316 = tpu.memref_slice %arg8[%add3A_238, %dma_start3A_315] : memref<10240x128xf32, #tpu.memory_space<vmem_shared>> -> memref<40x128xf32, #tpu.memory_space<vmem_shared>>
      %dma_start3A_317 = arith.constant 0 : i32
      %dma_start3A_318 = tpu.memref_slice %arg8[%add3A_238, %dma_start3A_317] : memref<10240x128xf32, #tpu.memory_space<vmem_shared>> -> memref<40x128xf32, #tpu.memory_space<vmem_shared>>
      %dma_start3A_319 = arith.constant 0 : i32
      %dma_start3A_320 = arith.constant 0 : i32
      %dma_start3A_321 = tpu.memref_slice %arg9[%run_scoped3A_239, %dma_start3A_319, %dma_start3A_320] : memref<2x40x128xf32, #tpu.memory_space<vmem>> -> memref<1x40x128xf32, #tpu.memory_space<vmem>>
      %dma_start3A_322 = tpu.memref_squeeze %dma_start3A_321 : memref<1x40x128xf32, #tpu.memory_space<vmem>> -> memref<40x128xf32, #tpu.memory_space<vmem>>
      tpu.enqueue_dma source(%dma_start3A_322 : memref<40x128xf32, #tpu.memory_space<vmem>>) target(%dma_start3A_318 : memref<40x128xf32, #tpu.memory_space<vmem_shared>>) target_semaphore(%run_scoped3A_310 : memref<!tpu.dma_semaphore, #tpu.memory_space<semaphore_mem>>)
      %dma_wait3A_323 = arith.constant 0 : i32
      %dma_wait3A_324 = arith.constant 0 : i32
      %dma_wait3A_325 = tpu.memref_slice %arg9[%run_scoped3A_239, %dma_wait3A_323, %dma_wait3A_324] : memref<2x40x128xf32, #tpu.memory_space<vmem>> -> memref<1x40x128xf32, #tpu.memory_space<vmem>>
      %dma_wait3A_326 = tpu.memref_squeeze %dma_wait3A_325 : memref<1x40x128xf32, #tpu.memory_space<vmem>> -> memref<40x128xf32, #tpu.memory_space<vmem>>
      %dma_wait3A_327 = arith.constant 0 : i32
      %dma_wait3A_328 = tpu.memref_slice %arg8[%add3A_238, %dma_wait3A_327] : memref<10240x128xf32, #tpu.memory_space<vmem_shared>> -> memref<40x128xf32, #tpu.memory_space<vmem_shared>>
      %dma_wait3A_329 = arith.constant 0 : i32
      %dma_wait3A_330 = tpu.memref_slice %arg8[%add3A_238, %dma_wait3A_329] : memref<10240x128xf32, #tpu.memory_space<vmem_shared>> -> memref<40x128xf32, #tpu.memory_space<vmem_shared>>
      %dma_wait3A_331 = arith.constant 0 : i32
      %dma_wait3A_332 = arith.constant 0 : i32
      %dma_wait3A_333 = tpu.memref_slice %arg9[%run_scoped3A_239, %dma_wait3A_331, %dma_wait3A_332] : memref<2x40x128xf32, #tpu.memory_space<vmem>> -> memref<1x40x128xf32, #tpu.memory_space<vmem>>
      %dma_wait3A_334 = tpu.memref_squeeze %dma_wait3A_333 : memref<1x40x128xf32, #tpu.memory_space<vmem>> -> memref<40x128xf32, #tpu.memory_space<vmem>>
      tpu.wait_dma2 semaphore(%run_scoped3A_310 : memref<!tpu.dma_semaphore, #tpu.memory_space<semaphore_mem>>) src(%dma_wait3A_334 : memref<40x128xf32, #tpu.memory_space<vmem>>) dst(%dma_wait3A_330 : memref<40x128xf32, #tpu.memory_space<vmem_shared>>)
      tpu.yield
    }) : () -> ()
    %mul3A_240 = arith.constant 640 : i32
    %mul3A_241 = arith.muli %arg1, %mul3A_240 : i32
    %add3A_242 = arith.constant 560 : i32
    %add3A_243 = arith.addi %mul3A_241, %add3A_242 : i32
    %run_scoped3A_244 = arith.constant 0 : i32
    "tpu.region"() ({
      %run_scoped3A_310 = tpu.sem_alloc : memref<!tpu.dma_semaphore, #tpu.memory_space<semaphore_mem>>
      %dma_start3A_311 = arith.constant 0 : i32
      %dma_start3A_312 = arith.constant 0 : i32
      %dma_start3A_313 = tpu.memref_slice %arg9[%run_scoped3A_244, %dma_start3A_311, %dma_start3A_312] : memref<2x40x128xf32, #tpu.memory_space<vmem>> -> memref<1x40x128xf32, #tpu.memory_space<vmem>>
      %dma_start3A_314 = tpu.memref_squeeze %dma_start3A_313 : memref<1x40x128xf32, #tpu.memory_space<vmem>> -> memref<40x128xf32, #tpu.memory_space<vmem>>
      %dma_start3A_315 = arith.constant 0 : i32
      %dma_start3A_316 = tpu.memref_slice %arg8[%add3A_243, %dma_start3A_315] : memref<10240x128xf32, #tpu.memory_space<vmem_shared>> -> memref<40x128xf32, #tpu.memory_space<vmem_shared>>
      %dma_start3A_317 = arith.constant 0 : i32
      %dma_start3A_318 = tpu.memref_slice %arg8[%add3A_243, %dma_start3A_317] : memref<10240x128xf32, #tpu.memory_space<vmem_shared>> -> memref<40x128xf32, #tpu.memory_space<vmem_shared>>
      %dma_start3A_319 = arith.constant 0 : i32
      %dma_start3A_320 = arith.constant 0 : i32
      %dma_start3A_321 = tpu.memref_slice %arg9[%run_scoped3A_244, %dma_start3A_319, %dma_start3A_320] : memref<2x40x128xf32, #tpu.memory_space<vmem>> -> memref<1x40x128xf32, #tpu.memory_space<vmem>>
      %dma_start3A_322 = tpu.memref_squeeze %dma_start3A_321 : memref<1x40x128xf32, #tpu.memory_space<vmem>> -> memref<40x128xf32, #tpu.memory_space<vmem>>
      tpu.enqueue_dma source(%dma_start3A_322 : memref<40x128xf32, #tpu.memory_space<vmem>>) target(%dma_start3A_318 : memref<40x128xf32, #tpu.memory_space<vmem_shared>>) target_semaphore(%run_scoped3A_310 : memref<!tpu.dma_semaphore, #tpu.memory_space<semaphore_mem>>)
      %dma_wait3A_323 = arith.constant 0 : i32
      %dma_wait3A_324 = arith.constant 0 : i32
      %dma_wait3A_325 = tpu.memref_slice %arg9[%run_scoped3A_244, %dma_wait3A_323, %dma_wait3A_324] : memref<2x40x128xf32, #tpu.memory_space<vmem>> -> memref<1x40x128xf32, #tpu.memory_space<vmem>>
      %dma_wait3A_326 = tpu.memref_squeeze %dma_wait3A_325 : memref<1x40x128xf32, #tpu.memory_space<vmem>> -> memref<40x128xf32, #tpu.memory_space<vmem>>
      %dma_wait3A_327 = arith.constant 0 : i32
      %dma_wait3A_328 = tpu.memref_slice %arg8[%add3A_243, %dma_wait3A_327] : memref<10240x128xf32, #tpu.memory_space<vmem_shared>> -> memref<40x128xf32, #tpu.memory_space<vmem_shared>>
      %dma_wait3A_329 = arith.constant 0 : i32
      %dma_wait3A_330 = tpu.memref_slice %arg8[%add3A_243, %dma_wait3A_329] : memref<10240x128xf32, #tpu.memory_space<vmem_shared>> -> memref<40x128xf32, #tpu.memory_space<vmem_shared>>
      %dma_wait3A_331 = arith.constant 0 : i32
      %dma_wait3A_332 = arith.constant 0 : i32
      %dma_wait3A_333 = tpu.memref_slice %arg9[%run_scoped3A_244, %dma_wait3A_331, %dma_wait3A_332] : memref<2x40x128xf32, #tpu.memory_space<vmem>> -> memref<1x40x128xf32, #tpu.memory_space<vmem>>
      %dma_wait3A_334 = tpu.memref_squeeze %dma_wait3A_333 : memref<1x40x128xf32, #tpu.memory_space<vmem>> -> memref<40x128xf32, #tpu.memory_space<vmem>>
      tpu.wait_dma2 semaphore(%run_scoped3A_310 : memref<!tpu.dma_semaphore, #tpu.memory_space<semaphore_mem>>) src(%dma_wait3A_334 : memref<40x128xf32, #tpu.memory_space<vmem>>) dst(%dma_wait3A_330 : memref<40x128xf32, #tpu.memory_space<vmem_shared>>)
      tpu.yield
    }) : () -> ()
    %mul3A_245 = arith.constant 640 : i32
    %mul3A_246 = arith.muli %arg1, %mul3A_245 : i32
    %add3A_247 = arith.constant 600 : i32
    %add3A_248 = arith.addi %mul3A_246, %add3A_247 : i32
    %run_scoped3A_249 = arith.constant 0 : i32
    "tpu.region"() ({
      %run_scoped3A_310 = tpu.sem_alloc : memref<!tpu.dma_semaphore, #tpu.memory_space<semaphore_mem>>
      %dma_start3A_311 = arith.constant 0 : i32
      %dma_start3A_312 = arith.constant 0 : i32
      %dma_start3A_313 = tpu.memref_slice %arg9[%run_scoped3A_249, %dma_start3A_311, %dma_start3A_312] : memref<2x40x128xf32, #tpu.memory_space<vmem>> -> memref<1x40x128xf32, #tpu.memory_space<vmem>>
      %dma_start3A_314 = tpu.memref_squeeze %dma_start3A_313 : memref<1x40x128xf32, #tpu.memory_space<vmem>> -> memref<40x128xf32, #tpu.memory_space<vmem>>
      %dma_start3A_315 = arith.constant 0 : i32
      %dma_start3A_316 = tpu.memref_slice %arg8[%add3A_248, %dma_start3A_315] : memref<10240x128xf32, #tpu.memory_space<vmem_shared>> -> memref<40x128xf32, #tpu.memory_space<vmem_shared>>
      %dma_start3A_317 = arith.constant 0 : i32
      %dma_start3A_318 = tpu.memref_slice %arg8[%add3A_248, %dma_start3A_317] : memref<10240x128xf32, #tpu.memory_space<vmem_shared>> -> memref<40x128xf32, #tpu.memory_space<vmem_shared>>
      %dma_start3A_319 = arith.constant 0 : i32
      %dma_start3A_320 = arith.constant 0 : i32
      %dma_start3A_321 = tpu.memref_slice %arg9[%run_scoped3A_249, %dma_start3A_319, %dma_start3A_320] : memref<2x40x128xf32, #tpu.memory_space<vmem>> -> memref<1x40x128xf32, #tpu.memory_space<vmem>>
      %dma_start3A_322 = tpu.memref_squeeze %dma_start3A_321 : memref<1x40x128xf32, #tpu.memory_space<vmem>> -> memref<40x128xf32, #tpu.memory_space<vmem>>
      tpu.enqueue_dma source(%dma_start3A_322 : memref<40x128xf32, #tpu.memory_space<vmem>>) target(%dma_start3A_318 : memref<40x128xf32, #tpu.memory_space<vmem_shared>>) target_semaphore(%run_scoped3A_310 : memref<!tpu.dma_semaphore, #tpu.memory_space<semaphore_mem>>)
      %dma_wait3A_323 = arith.constant 0 : i32
      %dma_wait3A_324 = arith.constant 0 : i32
      %dma_wait3A_325 = tpu.memref_slice %arg9[%run_scoped3A_249, %dma_wait3A_323, %dma_wait3A_324] : memref<2x40x128xf32, #tpu.memory_space<vmem>> -> memref<1x40x128xf32, #tpu.memory_space<vmem>>
      %dma_wait3A_326 = tpu.memref_squeeze %dma_wait3A_325 : memref<1x40x128xf32, #tpu.memory_space<vmem>> -> memref<40x128xf32, #tpu.memory_space<vmem>>
      %dma_wait3A_327 = arith.constant 0 : i32
      %dma_wait3A_328 = tpu.memref_slice %arg8[%add3A_248, %dma_wait3A_327] : memref<10240x128xf32, #tpu.memory_space<vmem_shared>> -> memref<40x128xf32, #tpu.memory_space<vmem_shared>>
      %dma_wait3A_329 = arith.constant 0 : i32
      %dma_wait3A_330 = tpu.memref_slice %arg8[%add3A_248, %dma_wait3A_329] : memref<10240x128xf32, #tpu.memory_space<vmem_shared>> -> memref<40x128xf32, #tpu.memory_space<vmem_shared>>
      %dma_wait3A_331 = arith.constant 0 : i32
      %dma_wait3A_332 = arith.constant 0 : i32
      %dma_wait3A_333 = tpu.memref_slice %arg9[%run_scoped3A_249, %dma_wait3A_331, %dma_wait3A_332] : memref<2x40x128xf32, #tpu.memory_space<vmem>> -> memref<1x40x128xf32, #tpu.memory_space<vmem>>
      %dma_wait3A_334 = tpu.memref_squeeze %dma_wait3A_333 : memref<1x40x128xf32, #tpu.memory_space<vmem>> -> memref<40x128xf32, #tpu.memory_space<vmem>>
      tpu.wait_dma2 semaphore(%run_scoped3A_310 : memref<!tpu.dma_semaphore, #tpu.memory_space<semaphore_mem>>) src(%dma_wait3A_334 : memref<40x128xf32, #tpu.memory_space<vmem>>) dst(%dma_wait3A_330 : memref<40x128xf32, #tpu.memory_space<vmem_shared>>)
      tpu.yield
    }) : () -> ()
    %scan3A_250 = arith.constant 0 : i32
    %scan3A_251 = arith.constant 0 : i32
    %scan3A_252 = arith.constant 320 : i32
    %scan3A_253 = arith.addi %scan3A_251, %scan3A_252 : i32
    %scan3A_254 = arith.constant 1 : i32
    %scan3A_255 = scf.for %scan3A_310 = %scan3A_251 to %scan3A_253 step %scan3A_254 iter_args(%scan3A_311 = %scan3A_250) -> (i32)  : i32 {
      %jit3A = arith.constant 8 : i32
      %div3A = arith.divsi %scan3A_310, %jit3A : i32
      %sign3A = arith.constant 0 : i32
      %sign3A_312 = arith.cmpi sgt, %scan3A_310, %sign3A : i32
      %sign3A_313 = arith.extui %sign3A_312 : i1 to i32
      %sign3A_314 = arith.constant 0 : i32
      %sign3A_315 = arith.cmpi slt, %scan3A_310, %sign3A_314 : i32
      %sign3A_316 = arith.extui %sign3A_315 : i1 to i32
      %sign3A_317 = arith.subi %sign3A_313, %sign3A_316 : i32
      %sign3A_318 = arith.constant 0 : i32
      %sign3A_319 = arith.cmpi sgt, %jit3A, %sign3A_318 : i32
      %sign3A_320 = arith.extui %sign3A_319 : i1 to i32
      %sign3A_321 = arith.constant 0 : i32
      %sign3A_322 = arith.cmpi slt, %jit3A, %sign3A_321 : i32
      %sign3A_323 = arith.extui %sign3A_322 : i1 to i32
      %sign3A_324 = arith.subi %sign3A_320, %sign3A_323 : i32
      %ne3A = arith.cmpi ne, %sign3A_317, %sign3A_324 : i32
      %rem3A = arith.remsi %scan3A_310, %jit3A : i32
      %ne3A_325 = arith.constant 0 : i32
      %ne3A_326 = arith.cmpi ne, %rem3A, %ne3A_325 : i32
      %and3A = arith.andi %ne3A, %ne3A_326 : i1
      %sub3A = arith.constant 1 : i32
      %sub3A_327 = arith.subi %div3A, %sub3A : i32
      %select_n3A = arith.select %and3A, %sub3A_327, %div3A : i32
      %jit3A_328 = arith.constant 8 : i32
      %eq3A = arith.constant 0 : i32
      %eq3A_329 = arith.cmpi eq, %jit3A_328, %eq3A : i32
      %jit3A_330 = arith.constant 1 : i32
      %select_n3A_331 = arith.select %eq3A_329, %jit3A_330, %jit3A_328 : i32
      %rem3A_332 = arith.remsi %scan3A_310, %select_n3A_331 : i32
      %ne3A_333 = arith.constant 0 : i32
      %ne3A_334 = arith.cmpi ne, %rem3A_332, %ne3A_333 : i32
      %lt3A = arith.constant 0 : i32
      %lt3A_335 = arith.cmpi slt, %rem3A_332, %lt3A : i32
      %lt3A_336 = arith.constant 0 : i32
      %lt3A_337 = arith.cmpi slt, %select_n3A_331, %lt3A_336 : i32
      %ne3A_338 = arith.xori %lt3A_335, %lt3A_337 : i1
      %and3A_339 = arith.andi %ne3A_338, %ne3A_334 : i1
      %add3A_340 = arith.addi %rem3A_332, %select_n3A_331 : i32
      %select_n3A_341 = arith.select %and3A_339, %add3A_340, %rem3A_332 : i32
      %mul3A_342 = arith.constant 16 : i32
      %mul3A_343 = arith.muli %select_n3A_341, %mul3A_342 : i32
      %swap3A = arith.constant 0 : i32
      %swap3A_344 = arith.index_cast %swap3A : i32 to index
      %swap3A_345 = arith.index_cast %select_n3A : i32 to index
      %swap3A_346 = arith.index_cast %mul3A_343 : i32 to index
      %swap3A_347 = tpu.vector_load %arg9[%swap3A_344, %swap3A_345, %swap3A_346] {strides = array<i32>} : memref<2x40x128xf32, #tpu.memory_space<vmem>>, vector<1x1x16xf32>,
      %swap3A_348 = vector.shape_cast %swap3A_347 : vector<1x1x16xf32> to vector<16xf32>
      %swap3A_349 = vector.shape_cast %broadcast_in_dim3A_3 : vector<16xf32> to vector<1x1x16xf32>
      tpu.vector_store %arg9[%swap3A_344, %swap3A_345, %swap3A_346], %swap3A_349 {strides = array<i32>} : memref<2x40x128xf32, #tpu.memory_space<vmem>>, vector<1x1x16xf32>,
      %scan3A_350 = arith.constant 0 : i32
      scf.yield %scan3A_350 : i32
    }
    %scan3A_256 = arith.constant 320 : i32
    %barrier3A_257 = arith.constant 0 : index
    tpu.barrier barrier_id(%barrier3A_257)
    %add3A_258 = arith.constant 0 : i32
    %add3A_259 = arith.addi %mul3A_5, %add3A_258 : i32
    %dma_start3A_260 = arith.constant 0 : i32
    %dma_start3A_261 = arith.constant 0 : i32
    %dma_start3A_262 = tpu.memref_slice %arg12[%dma_start3A_260, %dma_start3A_261] : memref<2x40xi32, #tpu.memory_space<vmem>> -> memref<1x40xi32, #tpu.memory_space<vmem>>
    %dma_start3A_263 = tpu.memref_squeeze %dma_start3A_262 : memref<1x40xi32, #tpu.memory_space<vmem>> -> memref<40xi32, #tpu.memory_space<vmem>>
    %dma_start3A_264 = tpu.memref_slice %arg4[%add3A_259] : memref<320000xi32, #tpu.memory_space<hbm>> -> memref<40xi32, #tpu.memory_space<hbm>>
    %dma_start3A_265 = arith.constant 0 : i32
    %dma_start3A_266 = tpu.memref_slice %arg12[%dma_start3A_260, %dma_start3A_265] : memref<2x40xi32, #tpu.memory_space<vmem>> -> memref<1x40xi32, #tpu.memory_space<vmem>>
    %dma_start3A_267 = tpu.memref_squeeze %dma_start3A_266 : memref<1x40xi32, #tpu.memory_space<vmem>> -> memref<40xi32, #tpu.memory_space<vmem>>
    %dma_start3A_268 = tpu.memref_slice %arg4[%add3A_259] : memref<320000xi32, #tpu.memory_space<hbm>> -> memref<40xi32, #tpu.memory_space<hbm>>
    tpu.enqueue_dma source(%dma_start3A_268 : memref<40xi32, #tpu.memory_space<hbm>>) target(%dma_start3A_267 : memref<40xi32, #tpu.memory_space<vmem>>) target_semaphore(%arg13 : memref<!tpu.dma_semaphore, #tpu.memory_space<semaphore_mem>>)
    %scan3A_269 = arith.constant 0 : i32
    %scan3A_270 = arith.constant 0 : i32
    %scan3A_271 = arith.constant 125 : i32
    %scan3A_272 = arith.addi %scan3A_270, %scan3A_271 : i32
    %scan3A_273 = arith.constant 1 : i32
    %scan3A_274 = scf.for %scan3A_310 = %scan3A_270 to %scan3A_272 step %scan3A_273 iter_args(%scan3A_311 = %scan3A_269) -> (i32)  : i32 {
      %mul3A_312 = arith.constant 2 : i32
      %mul3A_313 = arith.muli %mul3A_312, %scan3A_310 : i32
      %add3A_314 = arith.constant 1 : i32
      %add3A_315 = arith.addi %mul3A_313, %add3A_314 : i32
      %gt3A = arith.constant 0 : i32
      %gt3A_316 = arith.cmpi sgt, %scan3A_310, %gt3A : i32
      %dma_wait3A_317 = arith.constant 0 : i32
      %dma_wait3A_318 = arith.constant 0 : i32
      %dma_wait3A_319 = tpu.memref_slice %arg12[%dma_wait3A_317, %dma_wait3A_318] : memref<2x40xi32, #tpu.memory_space<vmem>> -> memref<1x40xi32, #tpu.memory_space<vmem>>
      %dma_wait3A_320 = tpu.memref_squeeze %dma_wait3A_319 : memref<1x40xi32, #tpu.memory_space<vmem>> -> memref<40xi32, #tpu.memory_space<vmem>>
      %dma_wait3A_321 = arith.constant 0 : i32
      %dma_wait3A_322 = tpu.memref_slice %arg4[%dma_wait3A_321] : memref<320000xi32, #tpu.memory_space<hbm>> -> memref<40xi32, #tpu.memory_space<hbm>>
      %dma_wait3A_323 = arith.constant 0 : i32
      %dma_wait3A_324 = tpu.memref_slice %arg12[%dma_wait3A_317, %dma_wait3A_323] : memref<2x40xi32, #tpu.memory_space<vmem>> -> memref<1x40xi32, #tpu.memory_space<vmem>>
      %dma_wait3A_325 = tpu.memref_squeeze %dma_wait3A_324 : memref<1x40xi32, #tpu.memory_space<vmem>> -> memref<40xi32, #tpu.memory_space<vmem>>
      %dma_wait3A_326 = arith.constant 0 : i32
      %dma_wait3A_327 = tpu.memref_slice %arg4[%dma_wait3A_326] : memref<320000xi32, #tpu.memory_space<hbm>> -> memref<40xi32, #tpu.memory_space<hbm>>
      tpu.wait_dma2 semaphore(%arg13 : memref<!tpu.dma_semaphore, #tpu.memory_space<semaphore_mem>>) src(%dma_wait3A_327 : memref<40xi32, #tpu.memory_space<hbm>>) dst(%dma_wait3A_325 : memref<40xi32, #tpu.memory_space<vmem>>)
      %convert_element_type3A = arith.extui %gt3A_316 : i1 to i32
      %cond3A = arith.constant 0 : i32
      %cond3A_328 = arith.cmpi ne, %convert_element_type3A, %cond3A : i32
      scf.if %cond3A_328 {
        %dma_wait3A_399 = arith.constant 0 : i32
        %dma_wait3A_400 = arith.constant 1 : i32
        %dma_wait3A_401 = arith.constant 0 : i32
        %dma_wait3A_402 = arith.constant 0 : i32
        %dma_wait3A_403 = tpu.memref_slice %arg9[%dma_wait3A_399, %dma_wait3A_401, %dma_wait3A_402] : memref<2x40x128xf32, #tpu.memory_space<vmem>> -> memref<1x40x128xf32, #tpu.memory_space<vmem>>
        %dma_wait3A_404 = tpu.memref_squeeze %dma_wait3A_403 : memref<1x40x128xf32, #tpu.memory_space<vmem>> -> memref<40x128xf32, #tpu.memory_space<vmem>>
        %dma_wait3A_405 = arith.constant 0 : i32
        %dma_wait3A_406 = tpu.memref_slice %arg12[%dma_wait3A_400, %dma_wait3A_405] : memref<2x40xi32, #tpu.memory_space<vmem>> -> memref<1x40xi32, #tpu.memory_space<vmem>>
        %dma_wait3A_407 = tpu.memref_squeeze %dma_wait3A_406 : memref<1x40xi32, #tpu.memory_space<vmem>> -> memref<40xi32, #tpu.memory_space<vmem>>
        %dma_wait3A_408 = arith.constant 0 : i32
        %dma_wait3A_409 = arith.constant 0 : i32
        %dma_wait3A_410 = tpu.memref_slice %arg8[%dma_wait3A_408, %dma_wait3A_409] : memref<10240x128xf32, #tpu.memory_space<vmem_shared>> -> memref<10240x128xf32, #tpu.memory_space<vmem_shared>>
        tpu.wait_indirect_dma semaphore(%arg15 : memref<!tpu.dma_semaphore, #tpu.memory_space<semaphore_mem>>) src(%dma_wait3A_404 : memref<40x128xf32, #tpu.memory_space<vmem>>) dst(%dma_wait3A_410 : memref<10240x128xf32, #tpu.memory_space<vmem_shared>>)
      } else {
      }
      %mul3A_329 = arith.constant 40 : i32
      %mul3A_330 = arith.muli %add3A_315, %mul3A_329 : i32
      %add3A_331 = arith.addi %mul3A_5, %mul3A_330 : i32
      %dma_start3A_332 = arith.constant 1 : i32
      %dma_start3A_333 = arith.constant 0 : i32
      %dma_start3A_334 = tpu.memref_slice %arg12[%dma_start3A_332, %dma_start3A_333] : memref<2x40xi32, #tpu.memory_space<vmem>> -> memref<1x40xi32, #tpu.memory_space<vmem>>
      %dma_start3A_335 = tpu.memref_squeeze %dma_start3A_334 : memref<1x40xi32, #tpu.memory_space<vmem>> -> memref<40xi32, #tpu.memory_space<vmem>>
      %dma_start3A_336 = tpu.memref_slice %arg4[%add3A_331] : memref<320000xi32, #tpu.memory_space<hbm>> -> memref<40xi32, #tpu.memory_space<hbm>>
      %dma_start3A_337 = arith.constant 0 : i32
      %dma_start3A_338 = tpu.memref_slice %arg12[%dma_start3A_332, %dma_start3A_337] : memref<2x40xi32, #tpu.memory_space<vmem>> -> memref<1x40xi32, #tpu.memory_space<vmem>>
      %dma_start3A_339 = tpu.memref_squeeze %dma_start3A_338 : memref<1x40xi32, #tpu.memory_space<vmem>> -> memref<40xi32, #tpu.memory_space<vmem>>
      %dma_start3A_340 = tpu.memref_slice %arg4[%add3A_331] : memref<320000xi32, #tpu.memory_space<hbm>> -> memref<40xi32, #tpu.memory_space<hbm>>
      tpu.enqueue_dma source(%dma_start3A_340 : memref<40xi32, #tpu.memory_space<hbm>>) target(%dma_start3A_339 : memref<40xi32, #tpu.memory_space<vmem>>) target_semaphore(%arg13 : memref<!tpu.dma_semaphore, #tpu.memory_space<semaphore_mem>>)
      %dma_start3A_341 = arith.constant 0 : i32
      %dma_start3A_342 = arith.constant 0 : i32
      %dma_start3A_343 = arith.constant 0 : i32
      %dma_start3A_344 = arith.constant 0 : i32
      %dma_start3A_345 = tpu.memref_slice %arg9[%dma_start3A_341, %dma_start3A_343, %dma_start3A_344] : memref<2x40x128xf32, #tpu.memory_space<vmem>> -> memref<1x40x128xf32, #tpu.memory_space<vmem>>
      %dma_start3A_346 = tpu.memref_squeeze %dma_start3A_345 : memref<1x40x128xf32, #tpu.memory_space<vmem>> -> memref<40x128xf32, #tpu.memory_space<vmem>>
      %dma_start3A_347 = arith.constant 0 : i32
      %dma_start3A_348 = tpu.memref_slice %arg12[%dma_start3A_342, %dma_start3A_347] : memref<2x40xi32, #tpu.memory_space<vmem>> -> memref<1x40xi32, #tpu.memory_space<vmem>>
      %dma_start3A_349 = tpu.memref_squeeze %dma_start3A_348 : memref<1x40xi32, #tpu.memory_space<vmem>> -> memref<40xi32, #tpu.memory_space<vmem>>
      %dma_start3A_350 = arith.constant 0 : i32
      %dma_start3A_351 = arith.constant 0 : i32
      %dma_start3A_352 = tpu.memref_slice %arg8[%dma_start3A_350, %dma_start3A_351] : memref<10240x128xf32, #tpu.memory_space<vmem_shared>> -> memref<10240x128xf32, #tpu.memory_space<vmem_shared>>
      tpu.enqueue_indirect_dma source(%dma_start3A_346 : memref<40x128xf32, #tpu.memory_space<vmem>>) target(%dma_start3A_352 : memref<10240x128xf32, #tpu.memory_space<vmem_shared>>) offsets(%dma_start3A_349 : memref<40xi32, #tpu.memory_space<vmem>>) semaphore(%arg15 : memref<!tpu.dma_semaphore, #tpu.memory_space<semaphore_mem>>) {add = true}
      %add3A_353 = arith.constant 1 : i32
      %add3A_354 = arith.addi %mul3A_313, %add3A_353 : i32
      %add3A_355 = arith.constant 2 : i32
      %add3A_356 = arith.addi %mul3A_313, %add3A_355 : i32
      %add3A_357 = arith.constant 2 : i32
      %add3A_358 = arith.addi %mul3A_313, %add3A_357 : i32
      %lt3A = arith.constant 250 : i32
      %lt3A_359 = arith.cmpi slt, %add3A_358, %lt3A : i32
      %dma_wait3A_360 = arith.constant 1 : i32
      %dma_wait3A_361 = arith.constant 0 : i32
      %dma_wait3A_362 = tpu.memref_slice %arg12[%dma_wait3A_360, %dma_wait3A_361] : memref<2x40xi32, #tpu.memory_space<vmem>> -> memref<1x40xi32, #tpu.memory_space<vmem>>
      %dma_wait3A_363 = tpu.memref_squeeze %dma_wait3A_362 : memref<1x40xi32, #tpu.memory_space<vmem>> -> memref<40xi32, #tpu.memory_space<vmem>>
      %dma_wait3A_364 = arith.constant 0 : i32
      %dma_wait3A_365 = tpu.memref_slice %arg4[%dma_wait3A_364] : memref<320000xi32, #tpu.memory_space<hbm>> -> memref<40xi32, #tpu.memory_space<hbm>>
      %dma_wait3A_366 = arith.constant 0 : i32
      %dma_wait3A_367 = tpu.memref_slice %arg12[%dma_wait3A_360, %dma_wait3A_366] : memref<2x40xi32, #tpu.memory_space<vmem>> -> memref<1x40xi32, #tpu.memory_space<vmem>>
      %dma_wait3A_368 = tpu.memref_squeeze %dma_wait3A_367 : memref<1x40xi32, #tpu.memory_space<vmem>> -> memref<40xi32, #tpu.memory_space<vmem>>
      %dma_wait3A_369 = arith.constant 0 : i32
      %dma_wait3A_370 = tpu.memref_slice %arg4[%dma_wait3A_369] : memref<320000xi32, #tpu.memory_space<hbm>> -> memref<40xi32, #tpu.memory_space<hbm>>
      tpu.wait_dma2 semaphore(%arg13 : memref<!tpu.dma_semaphore, #tpu.memory_space<semaphore_mem>>) src(%dma_wait3A_370 : memref<40xi32, #tpu.memory_space<hbm>>) dst(%dma_wait3A_368 : memref<40xi32, #tpu.memory_space<vmem>>)
      %dma_wait3A_371 = arith.constant 0 : i32
      %dma_wait3A_372 = arith.constant 0 : i32
      %dma_wait3A_373 = arith.constant 0 : i32
      %dma_wait3A_374 = arith.constant 0 : i32
      %dma_wait3A_375 = tpu.memref_slice %arg9[%dma_wait3A_371, %dma_wait3A_373, %dma_wait3A_374] : memref<2x40x128xf32, #tpu.memory_space<vmem>> -> memref<1x40x128xf32, #tpu.memory_space<vmem>>
      %dma_wait3A_376 = tpu.memref_squeeze %dma_wait3A_375 : memref<1x40x128xf32, #tpu.memory_space<vmem>> -> memref<40x128xf32, #tpu.memory_space<vmem>>
      %dma_wait3A_377 = arith.constant 0 : i32
      %dma_wait3A_378 = tpu.memref_slice %arg12[%dma_wait3A_372, %dma_wait3A_377] : memref<2x40xi32, #tpu.memory_space<vmem>> -> memref<1x40xi32, #tpu.memory_space<vmem>>
      %dma_wait3A_379 = tpu.memref_squeeze %dma_wait3A_378 : memref<1x40xi32, #tpu.memory_space<vmem>> -> memref<40xi32, #tpu.memory_space<vmem>>
      %dma_wait3A_380 = arith.constant 0 : i32
      %dma_wait3A_381 = arith.constant 0 : i32
      %dma_wait3A_382 = tpu.memref_slice %arg8[%dma_wait3A_380, %dma_wait3A_381] : memref<10240x128xf32, #tpu.memory_space<vmem_shared>> -> memref<10240x128xf32, #tpu.memory_space<vmem_shared>>
      tpu.wait_indirect_dma semaphore(%arg15 : memref<!tpu.dma_semaphore, #tpu.memory_space<semaphore_mem>>) src(%dma_wait3A_376 : memref<40x128xf32, #tpu.memory_space<vmem>>) dst(%dma_wait3A_382 : memref<10240x128xf32, #tpu.memory_space<vmem_shared>>)
      %convert_element_type3A_383 = arith.extui %lt3A_359 : i1 to i32
      %cond3A_384 = arith.constant 0 : i32
      %cond3A_385 = arith.cmpi ne, %convert_element_type3A_383, %cond3A_384 : i32
      scf.if %cond3A_385 {
        %mul3A_399 = arith.constant 40 : i32
        %mul3A_400 = arith.muli %add3A_356, %mul3A_399 : i32
        %add3A_401 = arith.addi %mul3A_5, %mul3A_400 : i32
        %dma_start3A_402 = arith.constant 0 : i32
        %dma_start3A_403 = arith.constant 0 : i32
        %dma_start3A_404 = tpu.memref_slice %arg12[%dma_start3A_402, %dma_start3A_403] : memref<2x40xi32, #tpu.memory_space<vmem>> -> memref<1x40xi32, #tpu.memory_space<vmem>>
        %dma_start3A_405 = tpu.memref_squeeze %dma_start3A_404 : memref<1x40xi32, #tpu.memory_space<vmem>> -> memref<40xi32, #tpu.memory_space<vmem>>
        %dma_start3A_406 = tpu.memref_slice %arg4[%add3A_401] : memref<320000xi32, #tpu.memory_space<hbm>> -> memref<40xi32, #tpu.memory_space<hbm>>
        %dma_start3A_407 = arith.constant 0 : i32
        %dma_start3A_408 = tpu.memref_slice %arg12[%dma_start3A_402, %dma_start3A_407] : memref<2x40xi32, #tpu.memory_space<vmem>> -> memref<1x40xi32, #tpu.memory_space<vmem>>
        %dma_start3A_409 = tpu.memref_squeeze %dma_start3A_408 : memref<1x40xi32, #tpu.memory_space<vmem>> -> memref<40xi32, #tpu.memory_space<vmem>>
        %dma_start3A_410 = tpu.memref_slice %arg4[%add3A_401] : memref<320000xi32, #tpu.memory_space<hbm>> -> memref<40xi32, #tpu.memory_space<hbm>>
        tpu.enqueue_dma source(%dma_start3A_410 : memref<40xi32, #tpu.memory_space<hbm>>) target(%dma_start3A_409 : memref<40xi32, #tpu.memory_space<vmem>>) target_semaphore(%arg13 : memref<!tpu.dma_semaphore, #tpu.memory_space<semaphore_mem>>)
      } else {
      }
      %dma_start3A_386 = arith.constant 0 : i32
      %dma_start3A_387 = arith.constant 1 : i32
      %dma_start3A_388 = arith.constant 0 : i32
      %dma_start3A_389 = arith.constant 0 : i32
      %dma_start3A_390 = tpu.memref_slice %arg9[%dma_start3A_386, %dma_start3A_388, %dma_start3A_389] : memref<2x40x128xf32, #tpu.memory_space<vmem>> -> memref<1x40x128xf32, #tpu.memory_space<vmem>>
      %dma_start3A_391 = tpu.memref_squeeze %dma_start3A_390 : memref<1x40x128xf32, #tpu.memory_space<vmem>> -> memref<40x128xf32, #tpu.memory_space<vmem>>
      %dma_start3A_392 = arith.constant 0 : i32
      %dma_start3A_393 = tpu.memref_slice %arg12[%dma_start3A_387, %dma_start3A_392] : memref<2x40xi32, #tpu.memory_space<vmem>> -> memref<1x40xi32, #tpu.memory_space<vmem>>
      %dma_start3A_394 = tpu.memref_squeeze %dma_start3A_393 : memref<1x40xi32, #tpu.memory_space<vmem>> -> memref<40xi32, #tpu.memory_space<vmem>>
      %dma_start3A_395 = arith.constant 0 : i32
      %dma_start3A_396 = arith.constant 0 : i32
      %dma_start3A_397 = tpu.memref_slice %arg8[%dma_start3A_395, %dma_start3A_396] : memref<10240x128xf32, #tpu.memory_space<vmem_shared>> -> memref<10240x128xf32, #tpu.memory_space<vmem_shared>>
      tpu.enqueue_indirect_dma source(%dma_start3A_391 : memref<40x128xf32, #tpu.memory_space<vmem>>) target(%dma_start3A_397 : memref<10240x128xf32, #tpu.memory_space<vmem_shared>>) offsets(%dma_start3A_394 : memref<40xi32, #tpu.memory_space<vmem>>) semaphore(%arg15 : memref<!tpu.dma_semaphore, #tpu.memory_space<semaphore_mem>>) {add = true}
      %scan3A_398 = arith.constant 0 : i32
      scf.yield %scan3A_398 : i32
    }
    %scan3A_275 = arith.constant 125 : i32
    %dma_wait3A_276 = arith.constant 0 : i32
    %dma_wait3A_277 = arith.constant 1 : i32
    %dma_wait3A_278 = arith.constant 0 : i32
    %dma_wait3A_279 = arith.constant 0 : i32
    %dma_wait3A_280 = tpu.memref_slice %arg9[%dma_wait3A_276, %dma_wait3A_278, %dma_wait3A_279] : memref<2x40x128xf32, #tpu.memory_space<vmem>> -> memref<1x40x128xf32, #tpu.memory_space<vmem>>
    %dma_wait3A_281 = tpu.memref_squeeze %dma_wait3A_280 : memref<1x40x128xf32, #tpu.memory_space<vmem>> -> memref<40x128xf32, #tpu.memory_space<vmem>>
    %dma_wait3A_282 = arith.constant 0 : i32
    %dma_wait3A_283 = tpu.memref_slice %arg12[%dma_wait3A_277, %dma_wait3A_282] : memref<2x40xi32, #tpu.memory_space<vmem>> -> memref<1x40xi32, #tpu.memory_space<vmem>>
    %dma_wait3A_284 = tpu.memref_squeeze %dma_wait3A_283 : memref<1x40xi32, #tpu.memory_space<vmem>> -> memref<40xi32, #tpu.memory_space<vmem>>
    %dma_wait3A_285 = arith.constant 0 : i32
    %dma_wait3A_286 = arith.constant 0 : i32
    %dma_wait3A_287 = tpu.memref_slice %arg8[%dma_wait3A_285, %dma_wait3A_286] : memref<10240x128xf32, #tpu.memory_space<vmem_shared>> -> memref<10240x128xf32, #tpu.memory_space<vmem_shared>>
    tpu.wait_indirect_dma semaphore(%arg15 : memref<!tpu.dma_semaphore, #tpu.memory_space<semaphore_mem>>) src(%dma_wait3A_281 : memref<40x128xf32, #tpu.memory_space<vmem>>) dst(%dma_wait3A_287 : memref<10240x128xf32, #tpu.memory_space<vmem_shared>>)
    %barrier3A_288 = arith.constant 0 : index
    tpu.barrier barrier_id(%barrier3A_288)
    %mul3A_289 = arith.constant 640 : i32
    %mul3A_290 = arith.muli %arg1, %mul3A_289 : i32
    %add3A_291 = arith.constant 0 : i32
    %add3A_292 = arith.addi %mul3A_290, %add3A_291 : i32
    "tpu.region"() ({
      %run_scoped3A_310 = tpu.sem_alloc : memref<!tpu.dma_semaphore, #tpu.memory_space<semaphore_mem>>
      %dma_start3A_311 = arith.constant 0 : i32
      %dma_start3A_312 = tpu.memref_slice %arg7[%arg0, %add3A_292, %dma_start3A_311] : memref<2x10240x128xf32, #tpu.memory_space<hbm>> -> memref<1x128x128xf32, #tpu.memory_space<hbm>>
      %dma_start3A_313 = tpu.memref_squeeze %dma_start3A_312 : memref<1x128x128xf32, #tpu.memory_space<hbm>> -> memref<128x128xf32, #tpu.memory_space<hbm>>
      %dma_start3A_314 = arith.constant 0 : i32
      %dma_start3A_315 = tpu.memref_slice %arg8[%add3A_292, %dma_start3A_314] : memref<10240x128xf32, #tpu.memory_space<vmem_shared>> -> memref<128x128xf32, #tpu.memory_space<vmem_shared>>
      tpu.enqueue_dma source(%dma_start3A_315 : memref<128x128xf32, #tpu.memory_space<vmem_shared>>) target(%dma_start3A_313 : memref<128x128xf32, #tpu.memory_space<hbm>>) target_semaphore(%run_scoped3A_310 : memref<!tpu.dma_semaphore, #tpu.memory_space<semaphore_mem>>)
      %dma_wait3A_316 = arith.constant 0 : i32
      %dma_wait3A_317 = tpu.memref_slice %arg7[%arg0, %add3A_292, %dma_wait3A_316] : memref<2x10240x128xf32, #tpu.memory_space<hbm>> -> memref<1x128x128xf32, #tpu.memory_space<hbm>>
      %dma_wait3A_318 = tpu.memref_squeeze %dma_wait3A_317 : memref<1x128x128xf32, #tpu.memory_space<hbm>> -> memref<128x128xf32, #tpu.memory_space<hbm>>
      %dma_wait3A_319 = arith.constant 0 : i32
      %dma_wait3A_320 = tpu.memref_slice %arg8[%add3A_292, %dma_wait3A_319] : memref<10240x128xf32, #tpu.memory_space<vmem_shared>> -> memref<128x128xf32, #tpu.memory_space<vmem_shared>>
      tpu.wait_dma2 semaphore(%run_scoped3A_310 : memref<!tpu.dma_semaphore, #tpu.memory_space<semaphore_mem>>) src(%dma_wait3A_320 : memref<128x128xf32, #tpu.memory_space<vmem_shared>>) dst(%dma_wait3A_318 : memref<128x128xf32, #tpu.memory_space<hbm>>)
      tpu.yield
    }) : () -> ()
    %mul3A_293 = arith.constant 640 : i32
    %mul3A_294 = arith.muli %arg1, %mul3A_293 : i32
    %add3A_295 = arith.constant 128 : i32
    %add3A_296 = arith.addi %mul3A_294, %add3A_295 : i32
    "tpu.region"() ({
      %run_scoped3A_310 = tpu.sem_alloc : memref<!tpu.dma_semaphore, #tpu.memory_space<semaphore_mem>>
      %dma_start3A_311 = arith.constant 0 : i32
      %dma_start3A_312 = tpu.memref_slice %arg7[%arg0, %add3A_296, %dma_start3A_311] : memref<2x10240x128xf32, #tpu.memory_space<hbm>> -> memref<1x128x128xf32, #tpu.memory_space<hbm>>
      %dma_start3A_313 = tpu.memref_squeeze %dma_start3A_312 : memref<1x128x128xf32, #tpu.memory_space<hbm>> -> memref<128x128xf32, #tpu.memory_space<hbm>>
      %dma_start3A_314 = arith.constant 0 : i32
      %dma_start3A_315 = tpu.memref_slice %arg8[%add3A_296, %dma_start3A_314] : memref<10240x128xf32, #tpu.memory_space<vmem_shared>> -> memref<128x128xf32, #tpu.memory_space<vmem_shared>>
      tpu.enqueue_dma source(%dma_start3A_315 : memref<128x128xf32, #tpu.memory_space<vmem_shared>>) target(%dma_start3A_313 : memref<128x128xf32, #tpu.memory_space<hbm>>) target_semaphore(%run_scoped3A_310 : memref<!tpu.dma_semaphore, #tpu.memory_space<semaphore_mem>>)
      %dma_wait3A_316 = arith.constant 0 : i32
      %dma_wait3A_317 = tpu.memref_slice %arg7[%arg0, %add3A_296, %dma_wait3A_316] : memref<2x10240x128xf32, #tpu.memory_space<hbm>> -> memref<1x128x128xf32, #tpu.memory_space<hbm>>
      %dma_wait3A_318 = tpu.memref_squeeze %dma_wait3A_317 : memref<1x128x128xf32, #tpu.memory_space<hbm>> -> memref<128x128xf32, #tpu.memory_space<hbm>>
      %dma_wait3A_319 = arith.constant 0 : i32
      %dma_wait3A_320 = tpu.memref_slice %arg8[%add3A_296, %dma_wait3A_319] : memref<10240x128xf32, #tpu.memory_space<vmem_shared>> -> memref<128x128xf32, #tpu.memory_space<vmem_shared>>
      tpu.wait_dma2 semaphore(%run_scoped3A_310 : memref<!tpu.dma_semaphore, #tpu.memory_space<semaphore_mem>>) src(%dma_wait3A_320 : memref<128x128xf32, #tpu.memory_space<vmem_shared>>) dst(%dma_wait3A_318 : memref<128x128xf32, #tpu.memory_space<hbm>>)
      tpu.yield
    }) : () -> ()
    %mul3A_297 = arith.constant 640 : i32
    %mul3A_298 = arith.muli %arg1, %mul3A_297 : i32
    %add3A_299 = arith.constant 256 : i32
    %add3A_300 = arith.addi %mul3A_298, %add3A_299 : i32
    "tpu.region"() ({
      %run_scoped3A_310 = tpu.sem_alloc : memref<!tpu.dma_semaphore, #tpu.memory_space<semaphore_mem>>
      %dma_start3A_311 = arith.constant 0 : i32
      %dma_start3A_312 = tpu.memref_slice %arg7[%arg0, %add3A_300, %dma_start3A_311] : memref<2x10240x128xf32, #tpu.memory_space<hbm>> -> memref<1x128x128xf32, #tpu.memory_space<hbm>>
      %dma_start3A_313 = tpu.memref_squeeze %dma_start3A_312 : memref<1x128x128xf32, #tpu.memory_space<hbm>> -> memref<128x128xf32, #tpu.memory_space<hbm>>
      %dma_start3A_314 = arith.constant 0 : i32
      %dma_start3A_315 = tpu.memref_slice %arg8[%add3A_300, %dma_start3A_314] : memref<10240x128xf32, #tpu.memory_space<vmem_shared>> -> memref<128x128xf32, #tpu.memory_space<vmem_shared>>
      tpu.enqueue_dma source(%dma_start3A_315 : memref<128x128xf32, #tpu.memory_space<vmem_shared>>) target(%dma_start3A_313 : memref<128x128xf32, #tpu.memory_space<hbm>>) target_semaphore(%run_scoped3A_310 : memref<!tpu.dma_semaphore, #tpu.memory_space<semaphore_mem>>)
      %dma_wait3A_316 = arith.constant 0 : i32
      %dma_wait3A_317 = tpu.memref_slice %arg7[%arg0, %add3A_300, %dma_wait3A_316] : memref<2x10240x128xf32, #tpu.memory_space<hbm>> -> memref<1x128x128xf32, #tpu.memory_space<hbm>>
      %dma_wait3A_318 = tpu.memref_squeeze %dma_wait3A_317 : memref<1x128x128xf32, #tpu.memory_space<hbm>> -> memref<128x128xf32, #tpu.memory_space<hbm>>
      %dma_wait3A_319 = arith.constant 0 : i32
      %dma_wait3A_320 = tpu.memref_slice %arg8[%add3A_300, %dma_wait3A_319] : memref<10240x128xf32, #tpu.memory_space<vmem_shared>> -> memref<128x128xf32, #tpu.memory_space<vmem_shared>>
      tpu.wait_dma2 semaphore(%run_scoped3A_310 : memref<!tpu.dma_semaphore, #tpu.memory_space<semaphore_mem>>) src(%dma_wait3A_320 : memref<128x128xf32, #tpu.memory_space<vmem_shared>>) dst(%dma_wait3A_318 : memref<128x128xf32, #tpu.memory_space<hbm>>)
      tpu.yield
    }) : () -> ()
    %mul3A_301 = arith.constant 640 : i32
    %mul3A_302 = arith.muli %arg1, %mul3A_301 : i32
    %add3A_303 = arith.constant 384 : i32
    %add3A_304 = arith.addi %mul3A_302, %add3A_303 : i32
    "tpu.region"() ({
      %run_scoped3A_310 = tpu.sem_alloc : memref<!tpu.dma_semaphore, #tpu.memory_space<semaphore_mem>>
      %dma_start3A_311 = arith.constant 0 : i32
      %dma_start3A_312 = tpu.memref_slice %arg7[%arg0, %add3A_304, %dma_start3A_311] : memref<2x10240x128xf32, #tpu.memory_space<hbm>> -> memref<1x128x128xf32, #tpu.memory_space<hbm>>
      %dma_start3A_313 = tpu.memref_squeeze %dma_start3A_312 : memref<1x128x128xf32, #tpu.memory_space<hbm>> -> memref<128x128xf32, #tpu.memory_space<hbm>>
      %dma_start3A_314 = arith.constant 0 : i32
      %dma_start3A_315 = tpu.memref_slice %arg8[%add3A_304, %dma_start3A_314] : memref<10240x128xf32, #tpu.memory_space<vmem_shared>> -> memref<128x128xf32, #tpu.memory_space<vmem_shared>>
      tpu.enqueue_dma source(%dma_start3A_315 : memref<128x128xf32, #tpu.memory_space<vmem_shared>>) target(%dma_start3A_313 : memref<128x128xf32, #tpu.memory_space<hbm>>) target_semaphore(%run_scoped3A_310 : memref<!tpu.dma_semaphore, #tpu.memory_space<semaphore_mem>>)
      %dma_wait3A_316 = arith.constant 0 : i32
      %dma_wait3A_317 = tpu.memref_slice %arg7[%arg0, %add3A_304, %dma_wait3A_316] : memref<2x10240x128xf32, #tpu.memory_space<hbm>> -> memref<1x128x128xf32, #tpu.memory_space<hbm>>
      %dma_wait3A_318 = tpu.memref_squeeze %dma_wait3A_317 : memref<1x128x128xf32, #tpu.memory_space<hbm>> -> memref<128x128xf32, #tpu.memory_space<hbm>>
      %dma_wait3A_319 = arith.constant 0 : i32
      %dma_wait3A_320 = tpu.memref_slice %arg8[%add3A_304, %dma_wait3A_319] : memref<10240x128xf32, #tpu.memory_space<vmem_shared>> -> memref<128x128xf32, #tpu.memory_space<vmem_shared>>
      tpu.wait_dma2 semaphore(%run_scoped3A_310 : memref<!tpu.dma_semaphore, #tpu.memory_space<semaphore_mem>>) src(%dma_wait3A_320 : memref<128x128xf32, #tpu.memory_space<vmem_shared>>) dst(%dma_wait3A_318 : memref<128x128xf32, #tpu.memory_space<hbm>>)
      tpu.yield
    }) : () -> ()
    %mul3A_305 = arith.constant 640 : i32
    %mul3A_306 = arith.muli %arg1, %mul3A_305 : i32
    %add3A_307 = arith.constant 512 : i32
    %add3A_308 = arith.addi %mul3A_306, %add3A_307 : i32
    "tpu.region"() ({
      %run_scoped3A_310 = tpu.sem_alloc : memref<!tpu.dma_semaphore, #tpu.memory_space<semaphore_mem>>
      %dma_start3A_311 = arith.constant 0 : i32
      %dma_start3A_312 = tpu.memref_slice %arg7[%arg0, %add3A_308, %dma_start3A_311] : memref<2x10240x128xf32, #tpu.memory_space<hbm>> -> memref<1x128x128xf32, #tpu.memory_space<hbm>>
      %dma_start3A_313 = tpu.memref_squeeze %dma_start3A_312 : memref<1x128x128xf32, #tpu.memory_space<hbm>> -> memref<128x128xf32, #tpu.memory_space<hbm>>
      %dma_start3A_314 = arith.constant 0 : i32
      %dma_start3A_315 = tpu.memref_slice %arg8[%add3A_308, %dma_start3A_314] : memref<10240x128xf32, #tpu.memory_space<vmem_shared>> -> memref<128x128xf32, #tpu.memory_space<vmem_shared>>
      tpu.enqueue_dma source(%dma_start3A_315 : memref<128x128xf32, #tpu.memory_space<vmem_shared>>) target(%dma_start3A_313 : memref<128x128xf32, #tpu.memory_space<hbm>>) target_semaphore(%run_scoped3A_310 : memref<!tpu.dma_semaphore, #tpu.memory_space<semaphore_mem>>)
      %dma_wait3A_316 = arith.constant 0 : i32
      %dma_wait3A_317 = tpu.memref_slice %arg7[%arg0, %add3A_308, %dma_wait3A_316] : memref<2x10240x128xf32, #tpu.memory_space<hbm>> -> memref<1x128x128xf32, #tpu.memory_space<hbm>>
      %dma_wait3A_318 = tpu.memref_squeeze %dma_wait3A_317 : memref<1x128x128xf32, #tpu.memory_space<hbm>> -> memref<128x128xf32, #tpu.memory_space<hbm>>
      %dma_wait3A_319 = arith.constant 0 : i32
      %dma_wait3A_320 = tpu.memref_slice %arg8[%add3A_308, %dma_wait3A_319] : memref<10240x128xf32, #tpu.memory_space<vmem_shared>> -> memref<128x128xf32, #tpu.memory_space<vmem_shared>>
      tpu.wait_dma2 semaphore(%run_scoped3A_310 : memref<!tpu.dma_semaphore, #tpu.memory_space<semaphore_mem>>) src(%dma_wait3A_320 : memref<128x128xf32, #tpu.memory_space<vmem_shared>>) dst(%dma_wait3A_318 : memref<128x128xf32, #tpu.memory_space<hbm>>)
      tpu.yield
    }) : () -> ()
    %barrier3A_309 = arith.constant 0 : index
    tpu.barrier barrier_id(%barrier3A_309)
    return
  }
}

module attributes {stable_mosaic.version = 14 : i64} {
  func.func @_edge_body(%arg0: i32, %arg1: memref<16x6400xf32, #tpu.memory_space<vmem>>, %arg2: memref<16x128xf32, #tpu.memory_space<vmem>>, %arg3: memref<1x128xf32, #tpu.memory_space<vmem>>, %arg4: memref<6400x128xf32, #tpu.memory_space<vmem>>) attributes {dimension_semantics = [#tpu.dimension_semantics<arbitrary>], iteration_bounds = array<i64: 50>, scalar_prefetch = 0 : i64, scratch_operands = 0 : i64, tpu.core_type = #tpu.core_type<tc>, window_params = [{transform_indices = @transform_0, window_bounds = array<i64: 16, 6400>}, {pipeline_mode = #tpu.pipeline_mode<synchronous>, transform_indices = @transform_1, window_bounds = array<i64: 16, 128>}, {pipeline_mode = #tpu.pipeline_mode<synchronous>, transform_indices = @transform_2, window_bounds = array<i64: 1, 128>}, {transform_indices = @transform_3, window_bounds = array<i64: 6400, 128>}]} {
    %get3A = arith.constant 0 : index
    %get3A_0 = arith.constant 0 : index
    %get3A_1 = vector.load %arg1[%get3A, %get3A_0] : memref<16x6400xf32, #tpu.memory_space<vmem>>, vector<16x6400xf32>
    %get3A_2 = arith.constant 0 : index
    %get3A_3 = arith.constant 0 : index
    %get3A_4 = vector.load %arg2[%get3A_2, %get3A_3] : memref<16x128xf32, #tpu.memory_space<vmem>>, vector<16x128xf32>
    %dot_general3A = arith.constant dense<0.000000e+00> : vector<6400x128xf32>
    %dot_general3A_5 = tpu.matmul %get3A_1, %get3A_4, %dot_general3A {dimension_numbers = #tpu.dot_dimension_numbers<[0], [0], [1], [1], [0, 1, 1, 1], [], []>, transpose_lhs_hint = false} : vector<16x6400xf32>, vector<16x128xf32>, vector<6400x128xf32> -> vector<6400x128xf32>
    %get3A_6 = arith.constant 0 : index
    %get3A_7 = arith.constant 0 : index
    %get3A_8 = vector.load %arg3[%get3A_6, %get3A_7] : memref<1x128xf32, #tpu.memory_space<vmem>>, vector<1x128xf32>
    %add3A = vector.broadcast %get3A_8 : vector<1x128xf32> to vector<6400x128xf32>
    %add3A_9 = arith.addf %dot_general3A_5, %add3A : vector<6400x128xf32>
    %swap3A = arith.constant 0 : index
    %swap3A_10 = arith.constant 0 : index
    %swap3A_11 = vector.load %arg4[%swap3A, %swap3A_10] : memref<6400x128xf32, #tpu.memory_space<vmem>>, vector<6400x128xf32>
    tpu.vector_store %arg4[%swap3A, %swap3A_10], %add3A_9 {strides = array<i32>} : memref<6400x128xf32, #tpu.memory_space<vmem>>, vector<6400x128xf32>,
    return
  }
  func.func @transform_0(%arg0: i32) -> (i32, i32) {
    %c0_i32 = arith.constant 0 : i32
    %c0_i32_0 = arith.constant 0 : i32
    return %c0_i32, %arg0 : i32, i32
  }
  func.func @transform_1(%arg0: i32) -> (i32, i32) {
    %c0_i32 = arith.constant 0 : i32
    %c0_i32_0 = arith.constant 0 : i32
    %c0_i32_1 = arith.constant 0 : i32
    return %c0_i32, %c0_i32_0 : i32, i32
  }
  func.func @transform_2(%arg0: i32) -> (i32, i32) {
    %c0_i32 = arith.constant 0 : i32
    %c0_i32_0 = arith.constant 0 : i32
    %c0_i32_1 = arith.constant 0 : i32
    return %c0_i32, %c0_i32_0 : i32, i32
  }
  func.func @transform_3(%arg0: i32) -> (i32, i32) {
    %c0_i32 = arith.constant 0 : i32
    %c0_i32_0 = arith.constant 0 : i32
    return %arg0, %c0_i32 : i32, i32
  }
}

module attributes {stable_mosaic.version = 14 : i64} {
  func.func @_head_body(%arg0: i32, %arg1: memref<1000x128xf32, #tpu.memory_space<vmem>>, %arg2: memref<128x128xf32, #tpu.memory_space<vmem>>, %arg3: memref<1x128xf32, #tpu.memory_space<vmem>>, %arg4: memref<128x128xf32, #tpu.memory_space<vmem>>, %arg5: memref<1x128xf32, #tpu.memory_space<vmem>>, %arg6: memref<1000x128xf32, #tpu.memory_space<vmem>>, %arg7: memref<1000x128xf32, #tpu.memory_space<vmem>>) attributes {dimension_semantics = [#tpu.dimension_semantics<arbitrary>], iteration_bounds = array<i64: 10>, scalar_prefetch = 0 : i64, scratch_operands = 0 : i64, tpu.core_type = #tpu.core_type<tc>, window_params = [{transform_indices = @transform_0, window_bounds = array<i64: 1000, 128>}, {pipeline_mode = #tpu.pipeline_mode<synchronous>, transform_indices = @transform_1, window_bounds = array<i64: 128, 128>}, {pipeline_mode = #tpu.pipeline_mode<synchronous>, transform_indices = @transform_2, window_bounds = array<i64: 1, 128>}, {pipeline_mode = #tpu.pipeline_mode<synchronous>, transform_indices = @transform_3, window_bounds = array<i64: 128, 128>}, {pipeline_mode = #tpu.pipeline_mode<synchronous>, transform_indices = @transform_4, window_bounds = array<i64: 1, 128>}, {transform_indices = @transform_5, window_bounds = array<i64: 1000, 128>}, {transform_indices = @transform_6, window_bounds = array<i64: 1000, 128>}]} {
    %get3A = arith.constant 0 : index
    %get3A_0 = arith.constant 0 : index
    %get3A_1 = vector.load %arg1[%get3A, %get3A_0] : memref<1000x128xf32, #tpu.memory_space<vmem>>, vector<1000x128xf32>
    %get3A_2 = arith.constant 0 : index
    %get3A_3 = arith.constant 0 : index
    %get3A_4 = vector.load %arg2[%get3A_2, %get3A_3] : memref<128x128xf32, #tpu.memory_space<vmem>>, vector<128x128xf32>
    %dot_general3A = arith.constant dense<0.000000e+00> : vector<1000x128xf32>
    %dot_general3A_5 = tpu.matmul %get3A_1, %get3A_4, %dot_general3A {dimension_numbers = #tpu.dot_dimension_numbers<[1], [0], [0], [1], [0, 0, 1, 1], [], []>, transpose_lhs_hint = false} : vector<1000x128xf32>, vector<128x128xf32>, vector<1000x128xf32> -> vector<1000x128xf32>
    %get3A_6 = arith.constant 0 : index
    %get3A_7 = arith.constant 0 : index
    %get3A_8 = vector.load %arg3[%get3A_6, %get3A_7] : memref<1x128xf32, #tpu.memory_space<vmem>>, vector<1x128xf32>
    %add3A = vector.broadcast %get3A_8 : vector<1x128xf32> to vector<1000x128xf32>
    %add3A_9 = arith.addf %dot_general3A_5, %add3A : vector<1000x128xf32>
    %max3A = arith.constant 0.000000e+00 : f32
    %max3A_10 = vector.broadcast %max3A : f32 to vector<1000x128xf32>
    %max3A_11 = arith.maximumf %add3A_9, %max3A_10 : vector<1000x128xf32>
    %swap3A = arith.constant 0 : index
    %swap3A_12 = arith.constant 0 : index
    %swap3A_13 = vector.load %arg6[%swap3A, %swap3A_12] : memref<1000x128xf32, #tpu.memory_space<vmem>>, vector<1000x128xf32>
    tpu.vector_store %arg6[%swap3A, %swap3A_12], %max3A_11 {strides = array<i32>} : memref<1000x128xf32, #tpu.memory_space<vmem>>, vector<1000x128xf32>,
    %get3A_14 = arith.constant 0 : index
    %get3A_15 = arith.constant 0 : index
    %get3A_16 = vector.load %arg4[%get3A_14, %get3A_15] : memref<128x128xf32, #tpu.memory_space<vmem>>, vector<128x128xf32>
    %dot_general3A_17 = arith.constant dense<0.000000e+00> : vector<1000x128xf32>
    %dot_general3A_18 = tpu.matmul %get3A_1, %get3A_16, %dot_general3A_17 {dimension_numbers = #tpu.dot_dimension_numbers<[1], [0], [0], [1], [0, 0, 1, 1], [], []>, transpose_lhs_hint = false} : vector<1000x128xf32>, vector<128x128xf32>, vector<1000x128xf32> -> vector<1000x128xf32>
    %get3A_19 = arith.constant 0 : index
    %get3A_20 = arith.constant 0 : index
    %get3A_21 = vector.load %arg5[%get3A_19, %get3A_20] : memref<1x128xf32, #tpu.memory_space<vmem>>, vector<1x128xf32>
    %add3A_22 = vector.broadcast %get3A_21 : vector<1x128xf32> to vector<1000x128xf32>
    %add3A_23 = arith.addf %dot_general3A_18, %add3A_22 : vector<1000x128xf32>
    %max3A_24 = arith.constant 0.000000e+00 : f32
    %max3A_25 = vector.broadcast %max3A_24 : f32 to vector<1000x128xf32>
    %max3A_26 = arith.maximumf %add3A_23, %max3A_25 : vector<1000x128xf32>
    %swap3A_27 = arith.constant 0 : index
    %swap3A_28 = arith.constant 0 : index
    %swap3A_29 = vector.load %arg7[%swap3A_27, %swap3A_28] : memref<1000x128xf32, #tpu.memory_space<vmem>>, vector<1000x128xf32>
    tpu.vector_store %arg7[%swap3A_27, %swap3A_28], %max3A_26 {strides = array<i32>} : memref<1000x128xf32, #tpu.memory_space<vmem>>, vector<1000x128xf32>,
    return
  }
  func.func @transform_0(%arg0: i32) -> (i32, i32) {
    %c0_i32 = arith.constant 0 : i32
    %c0_i32_0 = arith.constant 0 : i32
    return %arg0, %c0_i32 : i32, i32
  }
  func.func @transform_1(%arg0: i32) -> (i32, i32) {
    %c0_i32 = arith.constant 0 : i32
    %c0_i32_0 = arith.constant 0 : i32
    %c0_i32_1 = arith.constant 0 : i32
    return %c0_i32, %c0_i32_0 : i32, i32
  }
  func.func @transform_2(%arg0: i32) -> (i32, i32) {
    %c0_i32 = arith.constant 0 : i32
    %c0_i32_0 = arith.constant 0 : i32
    %c0_i32_1 = arith.constant 0 : i32
    return %c0_i32, %c0_i32_0 : i32, i32
  }
  func.func @transform_3(%arg0: i32) -> (i32, i32) {
    %c0_i32 = arith.constant 0 : i32
    %c0_i32_0 = arith.constant 0 : i32
    %c0_i32_1 = arith.constant 0 : i32
    return %c0_i32, %c0_i32_0 : i32, i32
  }
  func.func @transform_4(%arg0: i32) -> (i32, i32) {
    %c0_i32 = arith.constant 0 : i32
    %c0_i32_0 = arith.constant 0 : i32
    %c0_i32_1 = arith.constant 0 : i32
    return %c0_i32, %c0_i32_0 : i32, i32
  }
  func.func @transform_5(%arg0: i32) -> (i32, i32) {
    %c0_i32 = arith.constant 0 : i32
    %c0_i32_0 = arith.constant 0 : i32
    return %arg0, %c0_i32 : i32, i32
  }
  func.func @transform_6(%arg0: i32) -> (i32, i32) {
    %c0_i32 = arith.constant 0 : i32
    %c0_i32_0 = arith.constant 0 : i32
    return %arg0, %c0_i32 : i32, i32
  }
}

module attributes {stable_mosaic.version = 14 : i64} {
  func.func @_tail_body(%arg0: i32, %arg1: memref<1000x128xf32, #tpu.memory_space<vmem>>, %arg2: memref<1000x128xf32, #tpu.memory_space<vmem>>, %arg3: memref<1000x128xf32, #tpu.memory_space<vmem>>, %arg4: memref<1000x128xf32, #tpu.memory_space<vmem>>, %arg5: memref<1000x128xf32, #tpu.memory_space<vmem>>, %arg6: memref<1000x128xf32, #tpu.memory_space<vmem>>, %arg7: memref<128x128xf32, #tpu.memory_space<vmem>>, %arg8: memref<1x128xf32, #tpu.memory_space<vmem>>, %arg9: memref<128x128xf32, #tpu.memory_space<vmem>>, %arg10: memref<1x128xf32, #tpu.memory_space<vmem>>, %arg11: memref<128x128xf32, #tpu.memory_space<vmem>>, %arg12: memref<1x128xf32, #tpu.memory_space<vmem>>, %arg13: memref<128x128xf32, #tpu.memory_space<vmem>>, %arg14: memref<1x128xf32, #tpu.memory_space<vmem>>, %arg15: memref<1000x128xf32, #tpu.memory_space<vmem>>) attributes {dimension_semantics = [#tpu.dimension_semantics<arbitrary>], iteration_bounds = array<i64: 10>, scalar_prefetch = 0 : i64, scratch_operands = 0 : i64, tpu.core_type = #tpu.core_type<tc>, window_params = [{transform_indices = @transform_0, window_bounds = array<i64: 1000, 128>}, {transform_indices = @transform_1, window_bounds = array<i64: 1000, 128>}, {transform_indices = @transform_2, window_bounds = array<i64: 1000, 128>}, {transform_indices = @transform_3, window_bounds = array<i64: 1000, 128>}, {transform_indices = @transform_4, window_bounds = array<i64: 1000, 128>}, {transform_indices = @transform_5, window_bounds = array<i64: 1000, 128>}, {pipeline_mode = #tpu.pipeline_mode<synchronous>, transform_indices = @transform_6, window_bounds = array<i64: 128, 128>}, {pipeline_mode = #tpu.pipeline_mode<synchronous>, transform_indices = @transform_7, window_bounds = array<i64: 1, 128>}, {pipeline_mode = #tpu.pipeline_mode<synchronous>, transform_indices = @transform_8, window_bounds = array<i64: 128, 128>}, {pipeline_mode = #tpu.pipeline_mode<synchronous>, transform_indices = @transform_9, window_bounds = array<i64: 1, 128>}, {pipeline_mode = #tpu.pipeline_mode<synchronous>, transform_indices = @transform_10, window_bounds = array<i64: 128, 128>}, {pipeline_mode = #tpu.pipeline_mode<synchronous>, transform_indices = @transform_11, window_bounds = array<i64: 1, 128>}, {pipeline_mode = #tpu.pipeline_mode<synchronous>, transform_indices = @transform_12, window_bounds = array<i64: 128, 128>}, {pipeline_mode = #tpu.pipeline_mode<synchronous>, transform_indices = @transform_13, window_bounds = array<i64: 1, 128>}, {transform_indices = @transform_14, window_bounds = array<i64: 1000, 128>}]} {
    %get3A = arith.constant 0 : index
    %get3A_0 = arith.constant 0 : index
    %get3A_1 = vector.load %arg3[%get3A, %get3A_0] : memref<1000x128xf32, #tpu.memory_space<vmem>>, vector<1000x128xf32>
    %slice3A = vector.extract_strided_slice %get3A_1 {offsets = [0, 0], sizes = [1000, 1], strides = [1, 1]} : vector<1000x128xf32> to vector<1000x1xf32>
    %get3A_2 = arith.constant 0 : index
    %get3A_3 = arith.constant 0 : index
    %get3A_4 = vector.load %arg4[%get3A_2, %get3A_3] : memref<1000x128xf32, #tpu.memory_space<vmem>>, vector<1000x128xf32>
    %slice3A_5 = vector.extract_strided_slice %get3A_4 {offsets = [0, 0], sizes = [1000, 1], strides = [1, 1]} : vector<1000x128xf32> to vector<1000x1xf32>
    %add3A = arith.addf %slice3A, %slice3A_5 : vector<1000x1xf32>
    %max3A = arith.constant 1.000000e+00 : f32
    %max3A_6 = vector.broadcast %max3A : f32 to vector<1000x1xf32>
    %max3A_7 = arith.maximumf %add3A, %max3A_6 : vector<1000x1xf32>
    %get3A_8 = arith.constant 0 : index
    %get3A_9 = arith.constant 0 : index
    %get3A_10 = vector.load %arg1[%get3A_8, %get3A_9] : memref<1000x128xf32, #tpu.memory_space<vmem>>, vector<1000x128xf32>
    %get3A_11 = arith.constant 0 : index
    %get3A_12 = arith.constant 0 : index
    %get3A_13 = vector.load %arg2[%get3A_11, %get3A_12] : memref<1000x128xf32, #tpu.memory_space<vmem>>, vector<1000x128xf32>
    %add3A_14 = arith.addf %get3A_10, %get3A_13 : vector<1000x128xf32>
    %div3A = vector.broadcast %max3A_7 : vector<1000x1xf32> to vector<1000x128xf32>
    %div3A_15 = arith.divf %add3A_14, %div3A : vector<1000x128xf32>
    %get3A_16 = arith.constant 0 : index
    %get3A_17 = arith.constant 0 : index
    %get3A_18 = vector.load %arg7[%get3A_16, %get3A_17] : memref<128x128xf32, #tpu.memory_space<vmem>>, vector<128x128xf32>
    %dot_general3A = arith.constant dense<0.000000e+00> : vector<1000x128xf32>
    %dot_general3A_19 = tpu.matmul %div3A_15, %get3A_18, %dot_general3A {dimension_numbers = #tpu.dot_dimension_numbers<[1], [0], [0], [1], [0, 0, 1, 1], [], []>, transpose_lhs_hint = false} : vector<1000x128xf32>, vector<128x128xf32>, vector<1000x128xf32> -> vector<1000x128xf32>
    %get3A_20 = arith.constant 0 : index
    %get3A_21 = arith.constant 0 : index
    %get3A_22 = vector.load %arg8[%get3A_20, %get3A_21] : memref<1x128xf32, #tpu.memory_space<vmem>>, vector<1x128xf32>
    %add3A_23 = vector.broadcast %get3A_22 : vector<1x128xf32> to vector<1000x128xf32>
    %add3A_24 = arith.addf %dot_general3A_19, %add3A_23 : vector<1000x128xf32>
    %get3A_25 = arith.constant 0 : index
    %get3A_26 = arith.constant 0 : index
    %get3A_27 = vector.load %arg5[%get3A_25, %get3A_26] : memref<1000x128xf32, #tpu.memory_space<vmem>>, vector<1000x128xf32>
    %get3A_28 = arith.constant 0 : index
    %get3A_29 = arith.constant 0 : index
    %get3A_30 = vector.load %arg9[%get3A_28, %get3A_29] : memref<128x128xf32, #tpu.memory_space<vmem>>, vector<128x128xf32>
    %dot_general3A_31 = arith.constant dense<0.000000e+00> : vector<1000x128xf32>
    %dot_general3A_32 = tpu.matmul %get3A_27, %get3A_30, %dot_general3A_31 {dimension_numbers = #tpu.dot_dimension_numbers<[1], [0], [0], [1], [0, 0, 1, 1], [], []>, transpose_lhs_hint = false} : vector<1000x128xf32>, vector<128x128xf32>, vector<1000x128xf32> -> vector<1000x128xf32>
    %add3A_33 = arith.addf %add3A_24, %dot_general3A_32 : vector<1000x128xf32>
    %get3A_34 = arith.constant 0 : index
    %get3A_35 = arith.constant 0 : index
    %get3A_36 = vector.load %arg10[%get3A_34, %get3A_35] : memref<1x128xf32, #tpu.memory_space<vmem>>, vector<1x128xf32>
    %add3A_37 = vector.broadcast %get3A_36 : vector<1x128xf32> to vector<1000x128xf32>
    %add3A_38 = arith.addf %add3A_33, %add3A_37 : vector<1000x128xf32>
    %get3A_39 = arith.constant 0 : index
    %get3A_40 = arith.constant 0 : index
    %get3A_41 = vector.load %arg11[%get3A_39, %get3A_40] : memref<128x128xf32, #tpu.memory_space<vmem>>, vector<128x128xf32>
    %dot_general3A_42 = arith.constant dense<0.000000e+00> : vector<1000x128xf32>
    %dot_general3A_43 = tpu.matmul %add3A_38, %get3A_41, %dot_general3A_42 {dimension_numbers = #tpu.dot_dimension_numbers<[1], [0], [0], [1], [0, 0, 1, 1], [], []>, transpose_lhs_hint = false} : vector<1000x128xf32>, vector<128x128xf32>, vector<1000x128xf32> -> vector<1000x128xf32>
    %get3A_44 = arith.constant 0 : index
    %get3A_45 = arith.constant 0 : index
    %get3A_46 = vector.load %arg12[%get3A_44, %get3A_45] : memref<1x128xf32, #tpu.memory_space<vmem>>, vector<1x128xf32>
    %add3A_47 = vector.broadcast %get3A_46 : vector<1x128xf32> to vector<1000x128xf32>
    %add3A_48 = arith.addf %dot_general3A_43, %add3A_47 : vector<1000x128xf32>
    %max3A_49 = arith.constant 0.000000e+00 : f32
    %max3A_50 = vector.broadcast %max3A_49 : f32 to vector<1000x128xf32>
    %max3A_51 = arith.maximumf %add3A_48, %max3A_50 : vector<1000x128xf32>
    %get3A_52 = arith.constant 0 : index
    %get3A_53 = arith.constant 0 : index
    %get3A_54 = vector.load %arg6[%get3A_52, %get3A_53] : memref<1000x128xf32, #tpu.memory_space<vmem>>, vector<1000x128xf32>
    %add3A_55 = arith.addf %max3A_51, %get3A_54 : vector<1000x128xf32>
    %get3A_56 = arith.constant 0 : index
    %get3A_57 = arith.constant 0 : index
    %get3A_58 = vector.load %arg13[%get3A_56, %get3A_57] : memref<128x128xf32, #tpu.memory_space<vmem>>, vector<128x128xf32>
    %dot_general3A_59 = arith.constant dense<0.000000e+00> : vector<1000x128xf32>
    %dot_general3A_60 = tpu.matmul %add3A_55, %get3A_58, %dot_general3A_59 {dimension_numbers = #tpu.dot_dimension_numbers<[1], [0], [0], [1], [0, 0, 1, 1], [], []>, transpose_lhs_hint = false} : vector<1000x128xf32>, vector<128x128xf32>, vector<1000x128xf32> -> vector<1000x128xf32>
    %get3A_61 = arith.constant 0 : index
    %get3A_62 = arith.constant 0 : index
    %get3A_63 = vector.load %arg14[%get3A_61, %get3A_62] : memref<1x128xf32, #tpu.memory_space<vmem>>, vector<1x128xf32>
    %add3A_64 = vector.broadcast %get3A_63 : vector<1x128xf32> to vector<1000x128xf32>
    %add3A_65 = arith.addf %dot_general3A_60, %add3A_64 : vector<1000x128xf32>
    %swap3A = arith.constant 0 : index
    %swap3A_66 = arith.constant 0 : index
    %swap3A_67 = vector.load %arg15[%swap3A, %swap3A_66] : memref<1000x128xf32, #tpu.memory_space<vmem>>, vector<1000x128xf32>
    tpu.vector_store %arg15[%swap3A, %swap3A_66], %add3A_65 {strides = array<i32>} : memref<1000x128xf32, #tpu.memory_space<vmem>>, vector<1000x128xf32>,
    return
  }
  func.func @transform_0(%arg0: i32) -> (i32, i32) {
    %c0_i32 = arith.constant 0 : i32
    %c0_i32_0 = arith.constant 0 : i32
    return %arg0, %c0_i32 : i32, i32
  }
  func.func @transform_1(%arg0: i32) -> (i32, i32) {
    %c0_i32 = arith.constant 0 : i32
    %c0_i32_0 = arith.constant 0 : i32
    return %arg0, %c0_i32 : i32, i32
  }
  func.func @transform_2(%arg0: i32) -> (i32, i32) {
    %c0_i32 = arith.constant 0 : i32
    %c0_i32_0 = arith.constant 0 : i32
    return %arg0, %c0_i32 : i32, i32
  }
  func.func @transform_3(%arg0: i32) -> (i32, i32) {
    %c0_i32 = arith.constant 0 : i32
    %c0_i32_0 = arith.constant 0 : i32
    return %arg0, %c0_i32 : i32, i32
  }
  func.func @transform_4(%arg0: i32) -> (i32, i32) {
    %c0_i32 = arith.constant 0 : i32
    %c0_i32_0 = arith.constant 0 : i32
    return %arg0, %c0_i32 : i32, i32
  }
  func.func @transform_5(%arg0: i32) -> (i32, i32) {
    %c0_i32 = arith.constant 0 : i32
    %c0_i32_0 = arith.constant 0 : i32
    return %arg0, %c0_i32 : i32, i32
  }
  func.func @transform_6(%arg0: i32) -> (i32, i32) {
    %c0_i32 = arith.constant 0 : i32
    %c0_i32_0 = arith.constant 0 : i32
    %c0_i32_1 = arith.constant 0 : i32
    return %c0_i32, %c0_i32_0 : i32, i32
  }
  func.func @transform_7(%arg0: i32) -> (i32, i32) {
    %c0_i32 = arith.constant 0 : i32
    %c0_i32_0 = arith.constant 0 : i32
    %c0_i32_1 = arith.constant 0 : i32
    return %c0_i32, %c0_i32_0 : i32, i32
  }
  func.func @transform_8(%arg0: i32) -> (i32, i32) {
    %c0_i32 = arith.constant 0 : i32
    %c0_i32_0 = arith.constant 0 : i32
    %c0_i32_1 = arith.constant 0 : i32
    return %c0_i32, %c0_i32_0 : i32, i32
  }
  func.func @transform_9(%arg0: i32) -> (i32, i32) {
    %c0_i32 = arith.constant 0 : i32
    %c0_i32_0 = arith.constant 0 : i32
    %c0_i32_1 = arith.constant 0 : i32
    return %c0_i32, %c0_i32_0 : i32, i32
  }
  func.func @transform_10(%arg0: i32) -> (i32, i32) {
    %c0_i32 = arith.constant 0 : i32
    %c0_i32_0 = arith.constant 0 : i32
    %c0_i32_1 = arith.constant 0 : i32
    return %c0_i32, %c0_i32_0 : i32, i32
  }
  func.func @transform_11(%arg0: i32) -> (i32, i32) {
    %c0_i32 = arith.constant 0 : i32
    %c0_i32_0 = arith.constant 0 : i32
    %c0_i32_1 = arith.constant 0 : i32
    return %c0_i32, %c0_i32_0 : i32, i32
  }
  func.func @transform_12(%arg0: i32) -> (i32, i32) {
    %c0_i32 = arith.constant 0 : i32
    %c0_i32_0 = arith.constant 0 : i32
    %c0_i32_1 = arith.constant 0 : i32
    return %c0_i32, %c0_i32_0 : i32, i32
  }
  func.func @transform_13(%arg0: i32) -> (i32, i32) {
    %c0_i32 = arith.constant 0 : i32
    %c0_i32_0 = arith.constant 0 : i32
    %c0_i32_1 = arith.constant 0 : i32
    return %c0_i32, %c0_i32_0 : i32, i32
  }
  func.func @transform_14(%arg0: i32) -> (i32, i32) {
    %c0_i32 = arith.constant 0 : i32
    %c0_i32_0 = arith.constant 0 : i32
    return %arg0, %c0_i32 : i32, i32
  }
}

</mosaic_0001>

<sc_bundles>
// kernel: kernel.6.cloned.1.call-start
scs
__scs_entry_jumppad:
0x0: {  	(pc) =	sbr.rel $0x88, $3  }
0x1: {  	(tag) =	ssettag $0x0;
	lr =	simm.s32 $0x1  }
0x2: {  	[smem:$0x3F90] =	sst lr;
	_ =	strace $0xD0000000  }
0x3: {  	_ = 	snop  }
0x4: {  	_ = 	snop  }
0x5: {  	_ = 	snop  }
0x6: {  	_ = 	snop  }
0x7: {  	_ = 	snop  }
__scs_overlays_trampoline_lowered:
0x8: {  	[smem:$0x3F9F] =	sst s0  }
0x9: {  	[smem:$0x3FA0] =	sst s1  }
0xa: {  	[smem:$0x3FA1] =	sst s2  }
0xb: {  	[smem:$0x3FA2] =	sst s3  }
0xc: {  	[smem:$0x3FA3] =	sst s4  }
0xd: {  	[smem:$0x3FA4] =	sst s5  }
0xe: {  	[smem:$0x3FA5] =	sst s6  }
0xf: {  	[smem:$0x3FA6] =	sst s7  }
0x10: {  	[smem:$0x3FA7] =	sst s8  }
0x11: {  	[smem:$0x3FA8] =	sst s9;
	s0 =	simm.s32 @!p0 $0x0  }
0x12: {  	s1 =	sld [smem:$0x3F8E];
	s0 =	simm.s32 @p0 $0x1  }
0x13: {  	[smem:$0x3FA9] =	sst s0;
	s0 =	simm.s32 @!p1 $0x0  }
0x14: {  	s2 =	sld [smem:$0x3F8D];
	s0 =	simm.s32 @p1 $0x1  }
0x15: {  	[smem:$0x3FAA] =	sst s0;
	s0 =	simm.s32 @!p2 $0x0  }
0x16: {  	s3 =	sld [smem:$0x3FDB];
	s0 =	simm.s32 @p2 $0x1  }
0x17: {  	s4 =	simm.s32 $0x1BF5;
	[smem:$0x3FAC] =	sst s0  }
0x18: {  	s0 =	sld [smem:$0x3F8F];
	_ =	swait.ge [sflag:s4], $0x0  }
0x19: {  	s7 =	sld [smem:$0x3F90]  }
0x1a: {  	s8 =	sadd.s32 $0xFFFFE003, lr  }
0x1b: {  	s9 =	sadd.s32 $0xFFFFFEF7, lr;
	s5 =	simm.s32 $0xFFFFFFFF;
	p2 =	slt.u32 s8, $0xFFFFF086  }
0x1c: {  	p1 =	slt.u32 s9, $0xF7A;
	s5 =	simm.s32 @!p2 $0x0  }
0x1d: {  	s5 =	simm.s32 @p1 $0x1;
	p0 =	seq.s32 s7, s2  }
0x1e: {  	s7 =	smul.u32 @!p0 $0xF7A, s2;
	p2 =	seq.s32 @!p0 s5, $0x0  }
0x1f: {  	s9 =	smul.u32 $0xF7A, s1;
	s8 =	simm.s32 @!p0 $0x1BF5;
	p2 =	por !p2, p0  }
0x20: {  	[sflag:s8] =	ssyncset.s32 @!p0 $0xFFFFF086;
	s6 =	sadd.s32 @!p0 s3, s7;
	s7 =	simm.s32 @!p0 $0x108  }
0x21: {  	s3 =	sadd.s32 s3, s9;
	s6 =	sadd.s32 @!p0 $0x88, s6;
	s7 =	simm.s32 @p2 $0x1082  }
0x22: {  	[simem:s7], [sflag:s8] =	dma.local @!p0 [hbm:s6], $0xF7A  }
0x23: {  	s9 =	sor.u32 $0xD0000000, s2;
	s6 =	simm.s32 $0x108;
	_ =	swait.ge @!p0 [sflag:s8], $0x0  }
0x24: {  	s3 =	sadd.s32 $0x88, s3;
	s6 =	simm.s32 @!p1 $0x1082;
	[sflag:s4] =	ssyncset.s32 $0xFFFFF086  }
0x25: {  	[simem:s6], [sflag:s4] =	dma.local [hbm:s3], $0xF7A  }
0x26: {  	[smem:$0x3F90] =	sst s1;
	(tag) =	ssettag s2;
	_ =	strace s9  }
0x27: {  	s1 =	sld [smem:$0x3FA0]  }
0x28: {  	s2 =	sld [smem:$0x3FA1]  }
0x29: {  	s4 =	sld [smem:$0x3FA3]  }
0x2a: {  	p0 =	seq.s32 s5, $0x0;
	s5 =	sld [smem:$0x3FA4]  }
0x2b: {  	s6 =	sld [smem:$0x3FA5]  }
0x2c: {  	s7 =	sld [smem:$0x3FA6]  }
0x2d: {  	s3 =	simm.s32 $0x108;
	s8 =	sld [smem:$0x3FA7]  }
0x2e: {  	s3 =	simm.s32 @!p0 $0x1082;
	s9 =	sld [smem:$0x3FA8]  }
0x2f: {  	lr =	sadd.s32 s0, s3;
	s0 =	sld [smem:$0x3F9F]  }
0x30: {  	s3 =	sld [smem:$0x3FA2]  }
0x31: {  	[smem:$0x3FAB] =	sst s10  }
0x32: {  	s10 =	sld [smem:$0x3FA9];
	_ =	sdelay $0x3  }
0x33: {  	p0 =	seq.s32 s10, $0x1;
	s10 =	sld [smem:$0x3FAB];
	_ =	sdelay $0x3  }
0x34: {  	[smem:$0x3FAB] =	sst s10  }
0x35: {  	s10 =	sld [smem:$0x3FAA];
	_ =	sdelay $0x3  }
0x36: {  	p1 =	seq.s32 s10, $0x1;
	s10 =	sld [smem:$0x3FAB];
	_ =	sdelay $0x3  }
0x37: {  	[smem:$0x3FAB] =	sst s10  }
0x38: {  	s10 =	sld [smem:$0x3FAC]  }
0x39: {  	_ = 	snop;
	(pc) =	sbr.ind lr, $3  }
0x3a: {  	_ = 	snop  }
0x3b: {  	_ = 	snop  }
0x3c: {  	p2 =	seq.s32 s10, $0x1;
	s10 =	sld [smem:$0x3FAB]  }
0x3d: {  	_ =	shalt  }
0x3e: {  	_ =	shalt  }
0x3f: {  	_ =	shalt  }
0x40: {  	_ =	shalt  }
0x41: {  	_ =	shalt  }
0x42: {  	_ =	shalt  }
0x43: {  	_ =	shalt  }
0x44: {  	_ =	shalt  }
0x45: {  	_ =	shalt  }
0x46: {  	_ =	shalt  }
0x47: {  	_ =	shalt  }
0x48: {  	_ =	shalt  }
0x49: {  	_ =	shalt  }
0x4a: {  	_ =	shalt  }
0x4b: {  	_ =	shalt  }
0x4c: {  	_ =	shalt  }
0x4d: {  	_ =	shalt  }
0x4e: {  	_ =	shalt  }
0x4f: {  	_ =	shalt  }
0x50: {  	_ =	shalt  }
0x51: {  	_ =	shalt  }
0x52: {  	_ =	shalt  }
0x53: {  	_ =	shalt  }
0x54: {  	_ =	shalt  }
0x55: {  	_ =	shalt  }
0x56: {  	_ =	shalt  }
0x57: {  	_ =	shalt  }
0x58: {  	_ =	shalt  }
0x59: {  	_ =	shalt  }
0x5a: {  	_ =	shalt  }
0x5b: {  	_ =	shalt  }
0x5c: {  	_ =	shalt  }
0x5d: {  	_ =	shalt  }
0x5e: {  	_ =	shalt  }
0x5f: {  	_ =	shalt  }
0x60: {  	_ =	shalt  }
0x61: {  	_ =	shalt  }
0x62: {  	_ =	shalt  }
0x63: {  	_ =	shalt  }
0x64: {  	_ =	shalt  }
0x65: {  	_ =	shalt  }
0x66: {  	_ =	shalt  }
0x67: {  	_ =	shalt  }
0x68: {  	_ =	shalt  }
0x69: {  	_ =	shalt  }
0x6a: {  	_ =	shalt  }
0x6b: {  	_ =	shalt  }
0x6c: {  	_ =	shalt  }
0x6d: {  	_ =	shalt  }
0x6e: {  	_ =	shalt  }
0x6f: {  	_ =	shalt  }
0x70: {  	_ =	shalt  }
0x71: {  	_ =	shalt  }
0x72: {  	_ =	shalt  }
0x73: {  	_ =	shalt  }
0x74: {  	_ =	shalt  }
0x75: {  	_ =	shalt  }
0x76: {  	_ =	shalt  }
0x77: {  	_ =	shalt  }
0x78: {  	_ =	shalt  }
0x79: {  	_ =	shalt  }
0x7a: {  	_ =	shalt  }
0x7b: {  	_ =	shalt  }
0x7c: {  	_ =	shalt  }
0x7d: {  	_ =	shalt  }
0x7e: {  	_ =	shalt  }
0x7f: {  	_ =	shalt  }
0x80: {  	_ =	shalt  }
0x81: {  	_ =	shalt  }
0x82: {  	_ =	shalt  }
0x83: {  	_ =	shalt  }
0x84: {  	_ =	shalt  }
0x85: {  	_ =	shalt  }
0x86: {  	_ =	shalt  }
0x87: {  	_ =	shalt  }
.Lfunc_end0:
.L_simem_size_0:
called_computation_lowered:
.L_overlay_start_0:
0x88: {  	s2 =	sld [smem:$0x3FD9]  }
0x89: {  	s3 =	sld [smem:$0x3FFE];
	_ =	sdelay $0x1  }
0x8a: {  	s1 =	srdreg.scid  }
0x8b: {  	s0 =	sand.u32 $0x1, s1  }
0x8c: {  	s17 =	sshll.u32 s0, $0xA;
	s2 =	sadd.s32 s3, s2  }
0x8d: {  	s2 =	sadd.s32 s2, s17  }
0x8e: {  	[smem:$0x3FB7] =	sst s2  }
0x8f: {  	_ = 	snop  }
0x90: {  	s2 =	sld [smem:$0x3FD0];
	(tm) =	ssettm $0x1  }
0x91: {  	s18 =	sld [smem:$0x3FFB];
	_ =	sdelay $0x3  }
0x92: {  	_ =	strace s18  }
0x93: {  	s3 =	sld [smem:$0x3FFC];
	_ =	sdelay $0x3  }
0x94: {  	_ =	strace s3  }
0x95: {  	s3 =	sld [smem:$0x3FFD];
	_ =	sdelay $0x3  }
0x96: {  	_ =	strace s3  }
0x97: {  	_ =	strace $0x8FFFFFFF  }
0x98: {  	s19 =	sld [smem:$0x3FDB];
	_ =	sdelay $0x1  }
0x99: {  	s4 =	simm.s32 $_scs_section_size  }
0x9a: {  	s5 =	simm.s32 $_size__tile_overlayer_lowered;
	s6 =	simm.s32 $_tile_overlayer_lowered  }
0x9b: {  	s22 =	simm.s32 $0x1BFF;
	s21 =	sshll.u32 s6, $0x1;
	s3 =	sadd.s32 s4, s19  }
0x9c: {  	s7 =	simm.s32 $0x0;
	s20 =	sshll.u32 s5, $0x1;
	s5 =	sadd.s32 s21, s3  }
0x9d: {  	[timem:s7], [sflag:s22] =	dma.local [hbm:s5], s20  }
0x9e: {  	_ =	swait.ge [sflag:s22], s20  }
0x9f: {  	s4 =	ssub.s32 $0x0, s20;
	[sflag:s22] =	ssyncset.done $0x0  }
0xa0: {  	[sflag:s22] =	ssyncadd.s32 s4;
	_ =	sdelay $0x1  }
0xa1: {  	s23 =	simm.s32 $0x1B8B  }
0xa2: {  	_ =	swait.ge [sflag:s23], $0x1  }
0xa3: {  	[sflag:s23] =	ssyncset.done $0x0  }
0xa4: {  	s25 =	simm.s32 $0x1B8E;
	s24 =	sld [smem:$0x3FFE];
	[sflag:s23] =	ssyncadd.s32 $0xFFFFFFFF  }
0xa5: {  	s26 =	simm.s32 $execute0_lowered;
	[smem:$0x3FD2] =	sst s25  }
0xa6: {  	s5 =	sshll.u32 s26, $0x1;
	_ =	strace $0x80000046;
	[dreg:$0x1] =	wrdreg $0xFFFFFFFF  }
0xa7: {  	s28 =	simm.s32 $_size_execute0_lowered;
	s3 =	sadd.s32 s3, s5;
	[dreg:$0x0] =	wrdreg $0x0  }
0xa8: {  	s5 =	sshll.u32 s28, $0x1;
	[dreg:$0x2] =	wrdreg s3  }
0xa9: {  	[dreg:$0x3] =	wrdreg s5  }
0xaa: {  	[dreg:$0x4] =	wrdreg $0xC0  }
0xab: {  	_ =	task [dreg:s7], $0x5FFFF  }
0xac: {  	[dreg:$0x1] =	wrdreg $0xFFFFFFFF  }
0xad: {  	[dreg:$0x0] =	wrdreg $0x60  }
0xae: {  	[dreg:$0x2] =	wrdreg s24  }
0xaf: {  	[dreg:$0x3] =	wrdreg s2  }
0xb0: {  	[dreg:$0x4] =	wrdreg $0x0  }
0xb1: {  	[dreg:$0x5] =	wrdreg $0x9  }
0xb2: {  	_ =	task.clear_ibuf [dreg:s7], $0x6FFFF;
	_ =	strace $0x90000046  }
0xb3: {  	s29 =	simm.s32 $0x9;
	_ =	strace $0x80000048  }
0xb4: {  	_ =	swait.ge [sflag:s29], $0x1  }
0xb5: {  	[sflag:s29] =	ssyncadd.s32 $0xFFFFFFFF  }
0xb6: {  	_ =	strace $0x90000048  }
0xb7: {  	_ =	sfence  }
0xb8: {  	s30 =	sld [smem:$0x0];
	_ =	sdelay $0x2  }
0xb9: {  	s31 =	sshll.u32 s1, $0xD;
	s1 =	sshrl.u32 s1, $0x2  }
0xba: {  	s3 =	sand.u32 $0x4000, s31;
	s1 =	sadd.s32 s1, s30  }
0xbb: {  	s0 =	sor.u32 s3, s0;
	s1 =	sshll.u32 s1, $0x11  }
0xbc: {  	s0 =	sor.u32 s1, s0  }
0xbd: {  	s0 =	sadd.s32 $0x8F2B, s0  }
0xbe: {  	[sflag:s0] =	ssyncadd.remote.s32 $0x1  }
0xbf: {  	_ =	sfence.sel $0xFFFF  }
0xc0: {  	[dreg:$0x0] =	wrdreg $0xFFFFFFFF;
	(pc) =	sbr.abs _section_cstart, $3  }
0xc1: {  	[dreg:$0x1] =	wrdreg $0xFFFFFFFF  }
0xc2: {  	_ =	task.clear_ibuf [dreg:s7], $0x2FFFF;
	_ =	strace $0x9FFFFFFF  }
0xc3: {  	(tm) =	ssettm $0x7FFFFFFF  }
tec
execute0_lowered:
.L_overlay_start_1:
0x0: {  	(tag) =	ssettag $0x1  }
0x1: {  	s0 =	rddreg [dreg:$0x0]  }
0x2: {  	s1 =	rddreg [dreg:$0x1]  }
0x3: {  	s2 =	rddreg [dreg:$0x2];
	s4 =	simm.s32 $0x0;
	s3 =	srdreg.scid  }
0x4: {  	s17 =	stileid.u32;
	s28 =	simm.s32 $0x14000;
	[smem:$0x7FF] =	sst s4  }
0x5: {  	s3 =	sand.u32 $0x1, s3;
	s8 =	smul.u32 $0x14000, s17;
	s9 =	sadd.s32 $0x51FA00, s0  }
0x6: {  	s10 =	sadd.s32 $0x56FA00, s0;
	s23 =	sshll.u32 s17, $0x1;
	s14 =	smul.u32 $0x50000, s17  }
0x7: {  	s5 =	ssub.s32 $0x2, s3;
	s6 =	smul.u32 $0x140000, s3;
	_ =	strace $0x80000047  }
0x8: {  	s7 =	sshrl.u32 s5, $0x1;
	s12 =	sadd.s32 $0x4000, s8;
	s19 =	sadd.s32 $0xC000, s8  }
0x9: {  	s5 =	ssub.s32 s5, s7;
	s11 =	sadd.s32 s8, s6;
	s13 =	sadd.s32 s6, s12  }
0xa: {  	s16 =	sadd.s32 s6, s19;
	s11 =	sshrl.u32 s11, $0x3;
	s5 =	smax.u32 s5, $0x1  }
0xb: {  	s13 =	sshrl.u32 s13, $0x3;
	s15 =	sadd.s32 s9, s11;
	[dreg:$0x16] =	wrdreg s5  }
0xc: {  	s16 =	sshrl.u32 s16, $0x3;
	s24 =	sadd.s32 s9, s13;
	[dreg:$0x4] =	wrdreg s15  }
0xd: {  	s18 =	sadd.s32 $0x8000, s8;
	s26 =	sadd.s32 s9, s16;
	[dreg:$0x5] =	wrdreg s24  }
0xe: {  	s7 =	sor.u32 s3, s23;
	s11 =	sadd.s32 s10, s11;
	[dreg:$0x7] =	wrdreg s26  }
0xf: {  	s25 =	sadd.s32 s6, s18;
	s21 =	sadd.s32 s10, s13;
	[dreg:$0x9] =	wrdreg s11  }
0x10: {  	s8 =	sadd.s32 $0x10000, s8;
	s23 =	sadd.s32 s10, s16;
	[dreg:$0xa] =	wrdreg s21  }
0x11: {  	s13 =	sadd.s32 s12, s2;
	s15 =	sshrl.u32 s25, $0x3;
	[dreg:$0xc] =	wrdreg s23  }
0x12: {  	s25 =	sshrl.u32 s14, $0x2;
	[dreg:$0x12] =	wrdreg s13;
	s14 =	sadd.s32 s18, s2  }
0x13: {  	s6 =	sadd.s32 s6, s8;
	s18 =	sadd.s32 s19, s2;
	[dreg:$0x13] =	wrdreg s14  }
0x14: {  	s6 =	sshrl.u32 s6, $0x3;
	s19 =	sadd.s32 s8, s2;
	[dreg:$0x14] =	wrdreg s18  }
0x15: {  	s24 =	smul.u32 $0x2710, s7;
	s20 =	sadd.s32 s9, s15;
	[dreg:$0x15] =	wrdreg s19  }
0x16: {  	s7 =	smul.u32 $0x27100, s7;
	s9 =	sadd.s32 s9, s6;
	[dreg:$0x6] =	wrdreg s20  }
0x17: {  	s22 =	sadd.s32 s10, s15;
	s6 =	sadd.s32 s10, s6;
	[dreg:$0x8] =	wrdreg s9  }
0x18: {  	s15 =	sadd.s32 $0x16800, s0;
	s20 =	smul.u32 $0x4E20, s17;
	[dreg:$0xb] =	wrdreg s22  }
0x19: {  	[dreg:$0xd] =	wrdreg s6;
	s26 =	sshrl.u32 s24, $0x3;
	s11 =	sadd.s32 s15, s7  }
0x1a: {  	s17 =	sadd.s32 $0xCA00, s0;
	s9 =	sadd.s32 s25, s2;
	[dreg:$0x11] =	wrdreg s11  }
0x1b: {  	s16 =	sadd.s32 $0x2C00, s0;
	s0 =	sadd.s32 s17, s26;
	[dreg:$0xe] =	wrdreg s9  }
0x1c: {  	s21 =	sadd.s32 s16, s26;
	s26 =	sadd.s32 $0x1400, s9;
	[dreg:$0x10] =	wrdreg s0  }
0x1d: {  	s29 =	simm.s32 $0x4;
	s6 =	sadd.s32 $0x2800, s9;
	[dreg:$0x19] =	wrdreg s26  }
0x1e: {  	s30 =	simm.s32 $0x19100;
	s7 =	sadd.s32 $0x3C00, s9;
	[dreg:$0x1a] =	wrdreg s6  }
0x1f: {  	s31 =	simm.s32 $0x19000;
	s8 =	sadd.s32 $0x5000, s9;
	[dreg:$0x1b] =	wrdreg s7  }
0x20: {  	s3 =	smul.u32 $0x2710, s3;
	s10 =	sadd.s32 $0x6400, s9;
	[dreg:$0x1c] =	wrdreg s8  }
0x21: {  	s22 =	sadd.s32 $0x28, s24;
	s11 =	sadd.s32 $0x7800, s9;
	[dreg:$0x1d] =	wrdreg s10  }
0x22: {  	s23 =	sadd.s32 $0x50, s24;
	s12 =	sadd.s32 $0x8C00, s9;
	[dreg:$0x1e] =	wrdreg s11  }
0x23: {  	s25 =	sshrl.u32 s23, $0x3;
	s13 =	sadd.s32 $0xA000, s9;
	[dreg:$0x1f] =	wrdreg s12  }
0x24: {  	s14 =	sadd.s32 $0xB400, s9;
	s18 =	sadd.s32 $0xC800, s9;
	[smem:$0x7F6] =	sst s13  }
0x25: {  	s19 =	sadd.s32 $0xDC00, s9;
	s3 =	sadd.s32 s3, s20;
	[smem:$0x7F7] =	sst s14  }
0x26: {  	s20 =	sshrl.u32 s22, $0x3;
	s5 =	sadd.s32 s16, s25;
	[smem:$0x7F8] =	sst s18  }
0x27: {  	[smem:$0x7F9] =	sst s19;
	s25 =	sadd.s32 $0x11800, s9;
	s26 =	sadd.s32 $0x12C00, s9  }
0x28: {  	s19 =	simm.s32 $0x1;
	s6 =	simm.s32 $0x16800;
	s7 =	simm.s32 $0x19180  }
0x29: {  	s8 =	simm.s32 $0x19080;
	s10 =	simm.s32 $0x2;
	s11 =	simm.s32 $0x17C00  }
0x2a: {  	s12 =	simm.s32 $0x3;
	s14 =	simm.s32 $0x0;
	[dreg:$0xf] =	wrdreg s21  }
0x2b: {  	s0 =	sadd.s32 s16, s20;
	s24 =	sadd.s32 $0xA0, s3;
	[dreg:$0x18] =	wrdreg s5  }
.Ltmp0:
0x2c: {  	s3 =	sadd.s32 $0x78, s3;
	[smem:$0x7FC] =	sst s25;
	(pc) =	sbr.rel .LBB2_1-.Ltmp0, $4  }
0x2d: {  	s20 =	sadd.s32 $0xF000, s9;
	[smem:$0x7FD] =	sst s26;
	s5 =	simm.s32 $0x28  }
0x2e: {  	[dreg:$0x17] =	wrdreg s0;
	s0 =	sshrl.u32 s24, $0x3;
	s3 =	sshrl.u32 s3, $0x3  }
0x2f: {  	[smem:$0x7FA] =	sst s20;
	s24 =	sadd.s32 $0x10400, s9;
	s9 =	simm.s32 $0x15400  }
0x30: {  	v0 =	vimm.f32 $0.0e+00;
	v1 =	vimm.f32 $1.000000000e+00;
	s0 =	sadd.s32 s0, s16;
	s3 =	sadd.s32 s3, s16;
	[smem:$0x7FB] =	sst s24  }
.LBB2_16:
0x31: {  	[spmem:s2] =	stream.indirect.scatter.add.f32 [tilespmem:s28], [sflag:$0x3], $0x80, s7, s5, $0xb8;
	[tilespmem:$0x19200] =	vst v63  }
0x32: {  	_ =	swait.ge [sflag:s12], $0x1400  }
0x33: {  	[sflag:s12] =	ssyncset.done $0x0  }
0x34: {  	[sflag:s12] =	ssyncadd.s32 $0xFFFFEC00  }
0x35: {  	[bflag:$0x0] =	sbarrier.arrive $0xFFFF  }
0x36: {  	s18 =	sld [smem:$0x7F3];
	_ =	sdelay $0x1  }
0x37: {  	s13 =	rddreg [dreg:$0x9]  }
0x38: {  	[hbm:s13], [sflag:s14] =	dma.local [spmem:s18], $0x800  }
0x39: {  	_ =	swait.ge [sflag:s29], $0x800  }
0x3a: {  	s20 =	sld [smem:$0x7F4]  }
0x3b: {  	[sflag:s29] =	ssyncset.done $0x0  }
0x3c: {  	s18 =	rddreg [dreg:$0xa];
	[sflag:s29] =	ssyncadd.s32 $0xFFFFF800  }
0x3d: {  	[hbm:s18], [sflag:s14] =	dma.local [spmem:s20], $0x800  }
0x3e: {  	_ =	swait.ge [sflag:s29], $0x800  }
0x3f: {  	[sflag:s29] =	ssyncset.done $0x0  }
0x40: {  	s18 =	rddreg [dreg:$0xb];
	[sflag:s29] =	ssyncadd.s32 $0xFFFFF800  }
0x41: {  	[hbm:s18], [sflag:s14] =	dma.local [spmem:s24], $0x800  }
0x42: {  	_ =	swait.ge [sflag:s29], $0x800  }
0x43: {  	[sflag:s29] =	ssyncset.done $0x0  }
0x44: {  	s20 =	rddreg [dreg:$0xc];
	[sflag:s29] =	ssyncadd.s32 $0xFFFFF800  }
0x45: {  	[hbm:s20], [sflag:s14] =	dma.local [spmem:s25], $0x800  }
0x46: {  	_ =	swait.ge [sflag:s29], $0x800  }
0x47: {  	[sflag:s29] =	ssyncset.done $0x0  }
0x48: {  	s24 =	rddreg [dreg:$0xd];
	[sflag:s29] =	ssyncadd.s32 $0xFFFFF800  }
0x49: {  	[hbm:s24], [sflag:s14] =	dma.local [spmem:s26], $0x800  }
0x4a: {  	_ =	swait.ge [sflag:s29], $0x800  }
0x4b: {  	s25 =	sld [smem:$0x7F5];
	_ =	sdelay $0x2  }
0x4c: {  	s26 =	rddreg [dreg:$0x16];
	s14 =	sadd.s32 $0x1, s25  }
0x4d: {  	p0 =	sne.s32 s14, s26  }
.Ltmp1:
0x4e: {  	_ = 	snop;
	(pc) =	sbr.rel @!p0 .LBB2_17-.Ltmp1, $3  }
0x4f: {  	[sflag:s29] =	ssyncset.done $0x0  }
0x50: {  	[sflag:s29] =	ssyncadd.s32 $0xFFFFF800  }
0x51: {  	[bflag:$0x0] =	sbarrier.arrive $0xFFFF;
	_ =	sdelay $0x1  }
.LBB2_1:
0x52: {  	s13 =	sand.u32 $0x7E00, s4  }
0x53: {  	[smem:$0x7F5] =	sst s14;
	s18 =	sand.u32 $0x70, s4;
	s13 =	sshrl.u32 s13, $0x2  }
0x54: {  	s14 =	simm.s32 $0x40;
	s18 =	sor.u32 s18, s13;
	s13 =	simm.s32 $0x0  }
.LBB2_2:
0x55: {  	p0 =	sne.s32 s14, $0x4FC0  }
0x56: {  	[tilespmem:s18+$0x14000] =	vst v0;
	s13 =	sadd.s32 $0x10, s13;
	s18 =	smov.u32 s14;
	s14 =	sadd.s32 $0x40, s14  }
.Ltmp2:
0x57: {  	(pc) =	sbr.rel @p0 .LBB2_2-.Ltmp2, $4  }
0x58: {  	_ = 	snop  }
0x59: {  	s18 =	sand.u32 $0x7E00, s18  }
0x5a: {  	s20 =	sand.u32 $0x70, s13;
	s18 =	sshrl.u32 s18, $0x2  }
0x5b: {  	s18 =	sor.u32 s20, s18  }
0x5c: {  	[tilespmem:s18+$0x14000] =	vst v0;
	s13 =	rddreg [dreg:$0xe]  }
0x5d: {  	[spmem:s13] =	stream.linear.scatter [tilespmem:s28], [sflag:$0x4], $0x1400, $0x38;
	[tilespmem:$0x19200] =	vst v63  }
0x5e: {  	_ =	swait.ge [sflag:s29], $0x1400  }
0x5f: {  	[sflag:s29] =	ssyncset.done $0x0  }
0x60: {  	s18 =	rddreg [dreg:$0x19];
	[sflag:s29] =	ssyncadd.s32 $0xFFFFEC00  }
0x61: {  	[spmem:s18] =	stream.linear.scatter [tilespmem:s28], [sflag:$0x4], $0x1400, $0x38;
	[tilespmem:$0x19200] =	vst v63  }
0x62: {  	_ =	swait.ge [sflag:s29], $0x1400  }
0x63: {  	[sflag:s29] =	ssyncset.done $0x0  }
0x64: {  	s20 =	rddreg [dreg:$0x1a];
	[sflag:s29] =	ssyncadd.s32 $0xFFFFEC00  }
0x65: {  	[spmem:s20] =	stream.linear.scatter [tilespmem:s28], [sflag:$0x4], $0x1400, $0x38;
	[tilespmem:$0x19200] =	vst v63  }
0x66: {  	_ =	swait.ge [sflag:s29], $0x1400  }
0x67: {  	[sflag:s29] =	ssyncset.done $0x0  }
0x68: {  	s24 =	rddreg [dreg:$0x1b];
	[sflag:s29] =	ssyncadd.s32 $0xFFFFEC00  }
0x69: {  	[spmem:s24] =	stream.linear.scatter [tilespmem:s28], [sflag:$0x4], $0x1400, $0x38;
	[tilespmem:$0x19200] =	vst v63  }
0x6a: {  	_ =	swait.ge [sflag:s29], $0x1400  }
0x6b: {  	[sflag:s29] =	ssyncset.done $0x0  }
0x6c: {  	s25 =	rddreg [dreg:$0x1c];
	[sflag:s29] =	ssyncadd.s32 $0xFFFFEC00  }
0x6d: {  	[spmem:s25] =	stream.linear.scatter [tilespmem:s28], [sflag:$0x4], $0x1400, $0x38;
	[tilespmem:$0x19200] =	vst v63  }
0x6e: {  	_ =	swait.ge [sflag:s29], $0x1400  }
0x6f: {  	[sflag:s29] =	ssyncset.done $0x0  }
0x70: {  	s26 =	rddreg [dreg:$0x1d];
	[sflag:s29] =	ssyncadd.s32 $0xFFFFEC00  }
0x71: {  	[spmem:s26] =	stream.linear.scatter [tilespmem:s28], [sflag:$0x4], $0x1400, $0x38;
	[tilespmem:$0x19200] =	vst v63  }
0x72: {  	_ =	swait.ge [sflag:s29], $0x1400  }
0x73: {  	[sflag:s29] =	ssyncset.done $0x0  }
0x74: {  	s14 =	rddreg [dreg:$0x1e];
	[sflag:s29] =	ssyncadd.s32 $0xFFFFEC00  }
0x75: {  	[spmem:s14] =	stream.linear.scatter [tilespmem:s28], [sflag:$0x4], $0x1400, $0x38;
	[tilespmem:$0x19200] =	vst v63  }
0x76: {  	_ =	swait.ge [sflag:s29], $0x1400  }
0x77: {  	[sflag:s29] =	ssyncset.done $0x0  }
0x78: {  	s18 =	rddreg [dreg:$0x1f];
	[sflag:s29] =	ssyncadd.s32 $0xFFFFEC00  }
0x79: {  	[spmem:s18] =	stream.linear.scatter [tilespmem:s28], [sflag:$0x4], $0x1400, $0x38;
	[tilespmem:$0x19200] =	vst v63  }
0x7a: {  	_ =	swait.ge [sflag:s29], $0x1400  }
0x7b: {  	s20 =	sld [smem:$0x7F6]  }
0x7c: {  	[sflag:s29] =	ssyncset.done $0x0  }
0x7d: {  	[sflag:s29] =	ssyncadd.s32 $0xFFFFEC00  }
0x7e: {  	[spmem:s20] =	stream.linear.scatter [tilespmem:s28], [sflag:$0x4], $0x1400, $0x38;
	[tilespmem:$0x19200] =	vst v63  }
0x7f: {  	_ =	swait.ge [sflag:s29], $0x1400  }
0x80: {  	s24 =	sld [smem:$0x7F7]  }
0x81: {  	[sflag:s29] =	ssyncset.done $0x0  }
0x82: {  	[sflag:s29] =	ssyncadd.s32 $0xFFFFEC00  }
0x83: {  	[spmem:s24] =	stream.linear.scatter [tilespmem:s28], [sflag:$0x4], $0x1400, $0x38;
	[tilespmem:$0x19200] =	vst v63  }
0x84: {  	_ =	swait.ge [sflag:s29], $0x1400  }
0x85: {  	s25 =	sld [smem:$0x7F8]  }
0x86: {  	[sflag:s29] =	ssyncset.done $0x0  }
0x87: {  	[sflag:s29] =	ssyncadd.s32 $0xFFFFEC00  }
0x88: {  	[spmem:s25] =	stream.linear.scatter [tilespmem:s28], [sflag:$0x4], $0x1400, $0x38;
	[tilespmem:$0x19200] =	vst v63  }
0x89: {  	_ =	swait.ge [sflag:s29], $0x1400  }
0x8a: {  	s26 =	sld [smem:$0x7F9]  }
0x8b: {  	[sflag:s29] =	ssyncset.done $0x0  }
0x8c: {  	[sflag:s29] =	ssyncadd.s32 $0xFFFFEC00  }
0x8d: {  	[spmem:s26] =	stream.linear.scatter [tilespmem:s28], [sflag:$0x4], $0x1400, $0x38;
	[tilespmem:$0x19200] =	vst v63  }
0x8e: {  	_ =	swait.ge [sflag:s29], $0x1400  }
0x8f: {  	s14 =	sld [smem:$0x7FA]  }
0x90: {  	[sflag:s29] =	ssyncset.done $0x0  }
0x91: {  	[sflag:s29] =	ssyncadd.s32 $0xFFFFEC00  }
0x92: {  	[spmem:s14] =	stream.linear.scatter [tilespmem:s28], [sflag:$0x4], $0x1400, $0x38;
	[tilespmem:$0x19200] =	vst v63  }
0x93: {  	_ =	swait.ge [sflag:s29], $0x1400  }
0x94: {  	s18 =	sld [smem:$0x7FB]  }
0x95: {  	[sflag:s29] =	ssyncset.done $0x0  }
0x96: {  	[sflag:s29] =	ssyncadd.s32 $0xFFFFEC00  }
0x97: {  	[spmem:s18] =	stream.linear.scatter [tilespmem:s28], [sflag:$0x4], $0x1400, $0x38;
	[tilespmem:$0x19200] =	vst v63  }
0x98: {  	_ =	swait.ge [sflag:s29], $0x1400  }
0x99: {  	s20 =	sld [smem:$0x7FC]  }
0x9a: {  	[sflag:s29] =	ssyncset.done $0x0  }
0x9b: {  	[sflag:s29] =	ssyncadd.s32 $0xFFFFEC00  }
0x9c: {  	[spmem:s20] =	stream.linear.scatter [tilespmem:s28], [sflag:$0x4], $0x1400, $0x38;
	[tilespmem:$0x19200] =	vst v63  }
0x9d: {  	_ =	swait.ge [sflag:s29], $0x1400  }
0x9e: {  	s24 =	sld [smem:$0x7FD]  }
0x9f: {  	[sflag:s29] =	ssyncset.done $0x0  }
0xa0: {  	[sflag:s29] =	ssyncadd.s32 $0xFFFFEC00  }
0xa1: {  	[spmem:s24] =	stream.linear.scatter [tilespmem:s28], [sflag:$0x4], $0x1400, $0x38;
	[tilespmem:$0x19200] =	vst v63  }
0xa2: {  	_ =	swait.ge [sflag:s29], $0x1400  }
0xa3: {  	[sflag:s29] =	ssyncset.done $0x0  }
0xa4: {  	[sflag:s29] =	ssyncadd.s32 $0xFFFFEC00  }
0xa5: {  	s14 =	simm.s32 $0x0;
	[bflag:$0x0] =	sbarrier.arrive $0xFFFF  }
0xa6: {  	[tilespmem:s30], [sflag:$0x1] =	stream.linear.gather [hbm4b:s21+s14], $0x28, $0x38;
	[tilespmem:$0x19200] =	vst v63  }
0xa7: {  	s25 =	rddreg [dreg:$0x10]  }
0xa8: {  	[tilespmem:s31], [sflag:$0x1] =	stream.linear.gather [hbm4b:s25+s14], $0x28, $0x38;
	[tilespmem:$0x19200] =	vst v63  }
0xa9: {  	s20 =	simm.s32 $0x0;
	s26 =	rddreg [dreg:$0x11]  }
0xaa: {  	[tilespmem:s28], [sflag:$0x1] =	stream.linear.gather [hbm4b:s26+s14], $0x1400, $0x38;
	[tilespmem:$0x19200] =	vst v63  }
.LBB2_4:
0xab: {  	_ =	swait.ge [sflag:s19], $0x28  }
0xac: {  	[sflag:s19] =	ssyncset.done $0x0  }
0xad: {  	[sflag:s19] =	ssyncadd.s32 $0xFFFFFFD8  }
0xae: {  	_ =	swait.ge [sflag:s19], $0x28  }
0xaf: {  	[sflag:s19] =	ssyncset.done $0x0  }
0xb0: {  	[sflag:s19] =	ssyncadd.s32 $0xFFFFFFD8  }
0xb1: {  	_ =	swait.ge [sflag:s19], $0x1400  }
0xb2: {  	p0 =	seq.s32 s20, $0x0;
	[sflag:s19] =	ssyncset.done $0x0  }
0xb3: {  	s21 =	smul.u32 $0x50, s20;
	s13 =	simm.s32 @!p0 $0x3;
	[sflag:s19] =	ssyncadd.s32 $0xFFFFEC00  }
0xb4: {  	[tilespmem:s6], [sflag:$0x2] =	stream.indirect.gather [hbm4b:s1+s5], $0x80, s31, s5, $0xb8;
	[tilespmem:$0x19200] =	vst v63  }
0xb5: {  	s18 =	sadd.s32 s21, s22;
	_ =	swait.ge @!p0 [sflag:s13], $0x1400  }
0xb6: {  	s24 =	sshrl.u32 s18, $0x3;
	[sflag:s13] =	ssyncset.done @!p0 $0x0  }
0xb7: {  	s26 =	sadd.s32 s16, s24;
	[sflag:s13] =	ssyncadd.s32 @!p0 $0xFFFFEC00  }
0xb8: {  	[tilespmem:s7], [sflag:$0x1] =	stream.linear.gather [hbm4b:s26+s14], $0x28, $0x38;
	[tilespmem:$0x19200] =	vst v63  }
0xb9: {  	s25 =	sadd.s32 s17, s24;
	s26 =	sshll.u32 s18, $0x4  }
0xba: {  	[tilespmem:s8], [sflag:$0x1] =	stream.linear.gather [hbm4b:s25+s14], $0x28, $0x38;
	[tilespmem:$0x19200] =	vst v63  }
0xbb: {  	s13 =	sadd.s32 s15, s26  }
0xbc: {  	[tilespmem:s9], [sflag:$0x1] =	stream.linear.gather [hbm4b:s13+s14], $0x1400, $0x38;
	[tilespmem:$0x19200] =	vst v63  }
0xbd: {  	_ =	swait.ge [sflag:s10], $0x1400  }
0xbe: {  	[sflag:s10] =	ssyncset.done $0x0  }
0xbf: {  	s24 =	simm.s32 $0x0;
	[sflag:s10] =	ssyncadd.s32 $0xFFFFEC00  }
0xc0: {  	v9 =	vld [tilespmem:s24+$0x16800]  }
0xc1: {  	v13 =	vld [tilespmem:s24+$0x16810]  }
0xc2: {  	v7 =	vld [tilespmem:s24+$0x16820]  }
0xc3: {  	v6 =	vld [tilespmem:s24+$0x16830]  }
0xc4: {  	v5 =	vld [tilespmem:s24+$0x16840]  }
0xc5: {  	v4 =	vld [tilespmem:s24+$0x16850]  }
0xc6: {  	v3 =	vld [tilespmem:s24+$0x16860]  }
0xc7: {  	v2 =	vld [tilespmem:s24+$0x16870]  }
0xc8: {  	v14 =	vld [tilespmem:s24+$0x14000]  }
0xc9: {  	v15 =	vld [tilespmem:s24+$0x14010]  }
0xca: {  	v12 =	vld [tilespmem:s24+$0x14020]  }
0xcb: {  	v11 =	vld [tilespmem:s24+$0x14030]  }
0xcc: {  	v10 =	vld [tilespmem:s24+$0x14040]  }
0xcd: {  	v8 =	vld [tilespmem:s24+$0x14050];
	v14 =	vmul.f32 v9, v14  }
0xce: {  	s25 =	simm.s32 $0x200;
	v13 =	vmul.f32 v13, v15;
	v9 =	vld [tilespmem:s24+$0x14060]  }
.LBB2_5:
0xcf: {  	s13 =	sshra.s32 s25, $0x2;
	p0 =	sne.s32 s25, $0x4E00;
	[tilespmem:s24+$0x14000] =	vst v14;
	v7 =	vmul.f32 v7, v12;
	v12 =	vld [tilespmem:s24+$0x14070]  }
0xd0: {  	v14 =	vld [tilespmem:s13+$0x16800];
	[tilespmem:s24+$0x14010] =	vst v13;
	v6 =	vmul.f32 v6, v11  }
0xd1: {  	v13 =	vld [tilespmem:s13+$0x16810];
	[tilespmem:s24+$0x14020] =	vst v7;
	v5 =	vmul.f32 v5, v10  }
0xd2: {  	v7 =	vld [tilespmem:s13+$0x16820];
	[tilespmem:s24+$0x14030] =	vst v6;
	v4 =	vmul.f32 v4, v8  }
0xd3: {  	v6 =	vld [tilespmem:s13+$0x16830];
	[tilespmem:s24+$0x14040] =	vst v5;
	v3 =	vmul.f32 v3, v9  }
0xd4: {  	v5 =	vld [tilespmem:s13+$0x16840];
	[tilespmem:s24+$0x14050] =	vst v4;
	v2 =	vmul.f32 v2, v12  }
0xd5: {  	v4 =	vld [tilespmem:s13+$0x16850];
	[tilespmem:s24+$0x14060] =	vst v3  }
0xd6: {  	v3 =	vld [tilespmem:s13+$0x16860];
	[tilespmem:s24+$0x14070] =	vst v2;
	s24 =	smov.u32 s13  }
0xd7: {  	v2 =	vld [tilespmem:s24+$0x16870]  }
0xd8: {  	v8 =	vld [tilespmem:s24+$0x14000]  }
0xd9: {  	v9 =	vld [tilespmem:s24+$0x14010]  }
.Ltmp3:
0xda: {  	v12 =	vld [tilespmem:s24+$0x14020];
	(pc) =	sbr.rel @p0 .LBB2_5-.Ltmp3, $4  }
0xdb: {  	v11 =	vld [tilespmem:s24+$0x14030]  }
0xdc: {  	v10 =	vld [tilespmem:s24+$0x14040]  }
0xdd: {  	v14 =	vmul.f32 v14, v8;
	v8 =	vld [tilespmem:s24+$0x14050]  }
0xde: {  	s25 =	sadd.s32 $0x200, s25;
	v13 =	vmul.f32 v13, v9;
	v9 =	vld [tilespmem:s24+$0x14060]  }
0xdf: {  	[tilespmem:s24+$0x14000] =	vst v14;
	v7 =	vmul.f32 v7, v12;
	v12 =	vld [tilespmem:s24+$0x14070]  }
0xe0: {  	[tilespmem:s24+$0x14010] =	vst v13;
	v6 =	vmul.f32 v6, v11  }
0xe1: {  	[tilespmem:s24+$0x14020] =	vst v7;
	v5 =	vmul.f32 v5, v10  }
0xe2: {  	[tilespmem:s24+$0x14030] =	vst v6;
	v4 =	vmul.f32 v4, v8  }
0xe3: {  	[tilespmem:s24+$0x14040] =	vst v5;
	v3 =	vmul.f32 v3, v9  }
0xe4: {  	[tilespmem:s24+$0x14050] =	vst v4;
	v2 =	vmul.f32 v2, v12  }
0xe5: {  	[tilespmem:s24+$0x14060] =	vst v3  }
0xe6: {  	[tilespmem:s24+$0x14070] =	vst v2  }
0xe7: {  	[spmem:s2] =	stream.indirect.scatter.add.f32 [tilespmem:s28], [sflag:$0x3], $0x80, s30, s5, $0xb8;
	[tilespmem:$0x19200] =	vst v63  }
0xe8: {  	_ =	swait.ge [sflag:s19], $0x28  }
0xe9: {  	[sflag:s19] =	ssyncset.done $0x0  }
0xea: {  	[sflag:s19] =	ssyncadd.s32 $0xFFFFFFD8  }
0xeb: {  	_ =	swait.ge [sflag:s19], $0x28  }
0xec: {  	[sflag:s19] =	ssyncset.done $0x0  }
0xed: {  	[sflag:s19] =	ssyncadd.s32 $0xFFFFFFD8  }
0xee: {  	_ =	swait.ge [sflag:s19], $0x1400  }
0xef: {  	[sflag:s19] =	ssyncset.done $0x0  }
0xf0: {  	p0 =	seq.s32 s20, $0x7C;
	[sflag:s19] =	ssyncadd.s32 $0xFFFFEC00  }
0xf1: {  	[tilespmem:s11], [sflag:$0x2] =	stream.indirect.gather [hbm4b:s1+s5], $0x80, s8, s5, $0xb8;
	[tilespmem:$0x19200] =	vst v63  }
0xf2: {  	s13 =	sadd.s32 @!p0 s21, s23;
	_ =	swait.ge [sflag:s12], $0x1400  }
0xf3: {  	s25 =	simm.s32 @!p0 $0x19100;
	s18 =	sshrl.u32 @!p0 s13, $0x3;
	[sflag:s12] =	ssyncset.done $0x0  }
0xf4: {  	s21 =	sadd.s32 @!p0 s16, s18;
	s24 =	simm.s32 @!p0 $0x0;
	[sflag:s12] =	ssyncadd.s32 $0xFFFFEC00  }
0xf5: {  	[tilespmem:s25], [sflag:$0x1] =	stream.linear.gather @!p0 [hbm4b:s21+s24], $0x28, $0x38;
	[tilespmem:$0x19200] =	vst v63  }
0xf6: {  	s13 =	sshll.u32 @!p0 s13, $0x4;
	s18 =	sadd.s32 @!p0 s17, s18;
	s21 =	simm.s32 @!p0 $0x19000  }
0xf7: {  	[tilespmem:s21], [sflag:$0x1] =	stream.linear.gather @!p0 [hbm4b:s18+s24], $0x28, $0x38;
	[tilespmem:$0x19200] =	vst v63  }
0xf8: {  	s13 =	sadd.s32 @!p0 s15, s13;
	s18 =	simm.s32 @!p0 $0x14000  }
0xf9: {  	[tilespmem:s18], [sflag:$0x1] =	stream.linear.gather @!p0 [hbm4b:s13+s24], $0x1400, $0x38;
	[tilespmem:$0x19200] =	vst v63  }
0xfa: {  	_ =	swait.ge [sflag:s10], $0x1400  }
0xfb: {  	[sflag:s10] =	ssyncset.done $0x0  }
0xfc: {  	s21 =	simm.s32 $0x0;
	[sflag:s10] =	ssyncadd.s32 $0xFFFFEC00  }
0xfd: {  	v9 =	vld [tilespmem:s21+$0x17C00]  }
0xfe: {  	v13 =	vld [tilespmem:s21+$0x17C10]  }
0xff: {  	v7 =	vld [tilespmem:s21+$0x17C20]  }
0x100: {  	v6 =	vld [tilespmem:s21+$0x17C30]  }
0x101: {  	v5 =	vld [tilespmem:s21+$0x17C40]  }
0x102: {  	v4 =	vld [tilespmem:s21+$0x17C50]  }
0x103: {  	v3 =	vld [tilespmem:s21+$0x17C60]  }
0x104: {  	v2 =	vld [tilespmem:s21+$0x17C70]  }
0x105: {  	v14 =	vld [tilespmem:s21+$0x15400]  }
0x106: {  	v15 =	vld [tilespmem:s21+$0x15410]  }
0x107: {  	v12 =	vld [tilespmem:s21+$0x15420]  }
0x108: {  	v11 =	vld [tilespmem:s21+$0x15430]  }
0x109: {  	v10 =	vld [tilespmem:s21+$0x15440]  }
0x10a: {  	v8 =	vld [tilespmem:s21+$0x15450];
	v14 =	vmul.f32 v9, v14  }
0x10b: {  	s24 =	simm.s32 $0x200;
	v13 =	vmul.f32 v13, v15;
	v9 =	vld [tilespmem:s21+$0x15460]  }
.LBB2_7:
0x10c: {  	s13 =	sshra.s32 s24, $0x2;
	p0 =	sne.s32 s24, $0x4E00;
	[tilespmem:s21+$0x15400] =	vst v14;
	v7 =	vmul.f32 v7, v12;
	v12 =	vld [tilespmem:s21+$0x15470]  }
0x10d: {  	v14 =	vld [tilespmem:s13+$0x17C00];
	[tilespmem:s21+$0x15410] =	vst v13;
	v6 =	vmul.f32 v6, v11  }
0x10e: {  	v13 =	vld [tilespmem:s13+$0x17C10];
	[tilespmem:s21+$0x15420] =	vst v7;
	v5 =	vmul.f32 v5, v10  }
0x10f: {  	v7 =	vld [tilespmem:s13+$0x17C20];
	[tilespmem:s21+$0x15430] =	vst v6;
	v4 =	vmul.f32 v4, v8  }
0x110: {  	v6 =	vld [tilespmem:s13+$0x17C30];
	[tilespmem:s21+$0x15440] =	vst v5;
	v3 =	vmul.f32 v3, v9  }
0x111: {  	v5 =	vld [tilespmem:s13+$0x17C40];
	[tilespmem:s21+$0x15450] =	vst v4;
	v2 =	vmul.f32 v2, v12  }
0x112: {  	v4 =	vld [tilespmem:s13+$0x17C50];
	[tilespmem:s21+$0x15460] =	vst v3  }
0x113: {  	v3 =	vld [tilespmem:s13+$0x17C60];
	[tilespmem:s21+$0x15470] =	vst v2;
	s21 =	smov.u32 s13  }
0x114: {  	v2 =	vld [tilespmem:s21+$0x17C70]  }
0x115: {  	v8 =	vld [tilespmem:s21+$0x15400]  }
0x116: {  	v9 =	vld [tilespmem:s21+$0x15410]  }
.Ltmp4:
0x117: {  	v12 =	vld [tilespmem:s21+$0x15420];
	(pc) =	sbr.rel @p0 .LBB2_7-.Ltmp4, $4  }
0x118: {  	v11 =	vld [tilespmem:s21+$0x15430]  }
0x119: {  	v10 =	vld [tilespmem:s21+$0x15440]  }
0x11a: {  	v14 =	vmul.f32 v14, v8;
	v8 =	vld [tilespmem:s21+$0x15450]  }
0x11b: {  	s24 =	sadd.s32 $0x200, s24;
	v13 =	vmul.f32 v13, v9;
	v9 =	vld [tilespmem:s21+$0x15460]  }
0x11c: {  	[tilespmem:s21+$0x15400] =	vst v14;
	v7 =	vmul.f32 v7, v12;
	v63 =	vld [tilespmem:s21+$0x15470]  }
0x11d: {  	[tilespmem:s21+$0x15410] =	vst v13;
	v6 =	vmul.f32 v6, v11  }
0x11e: {  	s20 =	sadd.s32 $0x1, s20;
	[tilespmem:s21+$0x15420] =	vst v7;
	v5 =	vmul.f32 v5, v10  }
0x11f: {  	p0 =	sne.s32 s20, $0x7D;
	[tilespmem:s21+$0x15430] =	vst v6;
	v4 =	vmul.f32 v4, v8  }
.Ltmp5:
0x120: {  	[tilespmem:s21+$0x15440] =	vst v5;
	v3 =	vmul.f32 v3, v9;
	(pc) =	sbr.rel @p0 .LBB2_4-.Ltmp5, $4  }
0x121: {  	[tilespmem:s21+$0x15450] =	vst v4;
	v2 =	vmul.f32 v2, v63  }
0x122: {  	[tilespmem:s21+$0x15460] =	vst v3  }
0x123: {  	[tilespmem:s21+$0x15470] =	vst v2  }
0x124: {  	[spmem:s2] =	stream.indirect.scatter.add.f32 [tilespmem:s9], [sflag:$0x3], $0x80, s7, s5, $0xb8;
	[tilespmem:$0x19200] =	vst v63  }
0x125: {  	_ =	swait.ge [sflag:s12], $0x1400  }
0x126: {  	[sflag:s12] =	ssyncset.done $0x0  }
0x127: {  	[sflag:s12] =	ssyncadd.s32 $0xFFFFEC00  }
0x128: {  	[bflag:$0x0] =	sbarrier.arrive $0xFFFF  }
0x129: {  	s13 =	stileid.u32;
	s20 =	rddreg [dreg:$0xe]  }
0x12a: {  	s13 =	sshll.u32 s13, $0x6;
	s21 =	rddreg [dreg:$0x4];
	s18 =	sshrl.u32 s20, $0x3  }
0x12b: {  	s14 =	sor.u32 $0x1C04, s13;
	[smem:$0x7F3] =	sst s18  }
0x12c: {  	[hbm:s21], [sflag:s14] =	dma.local [spmem:s18], $0x800  }
0x12d: {  	_ =	swait.ge [sflag:s29], $0x800  }
0x12e: {  	s24 =	rddreg [dreg:$0x12]  }
0x12f: {  	[sflag:s29] =	ssyncset.done $0x0;
	s26 =	rddreg [dreg:$0x5];
	s25 =	sshrl.u32 s24, $0x3  }
0x130: {  	[sflag:s29] =	ssyncadd.s32 $0xFFFFF800;
	[smem:$0x7F4] =	sst s25  }
0x131: {  	[hbm:s26], [sflag:s14] =	dma.local [spmem:s25], $0x800  }
0x132: {  	_ =	swait.ge [sflag:s29], $0x800  }
0x133: {  	[sflag:s29] =	ssyncset.done $0x0;
	s20 =	rddreg [dreg:$0x13]  }
0x134: {  	s21 =	rddreg [dreg:$0x6];
	[sflag:s29] =	ssyncadd.s32 $0xFFFFF800;
	s24 =	sshrl.u32 s20, $0x3  }
0x135: {  	[hbm:s21], [sflag:s14] =	dma.local [spmem:s24], $0x800  }
0x136: {  	_ =	swait.ge [sflag:s29], $0x800  }
0x137: {  	[sflag:s29] =	ssyncset.done $0x0;
	s25 =	rddreg [dreg:$0x14]  }
0x138: {  	s26 =	rddreg [dreg:$0x7];
	[sflag:s29] =	ssyncadd.s32 $0xFFFFF800;
	s25 =	sshrl.u32 s25, $0x3  }
0x139: {  	[hbm:s26], [sflag:s14] =	dma.local [spmem:s25], $0x800  }
0x13a: {  	_ =	swait.ge [sflag:s29], $0x800  }
0x13b: {  	[sflag:s29] =	ssyncset.done $0x0;
	s18 =	rddreg [dreg:$0x15]  }
0x13c: {  	s20 =	rddreg [dreg:$0x8];
	[sflag:s29] =	ssyncadd.s32 $0xFFFFF800;
	s26 =	sshrl.u32 s18, $0x3  }
0x13d: {  	[hbm:s20], [sflag:s14] =	dma.local [spmem:s26], $0x800  }
0x13e: {  	s18 =	simm.s32 $0x0;
	_ =	swait.ge [sflag:s29], $0x800  }
0x13f: {  	s21 =	sand.u32 $0x7E00, s18;
	[sflag:s29] =	ssyncset.done $0x0  }
0x140: {  	s20 =	sand.u32 $0x70, s18;
	s21 =	sshrl.u32 s21, $0x2;
	[sflag:s29] =	ssyncadd.s32 $0xFFFFF800  }
0x141: {  	s13 =	simm.s32 $0x40;
	s20 =	sor.u32 s20, s21;
	[bflag:$0x0] =	sbarrier.arrive $0xFFFF  }
.LBB2_10:
0x142: {  	p0 =	sne.s32 s13, $0x4FC0  }
0x143: {  	[tilespmem:s20+$0x14000] =	vst v0;
	s18 =	sadd.s32 $0x10, s18;
	s20 =	smov.u32 s13;
	s13 =	sadd.s32 $0x40, s13  }
.Ltmp6:
0x144: {  	(pc) =	sbr.rel @p0 .LBB2_10-.Ltmp6, $4  }
0x145: {  	_ = 	snop  }
0x146: {  	s20 =	sand.u32 $0x7E00, s20  }
0x147: {  	s21 =	sand.u32 $0x70, s18;
	s20 =	sshrl.u32 s20, $0x2  }
0x148: {  	s20 =	sor.u32 s21, s20  }
0x149: {  	[tilespmem:s20+$0x14000] =	vst v0;
	s13 =	rddreg [dreg:$0xe]  }
0x14a: {  	[spmem:s13] =	stream.linear.scatter [tilespmem:s28], [sflag:$0x4], $0x1400, $0x38;
	[tilespmem:$0x19200] =	vst v63  }
0x14b: {  	_ =	swait.ge [sflag:s29], $0x1400  }
0x14c: {  	[sflag:s29] =	ssyncset.done $0x0  }
0x14d: {  	s21 =	rddreg [dreg:$0x19];
	[sflag:s29] =	ssyncadd.s32 $0xFFFFEC00  }
0x14e: {  	[spmem:s21] =	stream.linear.scatter [tilespmem:s28], [sflag:$0x4], $0x1400, $0x38;
	[tilespmem:$0x19200] =	vst v63  }
0x14f: {  	_ =	swait.ge [sflag:s29], $0x1400  }
0x150: {  	[sflag:s29] =	ssyncset.done $0x0  }
0x151: {  	s18 =	rddreg [dreg:$0x1a];
	[sflag:s29] =	ssyncadd.s32 $0xFFFFEC00  }
0x152: {  	[spmem:s18] =	stream.linear.scatter [tilespmem:s28], [sflag:$0x4], $0x1400, $0x38;
	[tilespmem:$0x19200] =	vst v63  }
0x153: {  	_ =	swait.ge [sflag:s29], $0x1400  }
0x154: {  	[sflag:s29] =	ssyncset.done $0x0  }
0x155: {  	s20 =	rddreg [dreg:$0x1b];
	[sflag:s29] =	ssyncadd.s32 $0xFFFFEC00  }
0x156: {  	[spmem:s20] =	stream.linear.scatter [tilespmem:s28], [sflag:$0x4], $0x1400, $0x38;
	[tilespmem:$0x19200] =	vst v63  }
0x157: {  	_ =	swait.ge [sflag:s29], $0x1400  }
0x158: {  	[sflag:s29] =	ssyncset.done $0x0  }
0x159: {  	s21 =	rddreg [dreg:$0x1c];
	[sflag:s29] =	ssyncadd.s32 $0xFFFFEC00  }
0x15a: {  	[spmem:s21] =	stream.linear.scatter [tilespmem:s28], [sflag:$0x4], $0x1400, $0x38;
	[tilespmem:$0x19200] =	vst v63  }
0x15b: {  	_ =	swait.ge [sflag:s29], $0x1400  }
0x15c: {  	[sflag:s29] =	ssyncset.done $0x0  }
0x15d: {  	s18 =	rddreg [dreg:$0x1d];
	[sflag:s29] =	ssyncadd.s32 $0xFFFFEC00  }
0x15e: {  	[spmem:s18] =	stream.linear.scatter [tilespmem:s28], [sflag:$0x4], $0x1400, $0x38;
	[tilespmem:$0x19200] =	vst v63  }
0x15f: {  	_ =	swait.ge [sflag:s29], $0x1400  }
0x160: {  	[sflag:s29] =	ssyncset.done $0x0  }
0x161: {  	s20 =	rddreg [dreg:$0x1e];
	[sflag:s29] =	ssyncadd.s32 $0xFFFFEC00  }
0x162: {  	[spmem:s20] =	stream.linear.scatter [tilespmem:s28], [sflag:$0x4], $0x1400, $0x38;
	[tilespmem:$0x19200] =	vst v63  }
0x163: {  	_ =	swait.ge [sflag:s29], $0x1400  }
0x164: {  	[sflag:s29] =	ssyncset.done $0x0  }
0x165: {  	s21 =	rddreg [dreg:$0x1f];
	[sflag:s29] =	ssyncadd.s32 $0xFFFFEC00  }
0x166: {  	[spmem:s21] =	stream.linear.scatter [tilespmem:s28], [sflag:$0x4], $0x1400, $0x38;
	[tilespmem:$0x19200] =	vst v63  }
0x167: {  	_ =	swait.ge [sflag:s29], $0x1400  }
0x168: {  	s18 =	sld [smem:$0x7F6]  }
0x169: {  	[sflag:s29] =	ssyncset.done $0x0  }
0x16a: {  	[sflag:s29] =	ssyncadd.s32 $0xFFFFEC00  }
0x16b: {  	[spmem:s18] =	stream.linear.scatter [tilespmem:s28], [sflag:$0x4], $0x1400, $0x38;
	[tilespmem:$0x19200] =	vst v63  }
0x16c: {  	_ =	swait.ge [sflag:s29], $0x1400  }
0x16d: {  	s20 =	sld [smem:$0x7F7]  }
0x16e: {  	[sflag:s29] =	ssyncset.done $0x0  }
0x16f: {  	[sflag:s29] =	ssyncadd.s32 $0xFFFFEC00  }
0x170: {  	[spmem:s20] =	stream.linear.scatter [tilespmem:s28], [sflag:$0x4], $0x1400, $0x38;
	[tilespmem:$0x19200] =	vst v63  }
0x171: {  	_ =	swait.ge [sflag:s29], $0x1400  }
0x172: {  	s21 =	sld [smem:$0x7F8]  }
0x173: {  	[sflag:s29] =	ssyncset.done $0x0  }
0x174: {  	[sflag:s29] =	ssyncadd.s32 $0xFFFFEC00  }
0x175: {  	[spmem:s21] =	stream.linear.scatter [tilespmem:s28], [sflag:$0x4], $0x1400, $0x38;
	[tilespmem:$0x19200] =	vst v63  }
0x176: {  	_ =	swait.ge [sflag:s29], $0x1400  }
0x177: {  	s18 =	sld [smem:$0x7F9]  }
0x178: {  	[sflag:s29] =	ssyncset.done $0x0  }
0x179: {  	[sflag:s29] =	ssyncadd.s32 $0xFFFFEC00  }
0x17a: {  	[spmem:s18] =	stream.linear.scatter [tilespmem:s28], [sflag:$0x4], $0x1400, $0x38;
	[tilespmem:$0x19200] =	vst v63  }
0x17b: {  	_ =	swait.ge [sflag:s29], $0x1400  }
0x17c: {  	s20 =	sld [smem:$0x7FA]  }
0x17d: {  	[sflag:s29] =	ssyncset.done $0x0  }
0x17e: {  	[sflag:s29] =	ssyncadd.s32 $0xFFFFEC00  }
0x17f: {  	[spmem:s20] =	stream.linear.scatter [tilespmem:s28], [sflag:$0x4], $0x1400, $0x38;
	[tilespmem:$0x19200] =	vst v63  }
0x180: {  	_ =	swait.ge [sflag:s29], $0x1400  }
0x181: {  	s21 =	sld [smem:$0x7FB]  }
0x182: {  	[sflag:s29] =	ssyncset.done $0x0  }
0x183: {  	[sflag:s29] =	ssyncadd.s32 $0xFFFFEC00  }
0x184: {  	[spmem:s21] =	stream.linear.scatter [tilespmem:s28], [sflag:$0x4], $0x1400, $0x38;
	[tilespmem:$0x19200] =	vst v63  }
0x185: {  	_ =	swait.ge [sflag:s29], $0x1400  }
0x186: {  	s18 =	sld [smem:$0x7FC]  }
0x187: {  	[sflag:s29] =	ssyncset.done $0x0  }
0x188: {  	[sflag:s29] =	ssyncadd.s32 $0xFFFFEC00  }
0x189: {  	[spmem:s18] =	stream.linear.scatter [tilespmem:s28], [sflag:$0x4], $0x1400, $0x38;
	[tilespmem:$0x19200] =	vst v63  }
0x18a: {  	_ =	swait.ge [sflag:s29], $0x1400  }
0x18b: {  	s20 =	sld [smem:$0x7FD]  }
0x18c: {  	[sflag:s29] =	ssyncset.done $0x0  }
0x18d: {  	s18 =	simm.s32 $0x0;
	[sflag:s29] =	ssyncadd.s32 $0xFFFFEC00  }
0x18e: {  	[spmem:s20] =	stream.linear.scatter [tilespmem:s28], [sflag:$0x4], $0x1400, $0x38;
	[tilespmem:$0x19200] =	vst v63  }
0x18f: {  	s21 =	sand.u32 $0x7E00, s18;
	_ =	swait.ge [sflag:s29], $0x1400  }
0x190: {  	s21 =	sshrl.u32 s21, $0x2;
	s20 =	sand.u32 $0x70, s18;
	[sflag:s29] =	ssyncset.done $0x0  }
0x191: {  	s13 =	simm.s32 $0x40;
	s20 =	sor.u32 s20, s21;
	[sflag:s29] =	ssyncadd.s32 $0xFFFFEC00  }
.LBB2_12:
0x192: {  	p0 =	sne.s32 s13, $0x4FC0  }
0x193: {  	[tilespmem:s20+$0x14000] =	vst v1;
	s18 =	sadd.s32 $0x10, s18;
	s20 =	smov.u32 s13;
	s13 =	sadd.s32 $0x40, s13  }
.Ltmp7:
0x194: {  	(pc) =	sbr.rel @p0 .LBB2_12-.Ltmp7, $4  }
0x195: {  	_ = 	snop  }
0x196: {  	s20 =	sand.u32 $0x7E00, s20  }
0x197: {  	s21 =	sand.u32 $0x70, s18;
	s20 =	sshrl.u32 s20, $0x2  }
0x198: {  	s20 =	sor.u32 s21, s20  }
0x199: {  	[tilespmem:s20+$0x14000] =	vst v1  }
0x19a: {  	[bflag:$0x0] =	sbarrier.arrive $0xFFFF  }
0x19b: {  	s18 =	simm.s32 $0x0;
	s21 =	rddreg [dreg:$0xf]  }
0x19c: {  	[tilespmem:s30], [sflag:$0x1] =	stream.linear.gather [hbm4b:s21+s18], $0x28, $0x38;
	[tilespmem:$0x19200] =	vst v63  }
0x19d: {  	_ =	swait.ge [sflag:s19], $0x28  }
0x19e: {  	[sflag:s19] =	ssyncset.done $0x0  }
0x19f: {  	s13 =	rddreg [dreg:$0x17];
	[sflag:s19] =	ssyncadd.s32 $0xFFFFFFD8  }
0x1a0: {  	[tilespmem:s7], [sflag:$0x1] =	stream.linear.gather [hbm4b:s13+s18], $0x28, $0x38;
	[tilespmem:$0x19200] =	vst v63  }
0x1a1: {  	_ = 	snop  }
0x1a2: {  	[spmem:s2] =	stream.indirect.scatter.add.f32 [tilespmem:s28], [sflag:$0x3], $0x80, s30, s5, $0xb8;
	[tilespmem:$0x19200] =	vst v63  }
0x1a3: {  	_ =	swait.ge [sflag:s19], $0x28  }
0x1a4: {  	[sflag:s19] =	ssyncset.done $0x0  }
0x1a5: {  	[sflag:s19] =	ssyncadd.s32 $0xFFFFFFD8  }
0x1a6: {  	_ =	swait.ge [sflag:s12], $0x1400  }
0x1a7: {  	[sflag:s12] =	ssyncset.done $0x0  }
0x1a8: {  	s20 =	rddreg [dreg:$0x18];
	[sflag:s12] =	ssyncadd.s32 $0xFFFFEC00  }
0x1a9: {  	[tilespmem:s30], [sflag:$0x1] =	stream.linear.gather [hbm4b:s20+s18], $0x28, $0x38;
	[tilespmem:$0x19200] =	vst v63  }
0x1aa: {  	_ = 	snop  }
0x1ab: {  	[spmem:s2] =	stream.indirect.scatter.add.f32 [tilespmem:s28], [sflag:$0x3], $0x80, s7, s5, $0xb8;
	[tilespmem:$0x19200] =	vst v63  }
.LBB2_14:
0x1ac: {  	_ =	swait.ge [sflag:s19], $0x28  }
0x1ad: {  	[sflag:s19] =	ssyncset.done $0x0  }
0x1ae: {  	[sflag:s19] =	ssyncadd.s32 $0xFFFFFFD8  }
0x1af: {  	_ =	swait.ge [sflag:s12], $0x1400  }
0x1b0: {  	[sflag:s12] =	ssyncset.done $0x0  }
0x1b1: {  	s13 =	sadd.s32 s18, s3;
	[sflag:s12] =	ssyncadd.s32 $0xFFFFEC00  }
0x1b2: {  	[tilespmem:s7], [sflag:$0x1] =	stream.linear.gather [hbm4b:s13+s4], $0x28, $0x38;
	[tilespmem:$0x19200] =	vst v63  }
0x1b3: {  	_ = 	snop  }
0x1b4: {  	[spmem:s2] =	stream.indirect.scatter.add.f32 [tilespmem:s28], [sflag:$0x3], $0x80, s30, s5, $0xb8;
	[tilespmem:$0x19200] =	vst v63  }
0x1b5: {  	p0 =	seq.s32 s18, $0x4CE;
	_ =	swait.ge [sflag:s19], $0x28  }
.Ltmp8:
0x1b6: {  	[sflag:s19] =	ssyncset.done $0x0;
	(pc) =	sbr.rel @p0 .LBB2_16-.Ltmp8, $4  }
0x1b7: {  	[sflag:s19] =	ssyncadd.s32 $0xFFFFFFD8  }
0x1b8: {  	_ =	swait.ge [sflag:s12], $0x1400  }
0x1b9: {  	[sflag:s12] =	ssyncset.done $0x0  }
0x1ba: {  	[sflag:s12] =	ssyncadd.s32 $0xFFFFEC00  }
.Ltmp9:
0x1bb: {  	(pc) =	sbr.rel .LBB2_14-.Ltmp9, $4  }
0x1bc: {  	s13 =	sadd.s32 s18, s0  }
0x1bd: {  	[tilespmem:s30], [sflag:$0x1] =	stream.linear.gather [hbm4b:s13+s4], $0x28, $0x38;
	[tilespmem:$0x19200] =	vst v63  }
0x1be: {  	s18 =	sadd.s32 $0xA, s18  }
0x1bf: {  	[spmem:s2] =	stream.indirect.scatter.add.f32 [tilespmem:s28], [sflag:$0x3], $0x80, s7, s5, $0xb8;
	[tilespmem:$0x19200] =	vst v63  }
.LBB2_17:
0x1c0: {  	_ =	sfence.sel $0x180000  }
0x1c1: {  	[bflag:$0x0] =	sbarrier.arrive $0xFFFF  }
0x1c2: {  	_ =	strace $0x90000047  }
0x1c3: {  	s0 =	stileid.u32;
	[bflag:$0x2] =	sbarrier.arrive $0xFFFF  }
0x1c4: {  	p0 =	sne.s32 s0, $0x0;
	s0 =	rddreg [dreg:$0x3]  }
0x1c5: {  	s0 =	sadd.s32 @!p0 $0x100000, s0  }
0x1c6: {  	[sflag:s0] =	ssyncadd.tile.s32 @!p0 $0x1;
	_ =	shalt  }
.Lfunc_end2:
_tile_overlayer_lowered:
.L_overlay_start_2:
0x1c7: {  	(tag) =	ssettag $0x2  }
0x1c8: {  	s0 =	rddreg [dreg:$0x0];
	s2 =	stileid.u32  }
0x1c9: {  	s1 =	rddreg [dreg:$0x1];
	p0 =	sne.s32 s2, $0x0  }
0x1ca: {  	s3 =	rddreg [dreg:$0x2];
	[bflag:$0x3] =	sbarrier.arrive $0xFFFF;
	s2 =	simm.s32 @!p0 $0x1C04  }
0x1cb: {  	[timem:s3], [sflag:s2] =	dma.local @!p0 [hbm:s0], s1  }
0x1cc: {  	s0 =	simm.s32 @!p0 $0x4  }
0x1cd: {  	_ =	swait.ge @!p0 [sflag:s0], s1  }
0x1ce: {  	s1 =	ssub.s32 @!p0 $0x0, s1;
	[sflag:s0] =	ssyncset.done @!p0 $0x0  }
0x1cf: {  	[sflag:s0] =	ssyncadd.s32 @!p0 s1  }
0x1d0: {  	[bflag:$0x3] =	sbarrier.arrive $0xFFFF  }
0x1d1: {  	_ =	shalt  }

</sc_bundles>
